<compile_context>
chip_gen: v7x
topology: tpu7x:2x2x1
jax: 0.10.2.dev20260603
libtpu: 0.0.44.dev20260713+nightly
codegen_flags: <defaults>
</compile_context>

<pallas_src>
import functools

import jax
import jax.numpy as jnp
from jax import lax
from jax.experimental import pallas as pl
from jax.experimental.pallas import tpu as pltpu
from jax.experimental.pallas import tpu_sc as plsc

B, S, D = 4, 2048, 1024
NUM_CORES = 2
NUM_SUBCORES = 16
NW = NUM_CORES * NUM_SUBCORES
POS_PER_W = S // NW
R = 8
NLB = POS_PER_W // R
NG = 3


def _build():
  mesh = plsc.VectorSubcoreMesh(
      core_axis_name="c", subcore_axis_name="s",
      num_cores=NUM_CORES, num_subcores=NUM_SUBCORES)

  scratch = (
      [pltpu.VMEM((R, D), jnp.float32) for _ in range(NG * B)]
      + [pltpu.VMEM((R, D), jnp.float32) for _ in range(2)]
      + [pltpu.SemaphoreType.DMA for _ in range(2 * NG * B + 2)]
  )

  @functools.partial(
      pl.kernel,
      out_type=jax.ShapeDtypeStruct((B, S, D), jnp.float32),
      mesh=mesh,
      scratch_types=scratch,
  )
  def sc_add(x_hbm, lut_hbm, out_hbm, *scr):
    xbuf = scr[:NG * B]
    lbuf = scr[NG * B:NG * B + 2]
    sem_ld = scr[NG * B + 2:2 * NG * B + 2]
    sem_st = scr[2 * NG * B + 2:3 * NG * B + 2]
    sem_lut = scr[3 * NG * B + 2:]

    w = lax.axis_index("s") * NUM_CORES + lax.axis_index("c")
    pos0 = w * POS_PER_W

    loads, lloads, stores = {}, {}, {}
    waited = set()

    def issue_loads(lb):
      g = lb % NG
      loads[lb] = [
          pltpu.async_copy(x_hbm.at[b, pl.ds(pos0 + lb * R, R), :],
                           xbuf[g * B + b], sem_ld[g * B + b])
          for b in range(B)]

    def issue_lut(lb):
      lloads[lb] = pltpu.async_copy(
          lut_hbm.at[pl.ds(pos0 + lb * R, R), :], lbuf[lb % 2],
          sem_lut[lb % 2])

    issue_lut(0)
    issue_lut(1)
    issue_loads(0)
    issue_loads(1)

    for lb in range(NLB):
      g = lb % NG
      lloads[lb].wait()
      for c in loads[lb]:
        c.wait()
      lbf = lbuf[lb % 2]
      xbs = [xbuf[g * B + b] for b in range(B)]

      @plsc.parallel_loop(0, R * D, 16, unroll=4)
      def add_body(i):
        row = i >> 10
        col = pl.multiple_of(i & (D - 1), 16)
        v = lbf[row, pl.ds(col, 16)]
        for xb in xbs:
          plsc.addupdate(xb.at[row, pl.ds(col, 16)], v)

      stores[lb] = [
          pltpu.async_copy(xbs[b], out_hbm.at[b, pl.ds(pos0 + lb * R, R), :],
                           sem_st[g * B + b])
          for b in range(B)]

      nb = lb + 2
      if nb < NLB:
        if nb - NG >= 0:
          for c in stores[nb - NG]:
            c.wait()
          waited.add(nb - NG)
        issue_loads(nb)
        issue_lut(nb)

    for lb in range(NLB):
      if lb not in waited:
        for c in stores[lb]:
          c.wait()

  return sc_add


_sc_add = _build()


@jax.jit
def kernel(x, lut):
  return _sc_add(x, lut)

# --- scband reference (transcript-rebuilt; emitter-appended) ---
"""Pipeline reference for scband-positional-embedding-18451179503868 (READ-ONLY COPY).

The authoritative reference and input builder live on the scoring server;
editing this copy changes nothing except your own understanding.
"""

import jax, jax.numpy as jnp
import numpy as np

D_MODEL = 1024
MAX_LEN = 2048
BATCH = 4

def setup_inputs(seed: int = 0) -> dict:
    key = jax.random.key(seed)
    k_x, k_lut = jax.random.split(key)
    x = jax.random.normal(k_x, (BATCH, MAX_LEN, D_MODEL), dtype=jnp.float32)
    # learned positional embedding table (nn.Embedding weight), default init ~ N(0,1)
    lut = jax.random.normal(k_lut, (MAX_LEN, D_MODEL), dtype=jnp.float32)
    return {"x": x, "lut": lut}

def reference(x, lut):
    # forward: x = x + lut(arange(max_len))
    pos = jnp.arange(MAX_LEN)
    pos_emb = jnp.take(lut, pos, axis=0)  # [max_len, d_model]
    return x + pos_emb  # broadcast over batch

if __name__ == "__main__":
    import jax
    _d = setup_inputs()
    print(jax.jit(kernel)(*tuple(_d.values())))

</pallas_src>

<mosaic_0001>
#map = affine_map<(d0, d1) -> (0, 0, 0)>
#map1 = affine_map<(d0, d1) -> (0, 0)>
module attributes {stable_mosaic.version = 14 : i64} {
  func.func @sc_add(%arg0: i32, %arg1: i32, %arg2: memref<4x2048x1024xf32, #tpu.memory_space<hbm>>, %arg3: memref<2048x1024xf32, #tpu.memory_space<hbm>>, %arg4: memref<4x2048x1024xf32, #tpu.memory_space<hbm>>, %arg5: memref<8x1024xf32, #tpu.memory_space<vmem>>, %arg6: memref<8x1024xf32, #tpu.memory_space<vmem>>, %arg7: memref<8x1024xf32, #tpu.memory_space<vmem>>, %arg8: memref<8x1024xf32, #tpu.memory_space<vmem>>, %arg9: memref<8x1024xf32, #tpu.memory_space<vmem>>, %arg10: memref<8x1024xf32, #tpu.memory_space<vmem>>, %arg11: memref<8x1024xf32, #tpu.memory_space<vmem>>, %arg12: memref<8x1024xf32, #tpu.memory_space<vmem>>, %arg13: memref<8x1024xf32, #tpu.memory_space<vmem>>, %arg14: memref<8x1024xf32, #tpu.memory_space<vmem>>, %arg15: memref<8x1024xf32, #tpu.memory_space<vmem>>, %arg16: memref<8x1024xf32, #tpu.memory_space<vmem>>, %arg17: memref<8x1024xf32, #tpu.memory_space<vmem>>, %arg18: memref<8x1024xf32, #tpu.memory_space<vmem>>, %arg19: memref<!tpu.dma_semaphore, #tpu.memory_space<semaphore_mem>>, %arg20: memref<!tpu.dma_semaphore, #tpu.memory_space<semaphore_mem>>, %arg21: memref<!tpu.dma_semaphore, #tpu.memory_space<semaphore_mem>>, %arg22: memref<!tpu.dma_semaphore, #tpu.memory_space<semaphore_mem>>, %arg23: memref<!tpu.dma_semaphore, #tpu.memory_space<semaphore_mem>>, %arg24: memref<!tpu.dma_semaphore, #tpu.memory_space<semaphore_mem>>, %arg25: memref<!tpu.dma_semaphore, #tpu.memory_space<semaphore_mem>>, %arg26: memref<!tpu.dma_semaphore, #tpu.memory_space<semaphore_mem>>, %arg27: memref<!tpu.dma_semaphore, #tpu.memory_space<semaphore_mem>>, %arg28: memref<!tpu.dma_semaphore, #tpu.memory_space<semaphore_mem>>, %arg29: memref<!tpu.dma_semaphore, #tpu.memory_space<semaphore_mem>>, %arg30: memref<!tpu.dma_semaphore, #tpu.memory_space<semaphore_mem>>, %arg31: memref<!tpu.dma_semaphore, #tpu.memory_space<semaphore_mem>>, %arg32: memref<!tpu.dma_semaphore, #tpu.memory_space<semaphore_mem>>, %arg33: memref<!tpu.dma_semaphore, #tpu.memory_space<semaphore_mem>>, %arg34: memref<!tpu.dma_semaphore, #tpu.memory_space<semaphore_mem>>, %arg35: memref<!tpu.dma_semaphore, #tpu.memory_space<semaphore_mem>>, %arg36: memref<!tpu.dma_semaphore, #tpu.memory_space<semaphore_mem>>, %arg37: memref<!tpu.dma_semaphore, #tpu.memory_space<semaphore_mem>>, %arg38: memref<!tpu.dma_semaphore, #tpu.memory_space<semaphore_mem>>, %arg39: memref<!tpu.dma_semaphore, #tpu.memory_space<semaphore_mem>>, %arg40: memref<!tpu.dma_semaphore, #tpu.memory_space<semaphore_mem>>, %arg41: memref<!tpu.dma_semaphore, #tpu.memory_space<semaphore_mem>>, %arg42: memref<!tpu.dma_semaphore, #tpu.memory_space<semaphore_mem>>, %arg43: memref<!tpu.dma_semaphore, #tpu.memory_space<semaphore_mem>>, %arg44: memref<!tpu.dma_semaphore, #tpu.memory_space<semaphore_mem>>) attributes {dimension_semantics = [#tpu.dimension_semantics<core_parallel>, #tpu.dimension_semantics<subcore_parallel>], iteration_bounds = array<i64: 2, 16>, scalar_prefetch = 0 : i64, scratch_operands = 40 : i64, tpu.core_type = #tpu.core_type<sc_vector_subcore>, window_params = [{transform_indices = #map}, {transform_indices = #map1}, {transform_indices = #map}]} {
    %mul3A = arith.constant 2 : i32
    %mul3A_0 = arith.muli %arg1, %mul3A : i32
    %add3A = arith.addi %mul3A_0, %arg0 : i32
    %mul3A_1 = arith.constant 64 : i32
    %mul3A_2 = arith.muli %add3A, %mul3A_1 : i32
    %add3A_3 = arith.constant 0 : i32
    %add3A_4 = arith.addi %mul3A_2, %add3A_3 : i32
    %dma_start3A = arith.constant 0 : i32
    %dma_start3A_5 = tpu.memref_slice %arg3[%add3A_4, %dma_start3A] : memref<2048x1024xf32, #tpu.memory_space<hbm>> -> memref<8x1024xf32, #tpu.memory_space<hbm>>
    %dma_start3A_6 = arith.constant 0 : i32
    %dma_start3A_7 = tpu.memref_slice %arg3[%add3A_4, %dma_start3A_6] : memref<2048x1024xf32, #tpu.memory_space<hbm>> -> memref<8x1024xf32, #tpu.memory_space<hbm>>
    tpu.enqueue_dma source(%dma_start3A_7 : memref<8x1024xf32, #tpu.memory_space<hbm>>) target(%arg17 : memref<8x1024xf32, #tpu.memory_space<vmem>>) target_semaphore(%arg43 : memref<!tpu.dma_semaphore, #tpu.memory_space<semaphore_mem>>)
    %add3A_8 = arith.constant 8 : i32
    %add3A_9 = arith.addi %mul3A_2, %add3A_8 : i32
    %dma_start3A_10 = arith.constant 0 : i32
    %dma_start3A_11 = tpu.memref_slice %arg3[%add3A_9, %dma_start3A_10] : memref<2048x1024xf32, #tpu.memory_space<hbm>> -> memref<8x1024xf32, #tpu.memory_space<hbm>>
    %dma_start3A_12 = arith.constant 0 : i32
    %dma_start3A_13 = tpu.memref_slice %arg3[%add3A_9, %dma_start3A_12] : memref<2048x1024xf32, #tpu.memory_space<hbm>> -> memref<8x1024xf32, #tpu.memory_space<hbm>>
    tpu.enqueue_dma source(%dma_start3A_13 : memref<8x1024xf32, #tpu.memory_space<hbm>>) target(%arg18 : memref<8x1024xf32, #tpu.memory_space<vmem>>) target_semaphore(%arg44 : memref<!tpu.dma_semaphore, #tpu.memory_space<semaphore_mem>>)
    %add3A_14 = arith.constant 0 : i32
    %add3A_15 = arith.addi %mul3A_2, %add3A_14 : i32
    %dma_start3A_16 = arith.constant 0 : i32
    %dma_start3A_17 = arith.constant 0 : i32
    %dma_start3A_18 = tpu.memref_slice %arg2[%dma_start3A_16, %add3A_15, %dma_start3A_17] : memref<4x2048x1024xf32, #tpu.memory_space<hbm>> -> memref<1x8x1024xf32, #tpu.memory_space<hbm>>
    %dma_start3A_19 = tpu.memref_squeeze %dma_start3A_18 : memref<1x8x1024xf32, #tpu.memory_space<hbm>> -> memref<8x1024xf32, #tpu.memory_space<hbm>>
    %dma_start3A_20 = arith.constant 0 : i32
    %dma_start3A_21 = tpu.memref_slice %arg2[%dma_start3A_16, %add3A_15, %dma_start3A_20] : memref<4x2048x1024xf32, #tpu.memory_space<hbm>> -> memref<1x8x1024xf32, #tpu.memory_space<hbm>>
    %dma_start3A_22 = tpu.memref_squeeze %dma_start3A_21 : memref<1x8x1024xf32, #tpu.memory_space<hbm>> -> memref<8x1024xf32, #tpu.memory_space<hbm>>
    tpu.enqueue_dma source(%dma_start3A_22 : memref<8x1024xf32, #tpu.memory_space<hbm>>) target(%arg5 : memref<8x1024xf32, #tpu.memory_space<vmem>>) target_semaphore(%arg19 : memref<!tpu.dma_semaphore, #tpu.memory_space<semaphore_mem>>)
    %add3A_23 = arith.constant 0 : i32
    %add3A_24 = arith.addi %mul3A_2, %add3A_23 : i32
    %dma_start3A_25 = arith.constant 1 : i32
    %dma_start3A_26 = arith.constant 0 : i32
    %dma_start3A_27 = tpu.memref_slice %arg2[%dma_start3A_25, %add3A_24, %dma_start3A_26] : memref<4x2048x1024xf32, #tpu.memory_space<hbm>> -> memref<1x8x1024xf32, #tpu.memory_space<hbm>>
    %dma_start3A_28 = tpu.memref_squeeze %dma_start3A_27 : memref<1x8x1024xf32, #tpu.memory_space<hbm>> -> memref<8x1024xf32, #tpu.memory_space<hbm>>
    %dma_start3A_29 = arith.constant 0 : i32
    %dma_start3A_30 = tpu.memref_slice %arg2[%dma_start3A_25, %add3A_24, %dma_start3A_29] : memref<4x2048x1024xf32, #tpu.memory_space<hbm>> -> memref<1x8x1024xf32, #tpu.memory_space<hbm>>
    %dma_start3A_31 = tpu.memref_squeeze %dma_start3A_30 : memref<1x8x1024xf32, #tpu.memory_space<hbm>> -> memref<8x1024xf32, #tpu.memory_space<hbm>>
    tpu.enqueue_dma source(%dma_start3A_31 : memref<8x1024xf32, #tpu.memory_space<hbm>>) target(%arg6 : memref<8x1024xf32, #tpu.memory_space<vmem>>) target_semaphore(%arg20 : memref<!tpu.dma_semaphore, #tpu.memory_space<semaphore_mem>>)
    %add3A_32 = arith.constant 0 : i32
    %add3A_33 = arith.addi %mul3A_2, %add3A_32 : i32
    %dma_start3A_34 = arith.constant 2 : i32
    %dma_start3A_35 = arith.constant 0 : i32
    %dma_start3A_36 = tpu.memref_slice %arg2[%dma_start3A_34, %add3A_33, %dma_start3A_35] : memref<4x2048x1024xf32, #tpu.memory_space<hbm>> -> memref<1x8x1024xf32, #tpu.memory_space<hbm>>
    %dma_start3A_37 = tpu.memref_squeeze %dma_start3A_36 : memref<1x8x1024xf32, #tpu.memory_space<hbm>> -> memref<8x1024xf32, #tpu.memory_space<hbm>>
    %dma_start3A_38 = arith.constant 0 : i32
    %dma_start3A_39 = tpu.memref_slice %arg2[%dma_start3A_34, %add3A_33, %dma_start3A_38] : memref<4x2048x1024xf32, #tpu.memory_space<hbm>> -> memref<1x8x1024xf32, #tpu.memory_space<hbm>>
    %dma_start3A_40 = tpu.memref_squeeze %dma_start3A_39 : memref<1x8x1024xf32, #tpu.memory_space<hbm>> -> memref<8x1024xf32, #tpu.memory_space<hbm>>
    tpu.enqueue_dma source(%dma_start3A_40 : memref<8x1024xf32, #tpu.memory_space<hbm>>) target(%arg7 : memref<8x1024xf32, #tpu.memory_space<vmem>>) target_semaphore(%arg21 : memref<!tpu.dma_semaphore, #tpu.memory_space<semaphore_mem>>)
    %add3A_41 = arith.constant 0 : i32
    %add3A_42 = arith.addi %mul3A_2, %add3A_41 : i32
    %dma_start3A_43 = arith.constant 3 : i32
    %dma_start3A_44 = arith.constant 0 : i32
    %dma_start3A_45 = tpu.memref_slice %arg2[%dma_start3A_43, %add3A_42, %dma_start3A_44] : memref<4x2048x1024xf32, #tpu.memory_space<hbm>> -> memref<1x8x1024xf32, #tpu.memory_space<hbm>>
    %dma_start3A_46 = tpu.memref_squeeze %dma_start3A_45 : memref<1x8x1024xf32, #tpu.memory_space<hbm>> -> memref<8x1024xf32, #tpu.memory_space<hbm>>
    %dma_start3A_47 = arith.constant 0 : i32
    %dma_start3A_48 = tpu.memref_slice %arg2[%dma_start3A_43, %add3A_42, %dma_start3A_47] : memref<4x2048x1024xf32, #tpu.memory_space<hbm>> -> memref<1x8x1024xf32, #tpu.memory_space<hbm>>
    %dma_start3A_49 = tpu.memref_squeeze %dma_start3A_48 : memref<1x8x1024xf32, #tpu.memory_space<hbm>> -> memref<8x1024xf32, #tpu.memory_space<hbm>>
    tpu.enqueue_dma source(%dma_start3A_49 : memref<8x1024xf32, #tpu.memory_space<hbm>>) target(%arg8 : memref<8x1024xf32, #tpu.memory_space<vmem>>) target_semaphore(%arg22 : memref<!tpu.dma_semaphore, #tpu.memory_space<semaphore_mem>>)
    %add3A_50 = arith.constant 8 : i32
    %add3A_51 = arith.addi %mul3A_2, %add3A_50 : i32
    %dma_start3A_52 = arith.constant 0 : i32
    %dma_start3A_53 = arith.constant 0 : i32
    %dma_start3A_54 = tpu.memref_slice %arg2[%dma_start3A_52, %add3A_51, %dma_start3A_53] : memref<4x2048x1024xf32, #tpu.memory_space<hbm>> -> memref<1x8x1024xf32, #tpu.memory_space<hbm>>
    %dma_start3A_55 = tpu.memref_squeeze %dma_start3A_54 : memref<1x8x1024xf32, #tpu.memory_space<hbm>> -> memref<8x1024xf32, #tpu.memory_space<hbm>>
    %dma_start3A_56 = arith.constant 0 : i32
    %dma_start3A_57 = tpu.memref_slice %arg2[%dma_start3A_52, %add3A_51, %dma_start3A_56] : memref<4x2048x1024xf32, #tpu.memory_space<hbm>> -> memref<1x8x1024xf32, #tpu.memory_space<hbm>>
    %dma_start3A_58 = tpu.memref_squeeze %dma_start3A_57 : memref<1x8x1024xf32, #tpu.memory_space<hbm>> -> memref<8x1024xf32, #tpu.memory_space<hbm>>
    tpu.enqueue_dma source(%dma_start3A_58 : memref<8x1024xf32, #tpu.memory_space<hbm>>) target(%arg9 : memref<8x1024xf32, #tpu.memory_space<vmem>>) target_semaphore(%arg23 : memref<!tpu.dma_semaphore, #tpu.memory_space<semaphore_mem>>)
    %add3A_59 = arith.constant 8 : i32
    %add3A_60 = arith.addi %mul3A_2, %add3A_59 : i32
    %dma_start3A_61 = arith.constant 1 : i32
    %dma_start3A_62 = arith.constant 0 : i32
    %dma_start3A_63 = tpu.memref_slice %arg2[%dma_start3A_61, %add3A_60, %dma_start3A_62] : memref<4x2048x1024xf32, #tpu.memory_space<hbm>> -> memref<1x8x1024xf32, #tpu.memory_space<hbm>>
    %dma_start3A_64 = tpu.memref_squeeze %dma_start3A_63 : memref<1x8x1024xf32, #tpu.memory_space<hbm>> -> memref<8x1024xf32, #tpu.memory_space<hbm>>
    %dma_start3A_65 = arith.constant 0 : i32
    %dma_start3A_66 = tpu.memref_slice %arg2[%dma_start3A_61, %add3A_60, %dma_start3A_65] : memref<4x2048x1024xf32, #tpu.memory_space<hbm>> -> memref<1x8x1024xf32, #tpu.memory_space<hbm>>
    %dma_start3A_67 = tpu.memref_squeeze %dma_start3A_66 : memref<1x8x1024xf32, #tpu.memory_space<hbm>> -> memref<8x1024xf32, #tpu.memory_space<hbm>>
    tpu.enqueue_dma source(%dma_start3A_67 : memref<8x1024xf32, #tpu.memory_space<hbm>>) target(%arg10 : memref<8x1024xf32, #tpu.memory_space<vmem>>) target_semaphore(%arg24 : memref<!tpu.dma_semaphore, #tpu.memory_space<semaphore_mem>>)
    %add3A_68 = arith.constant 8 : i32
    %add3A_69 = arith.addi %mul3A_2, %add3A_68 : i32
    %dma_start3A_70 = arith.constant 2 : i32
    %dma_start3A_71 = arith.constant 0 : i32
    %dma_start3A_72 = tpu.memref_slice %arg2[%dma_start3A_70, %add3A_69, %dma_start3A_71] : memref<4x2048x1024xf32, #tpu.memory_space<hbm>> -> memref<1x8x1024xf32, #tpu.memory_space<hbm>>
    %dma_start3A_73 = tpu.memref_squeeze %dma_start3A_72 : memref<1x8x1024xf32, #tpu.memory_space<hbm>> -> memref<8x1024xf32, #tpu.memory_space<hbm>>
    %dma_start3A_74 = arith.constant 0 : i32
    %dma_start3A_75 = tpu.memref_slice %arg2[%dma_start3A_70, %add3A_69, %dma_start3A_74] : memref<4x2048x1024xf32, #tpu.memory_space<hbm>> -> memref<1x8x1024xf32, #tpu.memory_space<hbm>>
    %dma_start3A_76 = tpu.memref_squeeze %dma_start3A_75 : memref<1x8x1024xf32, #tpu.memory_space<hbm>> -> memref<8x1024xf32, #tpu.memory_space<hbm>>
    tpu.enqueue_dma source(%dma_start3A_76 : memref<8x1024xf32, #tpu.memory_space<hbm>>) target(%arg11 : memref<8x1024xf32, #tpu.memory_space<vmem>>) target_semaphore(%arg25 : memref<!tpu.dma_semaphore, #tpu.memory_space<semaphore_mem>>)
    %add3A_77 = arith.constant 8 : i32
    %add3A_78 = arith.addi %mul3A_2, %add3A_77 : i32
    %dma_start3A_79 = arith.constant 3 : i32
    %dma_start3A_80 = arith.constant 0 : i32
    %dma_start3A_81 = tpu.memref_slice %arg2[%dma_start3A_79, %add3A_78, %dma_start3A_80] : memref<4x2048x1024xf32, #tpu.memory_space<hbm>> -> memref<1x8x1024xf32, #tpu.memory_space<hbm>>
    %dma_start3A_82 = tpu.memref_squeeze %dma_start3A_81 : memref<1x8x1024xf32, #tpu.memory_space<hbm>> -> memref<8x1024xf32, #tpu.memory_space<hbm>>
    %dma_start3A_83 = arith.constant 0 : i32
    %dma_start3A_84 = tpu.memref_slice %arg2[%dma_start3A_79, %add3A_78, %dma_start3A_83] : memref<4x2048x1024xf32, #tpu.memory_space<hbm>> -> memref<1x8x1024xf32, #tpu.memory_space<hbm>>
    %dma_start3A_85 = tpu.memref_squeeze %dma_start3A_84 : memref<1x8x1024xf32, #tpu.memory_space<hbm>> -> memref<8x1024xf32, #tpu.memory_space<hbm>>
    tpu.enqueue_dma source(%dma_start3A_85 : memref<8x1024xf32, #tpu.memory_space<hbm>>) target(%arg12 : memref<8x1024xf32, #tpu.memory_space<vmem>>) target_semaphore(%arg26 : memref<!tpu.dma_semaphore, #tpu.memory_space<semaphore_mem>>)
    %dma_wait3A = arith.constant 0 : i32
    %dma_wait3A_86 = tpu.memref_slice %arg3[%add3A_4, %dma_wait3A] : memref<2048x1024xf32, #tpu.memory_space<hbm>> -> memref<8x1024xf32, #tpu.memory_space<hbm>>
    %dma_wait3A_87 = arith.constant 0 : i32
    %dma_wait3A_88 = tpu.memref_slice %arg3[%add3A_4, %dma_wait3A_87] : memref<2048x1024xf32, #tpu.memory_space<hbm>> -> memref<8x1024xf32, #tpu.memory_space<hbm>>
    tpu.wait_dma2 semaphore(%arg43 : memref<!tpu.dma_semaphore, #tpu.memory_space<semaphore_mem>>) src(%dma_wait3A_88 : memref<8x1024xf32, #tpu.memory_space<hbm>>) dst(%arg17 : memref<8x1024xf32, #tpu.memory_space<vmem>>)
    %dma_wait3A_89 = arith.constant 0 : i32
    %dma_wait3A_90 = arith.constant 0 : i32
    %dma_wait3A_91 = tpu.memref_slice %arg2[%dma_wait3A_89, %add3A_15, %dma_wait3A_90] : memref<4x2048x1024xf32, #tpu.memory_space<hbm>> -> memref<1x8x1024xf32, #tpu.memory_space<hbm>>
    %dma_wait3A_92 = tpu.memref_squeeze %dma_wait3A_91 : memref<1x8x1024xf32, #tpu.memory_space<hbm>> -> memref<8x1024xf32, #tpu.memory_space<hbm>>
    %dma_wait3A_93 = arith.constant 0 : i32
    %dma_wait3A_94 = tpu.memref_slice %arg2[%dma_wait3A_89, %add3A_15, %dma_wait3A_93] : memref<4x2048x1024xf32, #tpu.memory_space<hbm>> -> memref<1x8x1024xf32, #tpu.memory_space<hbm>>
    %dma_wait3A_95 = tpu.memref_squeeze %dma_wait3A_94 : memref<1x8x1024xf32, #tpu.memory_space<hbm>> -> memref<8x1024xf32, #tpu.memory_space<hbm>>
    tpu.wait_dma2 semaphore(%arg19 : memref<!tpu.dma_semaphore, #tpu.memory_space<semaphore_mem>>) src(%dma_wait3A_95 : memref<8x1024xf32, #tpu.memory_space<hbm>>) dst(%arg5 : memref<8x1024xf32, #tpu.memory_space<vmem>>)
    %dma_wait3A_96 = arith.constant 1 : i32
    %dma_wait3A_97 = arith.constant 0 : i32
    %dma_wait3A_98 = tpu.memref_slice %arg2[%dma_wait3A_96, %add3A_24, %dma_wait3A_97] : memref<4x2048x1024xf32, #tpu.memory_space<hbm>> -> memref<1x8x1024xf32, #tpu.memory_space<hbm>>
    %dma_wait3A_99 = tpu.memref_squeeze %dma_wait3A_98 : memref<1x8x1024xf32, #tpu.memory_space<hbm>> -> memref<8x1024xf32, #tpu.memory_space<hbm>>
    %dma_wait3A_100 = arith.constant 0 : i32
    %dma_wait3A_101 = tpu.memref_slice %arg2[%dma_wait3A_96, %add3A_24, %dma_wait3A_100] : memref<4x2048x1024xf32, #tpu.memory_space<hbm>> -> memref<1x8x1024xf32, #tpu.memory_space<hbm>>
    %dma_wait3A_102 = tpu.memref_squeeze %dma_wait3A_101 : memref<1x8x1024xf32, #tpu.memory_space<hbm>> -> memref<8x1024xf32, #tpu.memory_space<hbm>>
    tpu.wait_dma2 semaphore(%arg20 : memref<!tpu.dma_semaphore, #tpu.memory_space<semaphore_mem>>) src(%dma_wait3A_102 : memref<8x1024xf32, #tpu.memory_space<hbm>>) dst(%arg6 : memref<8x1024xf32, #tpu.memory_space<vmem>>)
    %dma_wait3A_103 = arith.constant 2 : i32
    %dma_wait3A_104 = arith.constant 0 : i32
    %dma_wait3A_105 = tpu.memref_slice %arg2[%dma_wait3A_103, %add3A_33, %dma_wait3A_104] : memref<4x2048x1024xf32, #tpu.memory_space<hbm>> -> memref<1x8x1024xf32, #tpu.memory_space<hbm>>
    %dma_wait3A_106 = tpu.memref_squeeze %dma_wait3A_105 : memref<1x8x1024xf32, #tpu.memory_space<hbm>> -> memref<8x1024xf32, #tpu.memory_space<hbm>>
    %dma_wait3A_107 = arith.constant 0 : i32
    %dma_wait3A_108 = tpu.memref_slice %arg2[%dma_wait3A_103, %add3A_33, %dma_wait3A_107] : memref<4x2048x1024xf32, #tpu.memory_space<hbm>> -> memref<1x8x1024xf32, #tpu.memory_space<hbm>>
    %dma_wait3A_109 = tpu.memref_squeeze %dma_wait3A_108 : memref<1x8x1024xf32, #tpu.memory_space<hbm>> -> memref<8x1024xf32, #tpu.memory_space<hbm>>
    tpu.wait_dma2 semaphore(%arg21 : memref<!tpu.dma_semaphore, #tpu.memory_space<semaphore_mem>>) src(%dma_wait3A_109 : memref<8x1024xf32, #tpu.memory_space<hbm>>) dst(%arg7 : memref<8x1024xf32, #tpu.memory_space<vmem>>)
    %dma_wait3A_110 = arith.constant 3 : i32
    %dma_wait3A_111 = arith.constant 0 : i32
    %dma_wait3A_112 = tpu.memref_slice %arg2[%dma_wait3A_110, %add3A_42, %dma_wait3A_111] : memref<4x2048x1024xf32, #tpu.memory_space<hbm>> -> memref<1x8x1024xf32, #tpu.memory_space<hbm>>
    %dma_wait3A_113 = tpu.memref_squeeze %dma_wait3A_112 : memref<1x8x1024xf32, #tpu.memory_space<hbm>> -> memref<8x1024xf32, #tpu.memory_space<hbm>>
    %dma_wait3A_114 = arith.constant 0 : i32
    %dma_wait3A_115 = tpu.memref_slice %arg2[%dma_wait3A_110, %add3A_42, %dma_wait3A_114] : memref<4x2048x1024xf32, #tpu.memory_space<hbm>> -> memref<1x8x1024xf32, #tpu.memory_space<hbm>>
    %dma_wait3A_116 = tpu.memref_squeeze %dma_wait3A_115 : memref<1x8x1024xf32, #tpu.memory_space<hbm>> -> memref<8x1024xf32, #tpu.memory_space<hbm>>
    tpu.wait_dma2 semaphore(%arg22 : memref<!tpu.dma_semaphore, #tpu.memory_space<semaphore_mem>>) src(%dma_wait3A_116 : memref<8x1024xf32, #tpu.memory_space<hbm>>) dst(%arg8 : memref<8x1024xf32, #tpu.memory_space<vmem>>)
    %parallel_loop3A = arith.constant 0 : i32
    %parallel_loop3A_117 = arith.constant 8192 : i32
    %parallel_loop3A_118 = arith.constant 16 : i32
    scf.for %parallel_loop3A_1128 = %parallel_loop3A to %parallel_loop3A_117 step %parallel_loop3A_118  : i32 {
      %parallel_loop3A_1129 = arith.constant 10 : i32
      %parallel_loop3A_1130 = arith.shrsi %parallel_loop3A_1128, %parallel_loop3A_1129 : i32
      %parallel_loop3A_1131 = arith.constant 1023 : i32
      %parallel_loop3A_1132 = arith.andi %parallel_loop3A_1128, %parallel_loop3A_1131 : i32
      %parallel_loop3A_1133 = tpu.assume_multiple %parallel_loop3A_1132, 16 : i32
      %parallel_loop3A_1134 = arith.index_cast %parallel_loop3A_1130 : i32 to index
      %parallel_loop3A_1135 = arith.index_cast %parallel_loop3A_1133 : i32 to index
      %parallel_loop3A_1136 = tpu.vector_load %arg17[%parallel_loop3A_1134, %parallel_loop3A_1135] {strides = array<i32>} : memref<8x1024xf32, #tpu.memory_space<vmem>>, vector<1x16xf32>,
      %parallel_loop3A_1137 = vector.shape_cast %parallel_loop3A_1136 : vector<1x16xf32> to vector<16xf32>
      %parallel_loop3A_1138 = arith.index_cast %parallel_loop3A_1130 : i32 to index
      %parallel_loop3A_1139 = arith.index_cast %parallel_loop3A_1133 : i32 to index
      %parallel_loop3A_1140 = tpu.vector_load %arg5[%parallel_loop3A_1138, %parallel_loop3A_1139] {strides = array<i32>} : memref<8x1024xf32, #tpu.memory_space<vmem>>, vector<1x16xf32>,
      %parallel_loop3A_1141 = vector.shape_cast %parallel_loop3A_1140 : vector<1x16xf32> to vector<16xf32>
      %parallel_loop3A_1142 = vector.shape_cast %parallel_loop3A_1137 : vector<16xf32> to vector<1x16xf32>
      tpu.vector_store %arg5[%parallel_loop3A_1138, %parallel_loop3A_1139], %parallel_loop3A_1142 {add = true, strides = array<i32>} : memref<8x1024xf32, #tpu.memory_space<vmem>>, vector<1x16xf32>,
      %parallel_loop3A_1143 = arith.index_cast %parallel_loop3A_1130 : i32 to index
      %parallel_loop3A_1144 = arith.index_cast %parallel_loop3A_1133 : i32 to index
      %parallel_loop3A_1145 = tpu.vector_load %arg6[%parallel_loop3A_1143, %parallel_loop3A_1144] {strides = array<i32>} : memref<8x1024xf32, #tpu.memory_space<vmem>>, vector<1x16xf32>,
      %parallel_loop3A_1146 = vector.shape_cast %parallel_loop3A_1145 : vector<1x16xf32> to vector<16xf32>
      %parallel_loop3A_1147 = vector.shape_cast %parallel_loop3A_1137 : vector<16xf32> to vector<1x16xf32>
      tpu.vector_store %arg6[%parallel_loop3A_1143, %parallel_loop3A_1144], %parallel_loop3A_1147 {add = true, strides = array<i32>} : memref<8x1024xf32, #tpu.memory_space<vmem>>, vector<1x16xf32>,
      %parallel_loop3A_1148 = arith.index_cast %parallel_loop3A_1130 : i32 to index
      %parallel_loop3A_1149 = arith.index_cast %parallel_loop3A_1133 : i32 to index
      %parallel_loop3A_1150 = tpu.vector_load %arg7[%parallel_loop3A_1148, %parallel_loop3A_1149] {strides = array<i32>} : memref<8x1024xf32, #tpu.memory_space<vmem>>, vector<1x16xf32>,
      %parallel_loop3A_1151 = vector.shape_cast %parallel_loop3A_1150 : vector<1x16xf32> to vector<16xf32>
      %parallel_loop3A_1152 = vector.shape_cast %parallel_loop3A_1137 : vector<16xf32> to vector<1x16xf32>
      tpu.vector_store %arg7[%parallel_loop3A_1148, %parallel_loop3A_1149], %parallel_loop3A_1152 {add = true, strides = array<i32>} : memref<8x1024xf32, #tpu.memory_space<vmem>>, vector<1x16xf32>,
      %parallel_loop3A_1153 = arith.index_cast %parallel_loop3A_1130 : i32 to index
      %parallel_loop3A_1154 = arith.index_cast %parallel_loop3A_1133 : i32 to index
      %parallel_loop3A_1155 = tpu.vector_load %arg8[%parallel_loop3A_1153, %parallel_loop3A_1154] {strides = array<i32>} : memref<8x1024xf32, #tpu.memory_space<vmem>>, vector<1x16xf32>,
      %parallel_loop3A_1156 = vector.shape_cast %parallel_loop3A_1155 : vector<1x16xf32> to vector<16xf32>
      %parallel_loop3A_1157 = vector.shape_cast %parallel_loop3A_1137 : vector<16xf32> to vector<1x16xf32>
      tpu.vector_store %arg8[%parallel_loop3A_1153, %parallel_loop3A_1154], %parallel_loop3A_1157 {add = true, strides = array<i32>} : memref<8x1024xf32, #tpu.memory_space<vmem>>, vector<1x16xf32>,
    } {sc.loop_unroll_factor = 4 : i64, sc.parallel_access}
    %add3A_119 = arith.constant 0 : i32
    %add3A_120 = arith.addi %mul3A_2, %add3A_119 : i32
    %dma_start3A_121 = arith.constant 0 : i32
    %dma_start3A_122 = arith.constant 0 : i32
    %dma_start3A_123 = tpu.memref_slice %arg4[%dma_start3A_121, %add3A_120, %dma_start3A_122] : memref<4x2048x1024xf32, #tpu.memory_space<hbm>> -> memref<1x8x1024xf32, #tpu.memory_space<hbm>>
    %dma_start3A_124 = tpu.memref_squeeze %dma_start3A_123 : memref<1x8x1024xf32, #tpu.memory_space<hbm>> -> memref<8x1024xf32, #tpu.memory_space<hbm>>
    %dma_start3A_125 = arith.constant 0 : i32
    %dma_start3A_126 = tpu.memref_slice %arg4[%dma_start3A_121, %add3A_120, %dma_start3A_125] : memref<4x2048x1024xf32, #tpu.memory_space<hbm>> -> memref<1x8x1024xf32, #tpu.memory_space<hbm>>
    %dma_start3A_127 = tpu.memref_squeeze %dma_start3A_126 : memref<1x8x1024xf32, #tpu.memory_space<hbm>> -> memref<8x1024xf32, #tpu.memory_space<hbm>>
    tpu.enqueue_dma source(%arg5 : memref<8x1024xf32, #tpu.memory_space<vmem>>) target(%dma_start3A_127 : memref<8x1024xf32, #tpu.memory_space<hbm>>) target_semaphore(%arg31 : memref<!tpu.dma_semaphore, #tpu.memory_space<semaphore_mem>>)
    %add3A_128 = arith.constant 0 : i32
    %add3A_129 = arith.addi %mul3A_2, %add3A_128 : i32
    %dma_start3A_130 = arith.constant 1 : i32
    %dma_start3A_131 = arith.constant 0 : i32
    %dma_start3A_132 = tpu.memref_slice %arg4[%dma_start3A_130, %add3A_129, %dma_start3A_131] : memref<4x2048x1024xf32, #tpu.memory_space<hbm>> -> memref<1x8x1024xf32, #tpu.memory_space<hbm>>
    %dma_start3A_133 = tpu.memref_squeeze %dma_start3A_132 : memref<1x8x1024xf32, #tpu.memory_space<hbm>> -> memref<8x1024xf32, #tpu.memory_space<hbm>>
    %dma_start3A_134 = arith.constant 0 : i32
    %dma_start3A_135 = tpu.memref_slice %arg4[%dma_start3A_130, %add3A_129, %dma_start3A_134] : memref<4x2048x1024xf32, #tpu.memory_space<hbm>> -> memref<1x8x1024xf32, #tpu.memory_space<hbm>>
    %dma_start3A_136 = tpu.memref_squeeze %dma_start3A_135 : memref<1x8x1024xf32, #tpu.memory_space<hbm>> -> memref<8x1024xf32, #tpu.memory_space<hbm>>
    tpu.enqueue_dma source(%arg6 : memref<8x1024xf32, #tpu.memory_space<vmem>>) target(%dma_start3A_136 : memref<8x1024xf32, #tpu.memory_space<hbm>>) target_semaphore(%arg32 : memref<!tpu.dma_semaphore, #tpu.memory_space<semaphore_mem>>)
    %add3A_137 = arith.constant 0 : i32
    %add3A_138 = arith.addi %mul3A_2, %add3A_137 : i32
    %dma_start3A_139 = arith.constant 2 : i32
    %dma_start3A_140 = arith.constant 0 : i32
    %dma_start3A_141 = tpu.memref_slice %arg4[%dma_start3A_139, %add3A_138, %dma_start3A_140] : memref<4x2048x1024xf32, #tpu.memory_space<hbm>> -> memref<1x8x1024xf32, #tpu.memory_space<hbm>>
    %dma_start3A_142 = tpu.memref_squeeze %dma_start3A_141 : memref<1x8x1024xf32, #tpu.memory_space<hbm>> -> memref<8x1024xf32, #tpu.memory_space<hbm>>
    %dma_start3A_143 = arith.constant 0 : i32
    %dma_start3A_144 = tpu.memref_slice %arg4[%dma_start3A_139, %add3A_138, %dma_start3A_143] : memref<4x2048x1024xf32, #tpu.memory_space<hbm>> -> memref<1x8x1024xf32, #tpu.memory_space<hbm>>
    %dma_start3A_145 = tpu.memref_squeeze %dma_start3A_144 : memref<1x8x1024xf32, #tpu.memory_space<hbm>> -> memref<8x1024xf32, #tpu.memory_space<hbm>>
    tpu.enqueue_dma source(%arg7 : memref<8x1024xf32, #tpu.memory_space<vmem>>) target(%dma_start3A_145 : memref<8x1024xf32, #tpu.memory_space<hbm>>) target_semaphore(%arg33 : memref<!tpu.dma_semaphore, #tpu.memory_space<semaphore_mem>>)
    %add3A_146 = arith.constant 0 : i32
    %add3A_147 = arith.addi %mul3A_2, %add3A_146 : i32
    %dma_start3A_148 = arith.constant 3 : i32
    %dma_start3A_149 = arith.constant 0 : i32
    %dma_start3A_150 = tpu.memref_slice %arg4[%dma_start3A_148, %add3A_147, %dma_start3A_149] : memref<4x2048x1024xf32, #tpu.memory_space<hbm>> -> memref<1x8x1024xf32, #tpu.memory_space<hbm>>
    %dma_start3A_151 = tpu.memref_squeeze %dma_start3A_150 : memref<1x8x1024xf32, #tpu.memory_space<hbm>> -> memref<8x1024xf32, #tpu.memory_space<hbm>>
    %dma_start3A_152 = arith.constant 0 : i32
    %dma_start3A_153 = tpu.memref_slice %arg4[%dma_start3A_148, %add3A_147, %dma_start3A_152] : memref<4x2048x1024xf32, #tpu.memory_space<hbm>> -> memref<1x8x1024xf32, #tpu.memory_space<hbm>>
    %dma_start3A_154 = tpu.memref_squeeze %dma_start3A_153 : memref<1x8x1024xf32, #tpu.memory_space<hbm>> -> memref<8x1024xf32, #tpu.memory_space<hbm>>
    tpu.enqueue_dma source(%arg8 : memref<8x1024xf32, #tpu.memory_space<vmem>>) target(%dma_start3A_154 : memref<8x1024xf32, #tpu.memory_space<hbm>>) target_semaphore(%arg34 : memref<!tpu.dma_semaphore, #tpu.memory_space<semaphore_mem>>)
    %add3A_155 = arith.constant 16 : i32
    %add3A_156 = arith.addi %mul3A_2, %add3A_155 : i32
    %dma_start3A_157 = arith.constant 0 : i32
    %dma_start3A_158 = arith.constant 0 : i32
    %dma_start3A_159 = tpu.memref_slice %arg2[%dma_start3A_157, %add3A_156, %dma_start3A_158] : memref<4x2048x1024xf32, #tpu.memory_space<hbm>> -> memref<1x8x1024xf32, #tpu.memory_space<hbm>>
    %dma_start3A_160 = tpu.memref_squeeze %dma_start3A_159 : memref<1x8x1024xf32, #tpu.memory_space<hbm>> -> memref<8x1024xf32, #tpu.memory_space<hbm>>
    %dma_start3A_161 = arith.constant 0 : i32
    %dma_start3A_162 = tpu.memref_slice %arg2[%dma_start3A_157, %add3A_156, %dma_start3A_161] : memref<4x2048x1024xf32, #tpu.memory_space<hbm>> -> memref<1x8x1024xf32, #tpu.memory_space<hbm>>
    %dma_start3A_163 = tpu.memref_squeeze %dma_start3A_162 : memref<1x8x1024xf32, #tpu.memory_space<hbm>> -> memref<8x1024xf32, #tpu.memory_space<hbm>>
    tpu.enqueue_dma source(%dma_start3A_163 : memref<8x1024xf32, #tpu.memory_space<hbm>>) target(%arg13 : memref<8x1024xf32, #tpu.memory_space<vmem>>) target_semaphore(%arg27 : memref<!tpu.dma_semaphore, #tpu.memory_space<semaphore_mem>>)
    %add3A_164 = arith.constant 16 : i32
    %add3A_165 = arith.addi %mul3A_2, %add3A_164 : i32
    %dma_start3A_166 = arith.constant 1 : i32
    %dma_start3A_167 = arith.constant 0 : i32
    %dma_start3A_168 = tpu.memref_slice %arg2[%dma_start3A_166, %add3A_165, %dma_start3A_167] : memref<4x2048x1024xf32, #tpu.memory_space<hbm>> -> memref<1x8x1024xf32, #tpu.memory_space<hbm>>
    %dma_start3A_169 = tpu.memref_squeeze %dma_start3A_168 : memref<1x8x1024xf32, #tpu.memory_space<hbm>> -> memref<8x1024xf32, #tpu.memory_space<hbm>>
    %dma_start3A_170 = arith.constant 0 : i32
    %dma_start3A_171 = tpu.memref_slice %arg2[%dma_start3A_166, %add3A_165, %dma_start3A_170] : memref<4x2048x1024xf32, #tpu.memory_space<hbm>> -> memref<1x8x1024xf32, #tpu.memory_space<hbm>>
    %dma_start3A_172 = tpu.memref_squeeze %dma_start3A_171 : memref<1x8x1024xf32, #tpu.memory_space<hbm>> -> memref<8x1024xf32, #tpu.memory_space<hbm>>
    tpu.enqueue_dma source(%dma_start3A_172 : memref<8x1024xf32, #tpu.memory_space<hbm>>) target(%arg14 : memref<8x1024xf32, #tpu.memory_space<vmem>>) target_semaphore(%arg28 : memref<!tpu.dma_semaphore, #tpu.memory_space<semaphore_mem>>)
    %add3A_173 = arith.constant 16 : i32
    %add3A_174 = arith.addi %mul3A_2, %add3A_173 : i32
    %dma_start3A_175 = arith.constant 2 : i32
    %dma_start3A_176 = arith.constant 0 : i32
    %dma_start3A_177 = tpu.memref_slice %arg2[%dma_start3A_175, %add3A_174, %dma_start3A_176] : memref<4x2048x1024xf32, #tpu.memory_space<hbm>> -> memref<1x8x1024xf32, #tpu.memory_space<hbm>>
    %dma_start3A_178 = tpu.memref_squeeze %dma_start3A_177 : memref<1x8x1024xf32, #tpu.memory_space<hbm>> -> memref<8x1024xf32, #tpu.memory_space<hbm>>
    %dma_start3A_179 = arith.constant 0 : i32
    %dma_start3A_180 = tpu.memref_slice %arg2[%dma_start3A_175, %add3A_174, %dma_start3A_179] : memref<4x2048x1024xf32, #tpu.memory_space<hbm>> -> memref<1x8x1024xf32, #tpu.memory_space<hbm>>
    %dma_start3A_181 = tpu.memref_squeeze %dma_start3A_180 : memref<1x8x1024xf32, #tpu.memory_space<hbm>> -> memref<8x1024xf32, #tpu.memory_space<hbm>>
    tpu.enqueue_dma source(%dma_start3A_181 : memref<8x1024xf32, #tpu.memory_space<hbm>>) target(%arg15 : memref<8x1024xf32, #tpu.memory_space<vmem>>) target_semaphore(%arg29 : memref<!tpu.dma_semaphore, #tpu.memory_space<semaphore_mem>>)
    %add3A_182 = arith.constant 16 : i32
    %add3A_183 = arith.addi %mul3A_2, %add3A_182 : i32
    %dma_start3A_184 = arith.constant 3 : i32
    %dma_start3A_185 = arith.constant 0 : i32
    %dma_start3A_186 = tpu.memref_slice %arg2[%dma_start3A_184, %add3A_183, %dma_start3A_185] : memref<4x2048x1024xf32, #tpu.memory_space<hbm>> -> memref<1x8x1024xf32, #tpu.memory_space<hbm>>
    %dma_start3A_187 = tpu.memref_squeeze %dma_start3A_186 : memref<1x8x1024xf32, #tpu.memory_space<hbm>> -> memref<8x1024xf32, #tpu.memory_space<hbm>>
    %dma_start3A_188 = arith.constant 0 : i32
    %dma_start3A_189 = tpu.memref_slice %arg2[%dma_start3A_184, %add3A_183, %dma_start3A_188] : memref<4x2048x1024xf32, #tpu.memory_space<hbm>> -> memref<1x8x1024xf32, #tpu.memory_space<hbm>>
    %dma_start3A_190 = tpu.memref_squeeze %dma_start3A_189 : memref<1x8x1024xf32, #tpu.memory_space<hbm>> -> memref<8x1024xf32, #tpu.memory_space<hbm>>
    tpu.enqueue_dma source(%dma_start3A_190 : memref<8x1024xf32, #tpu.memory_space<hbm>>) target(%arg16 : memref<8x1024xf32, #tpu.memory_space<vmem>>) target_semaphore(%arg30 : memref<!tpu.dma_semaphore, #tpu.memory_space<semaphore_mem>>)
    %add3A_191 = arith.constant 16 : i32
    %add3A_192 = arith.addi %mul3A_2, %add3A_191 : i32
    %dma_start3A_193 = arith.constant 0 : i32
    %dma_start3A_194 = tpu.memref_slice %arg3[%add3A_192, %dma_start3A_193] : memref<2048x1024xf32, #tpu.memory_space<hbm>> -> memref<8x1024xf32, #tpu.memory_space<hbm>>
    %dma_start3A_195 = arith.constant 0 : i32
    %dma_start3A_196 = tpu.memref_slice %arg3[%add3A_192, %dma_start3A_195] : memref<2048x1024xf32, #tpu.memory_space<hbm>> -> memref<8x1024xf32, #tpu.memory_space<hbm>>
    tpu.enqueue_dma source(%dma_start3A_196 : memref<8x1024xf32, #tpu.memory_space<hbm>>) target(%arg17 : memref<8x1024xf32, #tpu.memory_space<vmem>>) target_semaphore(%arg43 : memref<!tpu.dma_semaphore, #tpu.memory_space<semaphore_mem>>)
    %dma_wait3A_197 = arith.constant 0 : i32
    %dma_wait3A_198 = tpu.memref_slice %arg3[%add3A_9, %dma_wait3A_197] : memref<2048x1024xf32, #tpu.memory_space<hbm>> -> memref<8x1024xf32, #tpu.memory_space<hbm>>
    %dma_wait3A_199 = arith.constant 0 : i32
    %dma_wait3A_200 = tpu.memref_slice %arg3[%add3A_9, %dma_wait3A_199] : memref<2048x1024xf32, #tpu.memory_space<hbm>> -> memref<8x1024xf32, #tpu.memory_space<hbm>>
    tpu.wait_dma2 semaphore(%arg44 : memref<!tpu.dma_semaphore, #tpu.memory_space<semaphore_mem>>) src(%dma_wait3A_200 : memref<8x1024xf32, #tpu.memory_space<hbm>>) dst(%arg18 : memref<8x1024xf32, #tpu.memory_space<vmem>>)
    %dma_wait3A_201 = arith.constant 0 : i32
    %dma_wait3A_202 = arith.constant 0 : i32
    %dma_wait3A_203 = tpu.memref_slice %arg2[%dma_wait3A_201, %add3A_51, %dma_wait3A_202] : memref<4x2048x1024xf32, #tpu.memory_space<hbm>> -> memref<1x8x1024xf32, #tpu.memory_space<hbm>>
    %dma_wait3A_204 = tpu.memref_squeeze %dma_wait3A_203 : memref<1x8x1024xf32, #tpu.memory_space<hbm>> -> memref<8x1024xf32, #tpu.memory_space<hbm>>
    %dma_wait3A_205 = arith.constant 0 : i32
    %dma_wait3A_206 = tpu.memref_slice %arg2[%dma_wait3A_201, %add3A_51, %dma_wait3A_205] : memref<4x2048x1024xf32, #tpu.memory_space<hbm>> -> memref<1x8x1024xf32, #tpu.memory_space<hbm>>
    %dma_wait3A_207 = tpu.memref_squeeze %dma_wait3A_206 : memref<1x8x1024xf32, #tpu.memory_space<hbm>> -> memref<8x1024xf32, #tpu.memory_space<hbm>>
    tpu.wait_dma2 semaphore(%arg23 : memref<!tpu.dma_semaphore, #tpu.memory_space<semaphore_mem>>) src(%dma_wait3A_207 : memref<8x1024xf32, #tpu.memory_space<hbm>>) dst(%arg9 : memref<8x1024xf32, #tpu.memory_space<vmem>>)
    %dma_wait3A_208 = arith.constant 1 : i32
    %dma_wait3A_209 = arith.constant 0 : i32
    %dma_wait3A_210 = tpu.memref_slice %arg2[%dma_wait3A_208, %add3A_60, %dma_wait3A_209] : memref<4x2048x1024xf32, #tpu.memory_space<hbm>> -> memref<1x8x1024xf32, #tpu.memory_space<hbm>>
    %dma_wait3A_211 = tpu.memref_squeeze %dma_wait3A_210 : memref<1x8x1024xf32, #tpu.memory_space<hbm>> -> memref<8x1024xf32, #tpu.memory_space<hbm>>
    %dma_wait3A_212 = arith.constant 0 : i32
    %dma_wait3A_213 = tpu.memref_slice %arg2[%dma_wait3A_208, %add3A_60, %dma_wait3A_212] : memref<4x2048x1024xf32, #tpu.memory_space<hbm>> -> memref<1x8x1024xf32, #tpu.memory_space<hbm>>
    %dma_wait3A_214 = tpu.memref_squeeze %dma_wait3A_213 : memref<1x8x1024xf32, #tpu.memory_space<hbm>> -> memref<8x1024xf32, #tpu.memory_space<hbm>>
    tpu.wait_dma2 semaphore(%arg24 : memref<!tpu.dma_semaphore, #tpu.memory_space<semaphore_mem>>) src(%dma_wait3A_214 : memref<8x1024xf32, #tpu.memory_space<hbm>>) dst(%arg10 : memref<8x1024xf32, #tpu.memory_space<vmem>>)
    %dma_wait3A_215 = arith.constant 2 : i32
    %dma_wait3A_216 = arith.constant 0 : i32
    %dma_wait3A_217 = tpu.memref_slice %arg2[%dma_wait3A_215, %add3A_69, %dma_wait3A_216] : memref<4x2048x1024xf32, #tpu.memory_space<hbm>> -> memref<1x8x1024xf32, #tpu.memory_space<hbm>>
    %dma_wait3A_218 = tpu.memref_squeeze %dma_wait3A_217 : memref<1x8x1024xf32, #tpu.memory_space<hbm>> -> memref<8x1024xf32, #tpu.memory_space<hbm>>
    %dma_wait3A_219 = arith.constant 0 : i32
    %dma_wait3A_220 = tpu.memref_slice %arg2[%dma_wait3A_215, %add3A_69, %dma_wait3A_219] : memref<4x2048x1024xf32, #tpu.memory_space<hbm>> -> memref<1x8x1024xf32, #tpu.memory_space<hbm>>
    %dma_wait3A_221 = tpu.memref_squeeze %dma_wait3A_220 : memref<1x8x1024xf32, #tpu.memory_space<hbm>> -> memref<8x1024xf32, #tpu.memory_space<hbm>>
    tpu.wait_dma2 semaphore(%arg25 : memref<!tpu.dma_semaphore, #tpu.memory_space<semaphore_mem>>) src(%dma_wait3A_221 : memref<8x1024xf32, #tpu.memory_space<hbm>>) dst(%arg11 : memref<8x1024xf32, #tpu.memory_space<vmem>>)
    %dma_wait3A_222 = arith.constant 3 : i32
    %dma_wait3A_223 = arith.constant 0 : i32
    %dma_wait3A_224 = tpu.memref_slice %arg2[%dma_wait3A_222, %add3A_78, %dma_wait3A_223] : memref<4x2048x1024xf32, #tpu.memory_space<hbm>> -> memref<1x8x1024xf32, #tpu.memory_space<hbm>>
    %dma_wait3A_225 = tpu.memref_squeeze %dma_wait3A_224 : memref<1x8x1024xf32, #tpu.memory_space<hbm>> -> memref<8x1024xf32, #tpu.memory_space<hbm>>
    %dma_wait3A_226 = arith.constant 0 : i32
    %dma_wait3A_227 = tpu.memref_slice %arg2[%dma_wait3A_222, %add3A_78, %dma_wait3A_226] : memref<4x2048x1024xf32, #tpu.memory_space<hbm>> -> memref<1x8x1024xf32, #tpu.memory_space<hbm>>
    %dma_wait3A_228 = tpu.memref_squeeze %dma_wait3A_227 : memref<1x8x1024xf32, #tpu.memory_space<hbm>> -> memref<8x1024xf32, #tpu.memory_space<hbm>>
    tpu.wait_dma2 semaphore(%arg26 : memref<!tpu.dma_semaphore, #tpu.memory_space<semaphore_mem>>) src(%dma_wait3A_228 : memref<8x1024xf32, #tpu.memory_space<hbm>>) dst(%arg12 : memref<8x1024xf32, #tpu.memory_space<vmem>>)
    %parallel_loop3A_229 = arith.constant 0 : i32
    %parallel_loop3A_230 = arith.constant 8192 : i32
    %parallel_loop3A_231 = arith.constant 16 : i32
    scf.for %parallel_loop3A_1128 = %parallel_loop3A_229 to %parallel_loop3A_230 step %parallel_loop3A_231  : i32 {
      %parallel_loop3A_1129 = arith.constant 10 : i32
      %parallel_loop3A_1130 = arith.shrsi %parallel_loop3A_1128, %parallel_loop3A_1129 : i32
      %parallel_loop3A_1131 = arith.constant 1023 : i32
      %parallel_loop3A_1132 = arith.andi %parallel_loop3A_1128, %parallel_loop3A_1131 : i32
      %parallel_loop3A_1133 = tpu.assume_multiple %parallel_loop3A_1132, 16 : i32
      %parallel_loop3A_1134 = arith.index_cast %parallel_loop3A_1130 : i32 to index
      %parallel_loop3A_1135 = arith.index_cast %parallel_loop3A_1133 : i32 to index
      %parallel_loop3A_1136 = tpu.vector_load %arg18[%parallel_loop3A_1134, %parallel_loop3A_1135] {strides = array<i32>} : memref<8x1024xf32, #tpu.memory_space<vmem>>, vector<1x16xf32>,
      %parallel_loop3A_1137 = vector.shape_cast %parallel_loop3A_1136 : vector<1x16xf32> to vector<16xf32>
      %parallel_loop3A_1138 = arith.index_cast %parallel_loop3A_1130 : i32 to index
      %parallel_loop3A_1139 = arith.index_cast %parallel_loop3A_1133 : i32 to index
      %parallel_loop3A_1140 = tpu.vector_load %arg9[%parallel_loop3A_1138, %parallel_loop3A_1139] {strides = array<i32>} : memref<8x1024xf32, #tpu.memory_space<vmem>>, vector<1x16xf32>,
      %parallel_loop3A_1141 = vector.shape_cast %parallel_loop3A_1140 : vector<1x16xf32> to vector<16xf32>
      %parallel_loop3A_1142 = vector.shape_cast %parallel_loop3A_1137 : vector<16xf32> to vector<1x16xf32>
      tpu.vector_store %arg9[%parallel_loop3A_1138, %parallel_loop3A_1139], %parallel_loop3A_1142 {add = true, strides = array<i32>} : memref<8x1024xf32, #tpu.memory_space<vmem>>, vector<1x16xf32>,
      %parallel_loop3A_1143 = arith.index_cast %parallel_loop3A_1130 : i32 to index
      %parallel_loop3A_1144 = arith.index_cast %parallel_loop3A_1133 : i32 to index
      %parallel_loop3A_1145 = tpu.vector_load %arg10[%parallel_loop3A_1143, %parallel_loop3A_1144] {strides = array<i32>} : memref<8x1024xf32, #tpu.memory_space<vmem>>, vector<1x16xf32>,
      %parallel_loop3A_1146 = vector.shape_cast %parallel_loop3A_1145 : vector<1x16xf32> to vector<16xf32>
      %parallel_loop3A_1147 = vector.shape_cast %parallel_loop3A_1137 : vector<16xf32> to vector<1x16xf32>
      tpu.vector_store %arg10[%parallel_loop3A_1143, %parallel_loop3A_1144], %parallel_loop3A_1147 {add = true, strides = array<i32>} : memref<8x1024xf32, #tpu.memory_space<vmem>>, vector<1x16xf32>,
      %parallel_loop3A_1148 = arith.index_cast %parallel_loop3A_1130 : i32 to index
      %parallel_loop3A_1149 = arith.index_cast %parallel_loop3A_1133 : i32 to index
      %parallel_loop3A_1150 = tpu.vector_load %arg11[%parallel_loop3A_1148, %parallel_loop3A_1149] {strides = array<i32>} : memref<8x1024xf32, #tpu.memory_space<vmem>>, vector<1x16xf32>,
      %parallel_loop3A_1151 = vector.shape_cast %parallel_loop3A_1150 : vector<1x16xf32> to vector<16xf32>
      %parallel_loop3A_1152 = vector.shape_cast %parallel_loop3A_1137 : vector<16xf32> to vector<1x16xf32>
      tpu.vector_store %arg11[%parallel_loop3A_1148, %parallel_loop3A_1149], %parallel_loop3A_1152 {add = true, strides = array<i32>} : memref<8x1024xf32, #tpu.memory_space<vmem>>, vector<1x16xf32>,
      %parallel_loop3A_1153 = arith.index_cast %parallel_loop3A_1130 : i32 to index
      %parallel_loop3A_1154 = arith.index_cast %parallel_loop3A_1133 : i32 to index
      %parallel_loop3A_1155 = tpu.vector_load %arg12[%parallel_loop3A_1153, %parallel_loop3A_1154] {strides = array<i32>} : memref<8x1024xf32, #tpu.memory_space<vmem>>, vector<1x16xf32>,
      %parallel_loop3A_1156 = vector.shape_cast %parallel_loop3A_1155 : vector<1x16xf32> to vector<16xf32>
      %parallel_loop3A_1157 = vector.shape_cast %parallel_loop3A_1137 : vector<16xf32> to vector<1x16xf32>
      tpu.vector_store %arg12[%parallel_loop3A_1153, %parallel_loop3A_1154], %parallel_loop3A_1157 {add = true, strides = array<i32>} : memref<8x1024xf32, #tpu.memory_space<vmem>>, vector<1x16xf32>,
    } {sc.loop_unroll_factor = 4 : i64, sc.parallel_access}
    %add3A_232 = arith.constant 8 : i32
    %add3A_233 = arith.addi %mul3A_2, %add3A_232 : i32
    %dma_start3A_234 = arith.constant 0 : i32
    %dma_start3A_235 = arith.constant 0 : i32
    %dma_start3A_236 = tpu.memref_slice %arg4[%dma_start3A_234, %add3A_233, %dma_start3A_235] : memref<4x2048x1024xf32, #tpu.memory_space<hbm>> -> memref<1x8x1024xf32, #tpu.memory_space<hbm>>
    %dma_start3A_237 = tpu.memref_squeeze %dma_start3A_236 : memref<1x8x1024xf32, #tpu.memory_space<hbm>> -> memref<8x1024xf32, #tpu.memory_space<hbm>>
    %dma_start3A_238 = arith.constant 0 : i32
    %dma_start3A_239 = tpu.memref_slice %arg4[%dma_start3A_234, %add3A_233, %dma_start3A_238] : memref<4x2048x1024xf32, #tpu.memory_space<hbm>> -> memref<1x8x1024xf32, #tpu.memory_space<hbm>>
    %dma_start3A_240 = tpu.memref_squeeze %dma_start3A_239 : memref<1x8x1024xf32, #tpu.memory_space<hbm>> -> memref<8x1024xf32, #tpu.memory_space<hbm>>
    tpu.enqueue_dma source(%arg9 : memref<8x1024xf32, #tpu.memory_space<vmem>>) target(%dma_start3A_240 : memref<8x1024xf32, #tpu.memory_space<hbm>>) target_semaphore(%arg35 : memref<!tpu.dma_semaphore, #tpu.memory_space<semaphore_mem>>)
    %add3A_241 = arith.constant 8 : i32
    %add3A_242 = arith.addi %mul3A_2, %add3A_241 : i32
    %dma_start3A_243 = arith.constant 1 : i32
    %dma_start3A_244 = arith.constant 0 : i32
    %dma_start3A_245 = tpu.memref_slice %arg4[%dma_start3A_243, %add3A_242, %dma_start3A_244] : memref<4x2048x1024xf32, #tpu.memory_space<hbm>> -> memref<1x8x1024xf32, #tpu.memory_space<hbm>>
    %dma_start3A_246 = tpu.memref_squeeze %dma_start3A_245 : memref<1x8x1024xf32, #tpu.memory_space<hbm>> -> memref<8x1024xf32, #tpu.memory_space<hbm>>
    %dma_start3A_247 = arith.constant 0 : i32
    %dma_start3A_248 = tpu.memref_slice %arg4[%dma_start3A_243, %add3A_242, %dma_start3A_247] : memref<4x2048x1024xf32, #tpu.memory_space<hbm>> -> memref<1x8x1024xf32, #tpu.memory_space<hbm>>
    %dma_start3A_249 = tpu.memref_squeeze %dma_start3A_248 : memref<1x8x1024xf32, #tpu.memory_space<hbm>> -> memref<8x1024xf32, #tpu.memory_space<hbm>>
    tpu.enqueue_dma source(%arg10 : memref<8x1024xf32, #tpu.memory_space<vmem>>) target(%dma_start3A_249 : memref<8x1024xf32, #tpu.memory_space<hbm>>) target_semaphore(%arg36 : memref<!tpu.dma_semaphore, #tpu.memory_space<semaphore_mem>>)
    %add3A_250 = arith.constant 8 : i32
    %add3A_251 = arith.addi %mul3A_2, %add3A_250 : i32
    %dma_start3A_252 = arith.constant 2 : i32
    %dma_start3A_253 = arith.constant 0 : i32
    %dma_start3A_254 = tpu.memref_slice %arg4[%dma_start3A_252, %add3A_251, %dma_start3A_253] : memref<4x2048x1024xf32, #tpu.memory_space<hbm>> -> memref<1x8x1024xf32, #tpu.memory_space<hbm>>
    %dma_start3A_255 = tpu.memref_squeeze %dma_start3A_254 : memref<1x8x1024xf32, #tpu.memory_space<hbm>> -> memref<8x1024xf32, #tpu.memory_space<hbm>>
    %dma_start3A_256 = arith.constant 0 : i32
    %dma_start3A_257 = tpu.memref_slice %arg4[%dma_start3A_252, %add3A_251, %dma_start3A_256] : memref<4x2048x1024xf32, #tpu.memory_space<hbm>> -> memref<1x8x1024xf32, #tpu.memory_space<hbm>>
    %dma_start3A_258 = tpu.memref_squeeze %dma_start3A_257 : memref<1x8x1024xf32, #tpu.memory_space<hbm>> -> memref<8x1024xf32, #tpu.memory_space<hbm>>
    tpu.enqueue_dma source(%arg11 : memref<8x1024xf32, #tpu.memory_space<vmem>>) target(%dma_start3A_258 : memref<8x1024xf32, #tpu.memory_space<hbm>>) target_semaphore(%arg37 : memref<!tpu.dma_semaphore, #tpu.memory_space<semaphore_mem>>)
    %add3A_259 = arith.constant 8 : i32
    %add3A_260 = arith.addi %mul3A_2, %add3A_259 : i32
    %dma_start3A_261 = arith.constant 3 : i32
    %dma_start3A_262 = arith.constant 0 : i32
    %dma_start3A_263 = tpu.memref_slice %arg4[%dma_start3A_261, %add3A_260, %dma_start3A_262] : memref<4x2048x1024xf32, #tpu.memory_space<hbm>> -> memref<1x8x1024xf32, #tpu.memory_space<hbm>>
    %dma_start3A_264 = tpu.memref_squeeze %dma_start3A_263 : memref<1x8x1024xf32, #tpu.memory_space<hbm>> -> memref<8x1024xf32, #tpu.memory_space<hbm>>
    %dma_start3A_265 = arith.constant 0 : i32
    %dma_start3A_266 = tpu.memref_slice %arg4[%dma_start3A_261, %add3A_260, %dma_start3A_265] : memref<4x2048x1024xf32, #tpu.memory_space<hbm>> -> memref<1x8x1024xf32, #tpu.memory_space<hbm>>
    %dma_start3A_267 = tpu.memref_squeeze %dma_start3A_266 : memref<1x8x1024xf32, #tpu.memory_space<hbm>> -> memref<8x1024xf32, #tpu.memory_space<hbm>>
    tpu.enqueue_dma source(%arg12 : memref<8x1024xf32, #tpu.memory_space<vmem>>) target(%dma_start3A_267 : memref<8x1024xf32, #tpu.memory_space<hbm>>) target_semaphore(%arg38 : memref<!tpu.dma_semaphore, #tpu.memory_space<semaphore_mem>>)
    %dma_wait3A_268 = arith.constant 0 : i32
    %dma_wait3A_269 = arith.constant 0 : i32
    %dma_wait3A_270 = tpu.memref_slice %arg4[%dma_wait3A_268, %add3A_120, %dma_wait3A_269] : memref<4x2048x1024xf32, #tpu.memory_space<hbm>> -> memref<1x8x1024xf32, #tpu.memory_space<hbm>>
    %dma_wait3A_271 = tpu.memref_squeeze %dma_wait3A_270 : memref<1x8x1024xf32, #tpu.memory_space<hbm>> -> memref<8x1024xf32, #tpu.memory_space<hbm>>
    %dma_wait3A_272 = arith.constant 0 : i32
    %dma_wait3A_273 = tpu.memref_slice %arg4[%dma_wait3A_268, %add3A_120, %dma_wait3A_272] : memref<4x2048x1024xf32, #tpu.memory_space<hbm>> -> memref<1x8x1024xf32, #tpu.memory_space<hbm>>
    %dma_wait3A_274 = tpu.memref_squeeze %dma_wait3A_273 : memref<1x8x1024xf32, #tpu.memory_space<hbm>> -> memref<8x1024xf32, #tpu.memory_space<hbm>>
    tpu.wait_dma2 semaphore(%arg31 : memref<!tpu.dma_semaphore, #tpu.memory_space<semaphore_mem>>) src(%arg5 : memref<8x1024xf32, #tpu.memory_space<vmem>>) dst(%dma_wait3A_274 : memref<8x1024xf32, #tpu.memory_space<hbm>>)
    %dma_wait3A_275 = arith.constant 1 : i32
    %dma_wait3A_276 = arith.constant 0 : i32
    %dma_wait3A_277 = tpu.memref_slice %arg4[%dma_wait3A_275, %add3A_129, %dma_wait3A_276] : memref<4x2048x1024xf32, #tpu.memory_space<hbm>> -> memref<1x8x1024xf32, #tpu.memory_space<hbm>>
    %dma_wait3A_278 = tpu.memref_squeeze %dma_wait3A_277 : memref<1x8x1024xf32, #tpu.memory_space<hbm>> -> memref<8x1024xf32, #tpu.memory_space<hbm>>
    %dma_wait3A_279 = arith.constant 0 : i32
    %dma_wait3A_280 = tpu.memref_slice %arg4[%dma_wait3A_275, %add3A_129, %dma_wait3A_279] : memref<4x2048x1024xf32, #tpu.memory_space<hbm>> -> memref<1x8x1024xf32, #tpu.memory_space<hbm>>
    %dma_wait3A_281 = tpu.memref_squeeze %dma_wait3A_280 : memref<1x8x1024xf32, #tpu.memory_space<hbm>> -> memref<8x1024xf32, #tpu.memory_space<hbm>>
    tpu.wait_dma2 semaphore(%arg32 : memref<!tpu.dma_semaphore, #tpu.memory_space<semaphore_mem>>) src(%arg6 : memref<8x1024xf32, #tpu.memory_space<vmem>>) dst(%dma_wait3A_281 : memref<8x1024xf32, #tpu.memory_space<hbm>>)
    %dma_wait3A_282 = arith.constant 2 : i32
    %dma_wait3A_283 = arith.constant 0 : i32
    %dma_wait3A_284 = tpu.memref_slice %arg4[%dma_wait3A_282, %add3A_138, %dma_wait3A_283] : memref<4x2048x1024xf32, #tpu.memory_space<hbm>> -> memref<1x8x1024xf32, #tpu.memory_space<hbm>>
    %dma_wait3A_285 = tpu.memref_squeeze %dma_wait3A_284 : memref<1x8x1024xf32, #tpu.memory_space<hbm>> -> memref<8x1024xf32, #tpu.memory_space<hbm>>
    %dma_wait3A_286 = arith.constant 0 : i32
    %dma_wait3A_287 = tpu.memref_slice %arg4[%dma_wait3A_282, %add3A_138, %dma_wait3A_286] : memref<4x2048x1024xf32, #tpu.memory_space<hbm>> -> memref<1x8x1024xf32, #tpu.memory_space<hbm>>
    %dma_wait3A_288 = tpu.memref_squeeze %dma_wait3A_287 : memref<1x8x1024xf32, #tpu.memory_space<hbm>> -> memref<8x1024xf32, #tpu.memory_space<hbm>>
    tpu.wait_dma2 semaphore(%arg33 : memref<!tpu.dma_semaphore, #tpu.memory_space<semaphore_mem>>) src(%arg7 : memref<8x1024xf32, #tpu.memory_space<vmem>>) dst(%dma_wait3A_288 : memref<8x1024xf32, #tpu.memory_space<hbm>>)
    %dma_wait3A_289 = arith.constant 3 : i32
    %dma_wait3A_290 = arith.constant 0 : i32
    %dma_wait3A_291 = tpu.memref_slice %arg4[%dma_wait3A_289, %add3A_147, %dma_wait3A_290] : memref<4x2048x1024xf32, #tpu.memory_space<hbm>> -> memref<1x8x1024xf32, #tpu.memory_space<hbm>>
    %dma_wait3A_292 = tpu.memref_squeeze %dma_wait3A_291 : memref<1x8x1024xf32, #tpu.memory_space<hbm>> -> memref<8x1024xf32, #tpu.memory_space<hbm>>
    %dma_wait3A_293 = arith.constant 0 : i32
    %dma_wait3A_294 = tpu.memref_slice %arg4[%dma_wait3A_289, %add3A_147, %dma_wait3A_293] : memref<4x2048x1024xf32, #tpu.memory_space<hbm>> -> memref<1x8x1024xf32, #tpu.memory_space<hbm>>
    %dma_wait3A_295 = tpu.memref_squeeze %dma_wait3A_294 : memref<1x8x1024xf32, #tpu.memory_space<hbm>> -> memref<8x1024xf32, #tpu.memory_space<hbm>>
    tpu.wait_dma2 semaphore(%arg34 : memref<!tpu.dma_semaphore, #tpu.memory_space<semaphore_mem>>) src(%arg8 : memref<8x1024xf32, #tpu.memory_space<vmem>>) dst(%dma_wait3A_295 : memref<8x1024xf32, #tpu.memory_space<hbm>>)
    %add3A_296 = arith.constant 24 : i32
    %add3A_297 = arith.addi %mul3A_2, %add3A_296 : i32
    %dma_start3A_298 = arith.constant 0 : i32
    %dma_start3A_299 = arith.constant 0 : i32
    %dma_start3A_300 = tpu.memref_slice %arg2[%dma_start3A_298, %add3A_297, %dma_start3A_299] : memref<4x2048x1024xf32, #tpu.memory_space<hbm>> -> memref<1x8x1024xf32, #tpu.memory_space<hbm>>
    %dma_start3A_301 = tpu.memref_squeeze %dma_start3A_300 : memref<1x8x1024xf32, #tpu.memory_space<hbm>> -> memref<8x1024xf32, #tpu.memory_space<hbm>>
    %dma_start3A_302 = arith.constant 0 : i32
    %dma_start3A_303 = tpu.memref_slice %arg2[%dma_start3A_298, %add3A_297, %dma_start3A_302] : memref<4x2048x1024xf32, #tpu.memory_space<hbm>> -> memref<1x8x1024xf32, #tpu.memory_space<hbm>>
    %dma_start3A_304 = tpu.memref_squeeze %dma_start3A_303 : memref<1x8x1024xf32, #tpu.memory_space<hbm>> -> memref<8x1024xf32, #tpu.memory_space<hbm>>
    tpu.enqueue_dma source(%dma_start3A_304 : memref<8x1024xf32, #tpu.memory_space<hbm>>) target(%arg5 : memref<8x1024xf32, #tpu.memory_space<vmem>>) target_semaphore(%arg19 : memref<!tpu.dma_semaphore, #tpu.memory_space<semaphore_mem>>)
    %add3A_305 = arith.constant 24 : i32
    %add3A_306 = arith.addi %mul3A_2, %add3A_305 : i32
    %dma_start3A_307 = arith.constant 1 : i32
    %dma_start3A_308 = arith.constant 0 : i32
    %dma_start3A_309 = tpu.memref_slice %arg2[%dma_start3A_307, %add3A_306, %dma_start3A_308] : memref<4x2048x1024xf32, #tpu.memory_space<hbm>> -> memref<1x8x1024xf32, #tpu.memory_space<hbm>>
    %dma_start3A_310 = tpu.memref_squeeze %dma_start3A_309 : memref<1x8x1024xf32, #tpu.memory_space<hbm>> -> memref<8x1024xf32, #tpu.memory_space<hbm>>
    %dma_start3A_311 = arith.constant 0 : i32
    %dma_start3A_312 = tpu.memref_slice %arg2[%dma_start3A_307, %add3A_306, %dma_start3A_311] : memref<4x2048x1024xf32, #tpu.memory_space<hbm>> -> memref<1x8x1024xf32, #tpu.memory_space<hbm>>
    %dma_start3A_313 = tpu.memref_squeeze %dma_start3A_312 : memref<1x8x1024xf32, #tpu.memory_space<hbm>> -> memref<8x1024xf32, #tpu.memory_space<hbm>>
    tpu.enqueue_dma source(%dma_start3A_313 : memref<8x1024xf32, #tpu.memory_space<hbm>>) target(%arg6 : memref<8x1024xf32, #tpu.memory_space<vmem>>) target_semaphore(%arg20 : memref<!tpu.dma_semaphore, #tpu.memory_space<semaphore_mem>>)
    %add3A_314 = arith.constant 24 : i32
    %add3A_315 = arith.addi %mul3A_2, %add3A_314 : i32
    %dma_start3A_316 = arith.constant 2 : i32
    %dma_start3A_317 = arith.constant 0 : i32
    %dma_start3A_318 = tpu.memref_slice %arg2[%dma_start3A_316, %add3A_315, %dma_start3A_317] : memref<4x2048x1024xf32, #tpu.memory_space<hbm>> -> memref<1x8x1024xf32, #tpu.memory_space<hbm>>
    %dma_start3A_319 = tpu.memref_squeeze %dma_start3A_318 : memref<1x8x1024xf32, #tpu.memory_space<hbm>> -> memref<8x1024xf32, #tpu.memory_space<hbm>>
    %dma_start3A_320 = arith.constant 0 : i32
    %dma_start3A_321 = tpu.memref_slice %arg2[%dma_start3A_316, %add3A_315, %dma_start3A_320] : memref<4x2048x1024xf32, #tpu.memory_space<hbm>> -> memref<1x8x1024xf32, #tpu.memory_space<hbm>>
    %dma_start3A_322 = tpu.memref_squeeze %dma_start3A_321 : memref<1x8x1024xf32, #tpu.memory_space<hbm>> -> memref<8x1024xf32, #tpu.memory_space<hbm>>
    tpu.enqueue_dma source(%dma_start3A_322 : memref<8x1024xf32, #tpu.memory_space<hbm>>) target(%arg7 : memref<8x1024xf32, #tpu.memory_space<vmem>>) target_semaphore(%arg21 : memref<!tpu.dma_semaphore, #tpu.memory_space<semaphore_mem>>)
    %add3A_323 = arith.constant 24 : i32
    %add3A_324 = arith.addi %mul3A_2, %add3A_323 : i32
    %dma_start3A_325 = arith.constant 3 : i32
    %dma_start3A_326 = arith.constant 0 : i32
    %dma_start3A_327 = tpu.memref_slice %arg2[%dma_start3A_325, %add3A_324, %dma_start3A_326] : memref<4x2048x1024xf32, #tpu.memory_space<hbm>> -> memref<1x8x1024xf32, #tpu.memory_space<hbm>>
    %dma_start3A_328 = tpu.memref_squeeze %dma_start3A_327 : memref<1x8x1024xf32, #tpu.memory_space<hbm>> -> memref<8x1024xf32, #tpu.memory_space<hbm>>
    %dma_start3A_329 = arith.constant 0 : i32
    %dma_start3A_330 = tpu.memref_slice %arg2[%dma_start3A_325, %add3A_324, %dma_start3A_329] : memref<4x2048x1024xf32, #tpu.memory_space<hbm>> -> memref<1x8x1024xf32, #tpu.memory_space<hbm>>
    %dma_start3A_331 = tpu.memref_squeeze %dma_start3A_330 : memref<1x8x1024xf32, #tpu.memory_space<hbm>> -> memref<8x1024xf32, #tpu.memory_space<hbm>>
    tpu.enqueue_dma source(%dma_start3A_331 : memref<8x1024xf32, #tpu.memory_space<hbm>>) target(%arg8 : memref<8x1024xf32, #tpu.memory_space<vmem>>) target_semaphore(%arg22 : memref<!tpu.dma_semaphore, #tpu.memory_space<semaphore_mem>>)
    %add3A_332 = arith.constant 24 : i32
    %add3A_333 = arith.addi %mul3A_2, %add3A_332 : i32
    %dma_start3A_334 = arith.constant 0 : i32
    %dma_start3A_335 = tpu.memref_slice %arg3[%add3A_333, %dma_start3A_334] : memref<2048x1024xf32, #tpu.memory_space<hbm>> -> memref<8x1024xf32, #tpu.memory_space<hbm>>
    %dma_start3A_336 = arith.constant 0 : i32
    %dma_start3A_337 = tpu.memref_slice %arg3[%add3A_333, %dma_start3A_336] : memref<2048x1024xf32, #tpu.memory_space<hbm>> -> memref<8x1024xf32, #tpu.memory_space<hbm>>
    tpu.enqueue_dma source(%dma_start3A_337 : memref<8x1024xf32, #tpu.memory_space<hbm>>) target(%arg18 : memref<8x1024xf32, #tpu.memory_space<vmem>>) target_semaphore(%arg44 : memref<!tpu.dma_semaphore, #tpu.memory_space<semaphore_mem>>)
    %dma_wait3A_338 = arith.constant 0 : i32
    %dma_wait3A_339 = tpu.memref_slice %arg3[%add3A_192, %dma_wait3A_338] : memref<2048x1024xf32, #tpu.memory_space<hbm>> -> memref<8x1024xf32, #tpu.memory_space<hbm>>
    %dma_wait3A_340 = arith.constant 0 : i32
    %dma_wait3A_341 = tpu.memref_slice %arg3[%add3A_192, %dma_wait3A_340] : memref<2048x1024xf32, #tpu.memory_space<hbm>> -> memref<8x1024xf32, #tpu.memory_space<hbm>>
    tpu.wait_dma2 semaphore(%arg43 : memref<!tpu.dma_semaphore, #tpu.memory_space<semaphore_mem>>) src(%dma_wait3A_341 : memref<8x1024xf32, #tpu.memory_space<hbm>>) dst(%arg17 : memref<8x1024xf32, #tpu.memory_space<vmem>>)
    %dma_wait3A_342 = arith.constant 0 : i32
    %dma_wait3A_343 = arith.constant 0 : i32
    %dma_wait3A_344 = tpu.memref_slice %arg2[%dma_wait3A_342, %add3A_156, %dma_wait3A_343] : memref<4x2048x1024xf32, #tpu.memory_space<hbm>> -> memref<1x8x1024xf32, #tpu.memory_space<hbm>>
    %dma_wait3A_345 = tpu.memref_squeeze %dma_wait3A_344 : memref<1x8x1024xf32, #tpu.memory_space<hbm>> -> memref<8x1024xf32, #tpu.memory_space<hbm>>
    %dma_wait3A_346 = arith.constant 0 : i32
    %dma_wait3A_347 = tpu.memref_slice %arg2[%dma_wait3A_342, %add3A_156, %dma_wait3A_346] : memref<4x2048x1024xf32, #tpu.memory_space<hbm>> -> memref<1x8x1024xf32, #tpu.memory_space<hbm>>
    %dma_wait3A_348 = tpu.memref_squeeze %dma_wait3A_347 : memref<1x8x1024xf32, #tpu.memory_space<hbm>> -> memref<8x1024xf32, #tpu.memory_space<hbm>>
    tpu.wait_dma2 semaphore(%arg27 : memref<!tpu.dma_semaphore, #tpu.memory_space<semaphore_mem>>) src(%dma_wait3A_348 : memref<8x1024xf32, #tpu.memory_space<hbm>>) dst(%arg13 : memref<8x1024xf32, #tpu.memory_space<vmem>>)
    %dma_wait3A_349 = arith.constant 1 : i32
    %dma_wait3A_350 = arith.constant 0 : i32
    %dma_wait3A_351 = tpu.memref_slice %arg2[%dma_wait3A_349, %add3A_165, %dma_wait3A_350] : memref<4x2048x1024xf32, #tpu.memory_space<hbm>> -> memref<1x8x1024xf32, #tpu.memory_space<hbm>>
    %dma_wait3A_352 = tpu.memref_squeeze %dma_wait3A_351 : memref<1x8x1024xf32, #tpu.memory_space<hbm>> -> memref<8x1024xf32, #tpu.memory_space<hbm>>
    %dma_wait3A_353 = arith.constant 0 : i32
    %dma_wait3A_354 = tpu.memref_slice %arg2[%dma_wait3A_349, %add3A_165, %dma_wait3A_353] : memref<4x2048x1024xf32, #tpu.memory_space<hbm>> -> memref<1x8x1024xf32, #tpu.memory_space<hbm>>
    %dma_wait3A_355 = tpu.memref_squeeze %dma_wait3A_354 : memref<1x8x1024xf32, #tpu.memory_space<hbm>> -> memref<8x1024xf32, #tpu.memory_space<hbm>>
    tpu.wait_dma2 semaphore(%arg28 : memref<!tpu.dma_semaphore, #tpu.memory_space<semaphore_mem>>) src(%dma_wait3A_355 : memref<8x1024xf32, #tpu.memory_space<hbm>>) dst(%arg14 : memref<8x1024xf32, #tpu.memory_space<vmem>>)
    %dma_wait3A_356 = arith.constant 2 : i32
    %dma_wait3A_357 = arith.constant 0 : i32
    %dma_wait3A_358 = tpu.memref_slice %arg2[%dma_wait3A_356, %add3A_174, %dma_wait3A_357] : memref<4x2048x1024xf32, #tpu.memory_space<hbm>> -> memref<1x8x1024xf32, #tpu.memory_space<hbm>>
    %dma_wait3A_359 = tpu.memref_squeeze %dma_wait3A_358 : memref<1x8x1024xf32, #tpu.memory_space<hbm>> -> memref<8x1024xf32, #tpu.memory_space<hbm>>
    %dma_wait3A_360 = arith.constant 0 : i32
    %dma_wait3A_361 = tpu.memref_slice %arg2[%dma_wait3A_356, %add3A_174, %dma_wait3A_360] : memref<4x2048x1024xf32, #tpu.memory_space<hbm>> -> memref<1x8x1024xf32, #tpu.memory_space<hbm>>
    %dma_wait3A_362 = tpu.memref_squeeze %dma_wait3A_361 : memref<1x8x1024xf32, #tpu.memory_space<hbm>> -> memref<8x1024xf32, #tpu.memory_space<hbm>>
    tpu.wait_dma2 semaphore(%arg29 : memref<!tpu.dma_semaphore, #tpu.memory_space<semaphore_mem>>) src(%dma_wait3A_362 : memref<8x1024xf32, #tpu.memory_space<hbm>>) dst(%arg15 : memref<8x1024xf32, #tpu.memory_space<vmem>>)
    %dma_wait3A_363 = arith.constant 3 : i32
    %dma_wait3A_364 = arith.constant 0 : i32
    %dma_wait3A_365 = tpu.memref_slice %arg2[%dma_wait3A_363, %add3A_183, %dma_wait3A_364] : memref<4x2048x1024xf32, #tpu.memory_space<hbm>> -> memref<1x8x1024xf32, #tpu.memory_space<hbm>>
    %dma_wait3A_366 = tpu.memref_squeeze %dma_wait3A_365 : memref<1x8x1024xf32, #tpu.memory_space<hbm>> -> memref<8x1024xf32, #tpu.memory_space<hbm>>
    %dma_wait3A_367 = arith.constant 0 : i32
    %dma_wait3A_368 = tpu.memref_slice %arg2[%dma_wait3A_363, %add3A_183, %dma_wait3A_367] : memref<4x2048x1024xf32, #tpu.memory_space<hbm>> -> memref<1x8x1024xf32, #tpu.memory_space<hbm>>
    %dma_wait3A_369 = tpu.memref_squeeze %dma_wait3A_368 : memref<1x8x1024xf32, #tpu.memory_space<hbm>> -> memref<8x1024xf32, #tpu.memory_space<hbm>>
    tpu.wait_dma2 semaphore(%arg30 : memref<!tpu.dma_semaphore, #tpu.memory_space<semaphore_mem>>) src(%dma_wait3A_369 : memref<8x1024xf32, #tpu.memory_space<hbm>>) dst(%arg16 : memref<8x1024xf32, #tpu.memory_space<vmem>>)
    %parallel_loop3A_370 = arith.constant 0 : i32
    %parallel_loop3A_371 = arith.constant 8192 : i32
    %parallel_loop3A_372 = arith.constant 16 : i32
    scf.for %parallel_loop3A_1128 = %parallel_loop3A_370 to %parallel_loop3A_371 step %parallel_loop3A_372  : i32 {
      %parallel_loop3A_1129 = arith.constant 10 : i32
      %parallel_loop3A_1130 = arith.shrsi %parallel_loop3A_1128, %parallel_loop3A_1129 : i32
      %parallel_loop3A_1131 = arith.constant 1023 : i32
      %parallel_loop3A_1132 = arith.andi %parallel_loop3A_1128, %parallel_loop3A_1131 : i32
      %parallel_loop3A_1133 = tpu.assume_multiple %parallel_loop3A_1132, 16 : i32
      %parallel_loop3A_1134 = arith.index_cast %parallel_loop3A_1130 : i32 to index
      %parallel_loop3A_1135 = arith.index_cast %parallel_loop3A_1133 : i32 to index
      %parallel_loop3A_1136 = tpu.vector_load %arg17[%parallel_loop3A_1134, %parallel_loop3A_1135] {strides = array<i32>} : memref<8x1024xf32, #tpu.memory_space<vmem>>, vector<1x16xf32>,
      %parallel_loop3A_1137 = vector.shape_cast %parallel_loop3A_1136 : vector<1x16xf32> to vector<16xf32>
      %parallel_loop3A_1138 = arith.index_cast %parallel_loop3A_1130 : i32 to index
      %parallel_loop3A_1139 = arith.index_cast %parallel_loop3A_1133 : i32 to index
      %parallel_loop3A_1140 = tpu.vector_load %arg13[%parallel_loop3A_1138, %parallel_loop3A_1139] {strides = array<i32>} : memref<8x1024xf32, #tpu.memory_space<vmem>>, vector<1x16xf32>,
      %parallel_loop3A_1141 = vector.shape_cast %parallel_loop3A_1140 : vector<1x16xf32> to vector<16xf32>
      %parallel_loop3A_1142 = vector.shape_cast %parallel_loop3A_1137 : vector<16xf32> to vector<1x16xf32>
      tpu.vector_store %arg13[%parallel_loop3A_1138, %parallel_loop3A_1139], %parallel_loop3A_1142 {add = true, strides = array<i32>} : memref<8x1024xf32, #tpu.memory_space<vmem>>, vector<1x16xf32>,
      %parallel_loop3A_1143 = arith.index_cast %parallel_loop3A_1130 : i32 to index
      %parallel_loop3A_1144 = arith.index_cast %parallel_loop3A_1133 : i32 to index
      %parallel_loop3A_1145 = tpu.vector_load %arg14[%parallel_loop3A_1143, %parallel_loop3A_1144] {strides = array<i32>} : memref<8x1024xf32, #tpu.memory_space<vmem>>, vector<1x16xf32>,
      %parallel_loop3A_1146 = vector.shape_cast %parallel_loop3A_1145 : vector<1x16xf32> to vector<16xf32>
      %parallel_loop3A_1147 = vector.shape_cast %parallel_loop3A_1137 : vector<16xf32> to vector<1x16xf32>
      tpu.vector_store %arg14[%parallel_loop3A_1143, %parallel_loop3A_1144], %parallel_loop3A_1147 {add = true, strides = array<i32>} : memref<8x1024xf32, #tpu.memory_space<vmem>>, vector<1x16xf32>,
      %parallel_loop3A_1148 = arith.index_cast %parallel_loop3A_1130 : i32 to index
      %parallel_loop3A_1149 = arith.index_cast %parallel_loop3A_1133 : i32 to index
      %parallel_loop3A_1150 = tpu.vector_load %arg15[%parallel_loop3A_1148, %parallel_loop3A_1149] {strides = array<i32>} : memref<8x1024xf32, #tpu.memory_space<vmem>>, vector<1x16xf32>,
      %parallel_loop3A_1151 = vector.shape_cast %parallel_loop3A_1150 : vector<1x16xf32> to vector<16xf32>
      %parallel_loop3A_1152 = vector.shape_cast %parallel_loop3A_1137 : vector<16xf32> to vector<1x16xf32>
      tpu.vector_store %arg15[%parallel_loop3A_1148, %parallel_loop3A_1149], %parallel_loop3A_1152 {add = true, strides = array<i32>} : memref<8x1024xf32, #tpu.memory_space<vmem>>, vector<1x16xf32>,
      %parallel_loop3A_1153 = arith.index_cast %parallel_loop3A_1130 : i32 to index
      %parallel_loop3A_1154 = arith.index_cast %parallel_loop3A_1133 : i32 to index
      %parallel_loop3A_1155 = tpu.vector_load %arg16[%parallel_loop3A_1153, %parallel_loop3A_1154] {strides = array<i32>} : memref<8x1024xf32, #tpu.memory_space<vmem>>, vector<1x16xf32>,
      %parallel_loop3A_1156 = vector.shape_cast %parallel_loop3A_1155 : vector<1x16xf32> to vector<16xf32>
      %parallel_loop3A_1157 = vector.shape_cast %parallel_loop3A_1137 : vector<16xf32> to vector<1x16xf32>
      tpu.vector_store %arg16[%parallel_loop3A_1153, %parallel_loop3A_1154], %parallel_loop3A_1157 {add = true, strides = array<i32>} : memref<8x1024xf32, #tpu.memory_space<vmem>>, vector<1x16xf32>,
    } {sc.loop_unroll_factor = 4 : i64, sc.parallel_access}
    %add3A_373 = arith.constant 16 : i32
    %add3A_374 = arith.addi %mul3A_2, %add3A_373 : i32
    %dma_start3A_375 = arith.constant 0 : i32
    %dma_start3A_376 = arith.constant 0 : i32
    %dma_start3A_377 = tpu.memref_slice %arg4[%dma_start3A_375, %add3A_374, %dma_start3A_376] : memref<4x2048x1024xf32, #tpu.memory_space<hbm>> -> memref<1x8x1024xf32, #tpu.memory_space<hbm>>
    %dma_start3A_378 = tpu.memref_squeeze %dma_start3A_377 : memref<1x8x1024xf32, #tpu.memory_space<hbm>> -> memref<8x1024xf32, #tpu.memory_space<hbm>>
    %dma_start3A_379 = arith.constant 0 : i32
    %dma_start3A_380 = tpu.memref_slice %arg4[%dma_start3A_375, %add3A_374, %dma_start3A_379] : memref<4x2048x1024xf32, #tpu.memory_space<hbm>> -> memref<1x8x1024xf32, #tpu.memory_space<hbm>>
    %dma_start3A_381 = tpu.memref_squeeze %dma_start3A_380 : memref<1x8x1024xf32, #tpu.memory_space<hbm>> -> memref<8x1024xf32, #tpu.memory_space<hbm>>
    tpu.enqueue_dma source(%arg13 : memref<8x1024xf32, #tpu.memory_space<vmem>>) target(%dma_start3A_381 : memref<8x1024xf32, #tpu.memory_space<hbm>>) target_semaphore(%arg39 : memref<!tpu.dma_semaphore, #tpu.memory_space<semaphore_mem>>)
    %add3A_382 = arith.constant 16 : i32
    %add3A_383 = arith.addi %mul3A_2, %add3A_382 : i32
    %dma_start3A_384 = arith.constant 1 : i32
    %dma_start3A_385 = arith.constant 0 : i32
    %dma_start3A_386 = tpu.memref_slice %arg4[%dma_start3A_384, %add3A_383, %dma_start3A_385] : memref<4x2048x1024xf32, #tpu.memory_space<hbm>> -> memref<1x8x1024xf32, #tpu.memory_space<hbm>>
    %dma_start3A_387 = tpu.memref_squeeze %dma_start3A_386 : memref<1x8x1024xf32, #tpu.memory_space<hbm>> -> memref<8x1024xf32, #tpu.memory_space<hbm>>
    %dma_start3A_388 = arith.constant 0 : i32
    %dma_start3A_389 = tpu.memref_slice %arg4[%dma_start3A_384, %add3A_383, %dma_start3A_388] : memref<4x2048x1024xf32, #tpu.memory_space<hbm>> -> memref<1x8x1024xf32, #tpu.memory_space<hbm>>
    %dma_start3A_390 = tpu.memref_squeeze %dma_start3A_389 : memref<1x8x1024xf32, #tpu.memory_space<hbm>> -> memref<8x1024xf32, #tpu.memory_space<hbm>>
    tpu.enqueue_dma source(%arg14 : memref<8x1024xf32, #tpu.memory_space<vmem>>) target(%dma_start3A_390 : memref<8x1024xf32, #tpu.memory_space<hbm>>) target_semaphore(%arg40 : memref<!tpu.dma_semaphore, #tpu.memory_space<semaphore_mem>>)
    %add3A_391 = arith.constant 16 : i32
    %add3A_392 = arith.addi %mul3A_2, %add3A_391 : i32
    %dma_start3A_393 = arith.constant 2 : i32
    %dma_start3A_394 = arith.constant 0 : i32
    %dma_start3A_395 = tpu.memref_slice %arg4[%dma_start3A_393, %add3A_392, %dma_start3A_394] : memref<4x2048x1024xf32, #tpu.memory_space<hbm>> -> memref<1x8x1024xf32, #tpu.memory_space<hbm>>
    %dma_start3A_396 = tpu.memref_squeeze %dma_start3A_395 : memref<1x8x1024xf32, #tpu.memory_space<hbm>> -> memref<8x1024xf32, #tpu.memory_space<hbm>>
    %dma_start3A_397 = arith.constant 0 : i32
    %dma_start3A_398 = tpu.memref_slice %arg4[%dma_start3A_393, %add3A_392, %dma_start3A_397] : memref<4x2048x1024xf32, #tpu.memory_space<hbm>> -> memref<1x8x1024xf32, #tpu.memory_space<hbm>>
    %dma_start3A_399 = tpu.memref_squeeze %dma_start3A_398 : memref<1x8x1024xf32, #tpu.memory_space<hbm>> -> memref<8x1024xf32, #tpu.memory_space<hbm>>
    tpu.enqueue_dma source(%arg15 : memref<8x1024xf32, #tpu.memory_space<vmem>>) target(%dma_start3A_399 : memref<8x1024xf32, #tpu.memory_space<hbm>>) target_semaphore(%arg41 : memref<!tpu.dma_semaphore, #tpu.memory_space<semaphore_mem>>)
    %add3A_400 = arith.constant 16 : i32
    %add3A_401 = arith.addi %mul3A_2, %add3A_400 : i32
    %dma_start3A_402 = arith.constant 3 : i32
    %dma_start3A_403 = arith.constant 0 : i32
    %dma_start3A_404 = tpu.memref_slice %arg4[%dma_start3A_402, %add3A_401, %dma_start3A_403] : memref<4x2048x1024xf32, #tpu.memory_space<hbm>> -> memref<1x8x1024xf32, #tpu.memory_space<hbm>>
    %dma_start3A_405 = tpu.memref_squeeze %dma_start3A_404 : memref<1x8x1024xf32, #tpu.memory_space<hbm>> -> memref<8x1024xf32, #tpu.memory_space<hbm>>
    %dma_start3A_406 = arith.constant 0 : i32
    %dma_start3A_407 = tpu.memref_slice %arg4[%dma_start3A_402, %add3A_401, %dma_start3A_406] : memref<4x2048x1024xf32, #tpu.memory_space<hbm>> -> memref<1x8x1024xf32, #tpu.memory_space<hbm>>
    %dma_start3A_408 = tpu.memref_squeeze %dma_start3A_407 : memref<1x8x1024xf32, #tpu.memory_space<hbm>> -> memref<8x1024xf32, #tpu.memory_space<hbm>>
    tpu.enqueue_dma source(%arg16 : memref<8x1024xf32, #tpu.memory_space<vmem>>) target(%dma_start3A_408 : memref<8x1024xf32, #tpu.memory_space<hbm>>) target_semaphore(%arg42 : memref<!tpu.dma_semaphore, #tpu.memory_space<semaphore_mem>>)
    %dma_wait3A_409 = arith.constant 0 : i32
    %dma_wait3A_410 = arith.constant 0 : i32
    %dma_wait3A_411 = tpu.memref_slice %arg4[%dma_wait3A_409, %add3A_233, %dma_wait3A_410] : memref<4x2048x1024xf32, #tpu.memory_space<hbm>> -> memref<1x8x1024xf32, #tpu.memory_space<hbm>>
    %dma_wait3A_412 = tpu.memref_squeeze %dma_wait3A_411 : memref<1x8x1024xf32, #tpu.memory_space<hbm>> -> memref<8x1024xf32, #tpu.memory_space<hbm>>
    %dma_wait3A_413 = arith.constant 0 : i32
    %dma_wait3A_414 = tpu.memref_slice %arg4[%dma_wait3A_409, %add3A_233, %dma_wait3A_413] : memref<4x2048x1024xf32, #tpu.memory_space<hbm>> -> memref<1x8x1024xf32, #tpu.memory_space<hbm>>
    %dma_wait3A_415 = tpu.memref_squeeze %dma_wait3A_414 : memref<1x8x1024xf32, #tpu.memory_space<hbm>> -> memref<8x1024xf32, #tpu.memory_space<hbm>>
    tpu.wait_dma2 semaphore(%arg35 : memref<!tpu.dma_semaphore, #tpu.memory_space<semaphore_mem>>) src(%arg9 : memref<8x1024xf32, #tpu.memory_space<vmem>>) dst(%dma_wait3A_415 : memref<8x1024xf32, #tpu.memory_space<hbm>>)
    %dma_wait3A_416 = arith.constant 1 : i32
    %dma_wait3A_417 = arith.constant 0 : i32
    %dma_wait3A_418 = tpu.memref_slice %arg4[%dma_wait3A_416, %add3A_242, %dma_wait3A_417] : memref<4x2048x1024xf32, #tpu.memory_space<hbm>> -> memref<1x8x1024xf32, #tpu.memory_space<hbm>>
    %dma_wait3A_419 = tpu.memref_squeeze %dma_wait3A_418 : memref<1x8x1024xf32, #tpu.memory_space<hbm>> -> memref<8x1024xf32, #tpu.memory_space<hbm>>
    %dma_wait3A_420 = arith.constant 0 : i32
    %dma_wait3A_421 = tpu.memref_slice %arg4[%dma_wait3A_416, %add3A_242, %dma_wait3A_420] : memref<4x2048x1024xf32, #tpu.memory_space<hbm>> -> memref<1x8x1024xf32, #tpu.memory_space<hbm>>
    %dma_wait3A_422 = tpu.memref_squeeze %dma_wait3A_421 : memref<1x8x1024xf32, #tpu.memory_space<hbm>> -> memref<8x1024xf32, #tpu.memory_space<hbm>>
    tpu.wait_dma2 semaphore(%arg36 : memref<!tpu.dma_semaphore, #tpu.memory_space<semaphore_mem>>) src(%arg10 : memref<8x1024xf32, #tpu.memory_space<vmem>>) dst(%dma_wait3A_422 : memref<8x1024xf32, #tpu.memory_space<hbm>>)
    %dma_wait3A_423 = arith.constant 2 : i32
    %dma_wait3A_424 = arith.constant 0 : i32
    %dma_wait3A_425 = tpu.memref_slice %arg4[%dma_wait3A_423, %add3A_251, %dma_wait3A_424] : memref<4x2048x1024xf32, #tpu.memory_space<hbm>> -> memref<1x8x1024xf32, #tpu.memory_space<hbm>>
    %dma_wait3A_426 = tpu.memref_squeeze %dma_wait3A_425 : memref<1x8x1024xf32, #tpu.memory_space<hbm>> -> memref<8x1024xf32, #tpu.memory_space<hbm>>
    %dma_wait3A_427 = arith.constant 0 : i32
    %dma_wait3A_428 = tpu.memref_slice %arg4[%dma_wait3A_423, %add3A_251, %dma_wait3A_427] : memref<4x2048x1024xf32, #tpu.memory_space<hbm>> -> memref<1x8x1024xf32, #tpu.memory_space<hbm>>
    %dma_wait3A_429 = tpu.memref_squeeze %dma_wait3A_428 : memref<1x8x1024xf32, #tpu.memory_space<hbm>> -> memref<8x1024xf32, #tpu.memory_space<hbm>>
    tpu.wait_dma2 semaphore(%arg37 : memref<!tpu.dma_semaphore, #tpu.memory_space<semaphore_mem>>) src(%arg11 : memref<8x1024xf32, #tpu.memory_space<vmem>>) dst(%dma_wait3A_429 : memref<8x1024xf32, #tpu.memory_space<hbm>>)
    %dma_wait3A_430 = arith.constant 3 : i32
    %dma_wait3A_431 = arith.constant 0 : i32
    %dma_wait3A_432 = tpu.memref_slice %arg4[%dma_wait3A_430, %add3A_260, %dma_wait3A_431] : memref<4x2048x1024xf32, #tpu.memory_space<hbm>> -> memref<1x8x1024xf32, #tpu.memory_space<hbm>>
    %dma_wait3A_433 = tpu.memref_squeeze %dma_wait3A_432 : memref<1x8x1024xf32, #tpu.memory_space<hbm>> -> memref<8x1024xf32, #tpu.memory_space<hbm>>
    %dma_wait3A_434 = arith.constant 0 : i32
    %dma_wait3A_435 = tpu.memref_slice %arg4[%dma_wait3A_430, %add3A_260, %dma_wait3A_434] : memref<4x2048x1024xf32, #tpu.memory_space<hbm>> -> memref<1x8x1024xf32, #tpu.memory_space<hbm>>
    %dma_wait3A_436 = tpu.memref_squeeze %dma_wait3A_435 : memref<1x8x1024xf32, #tpu.memory_space<hbm>> -> memref<8x1024xf32, #tpu.memory_space<hbm>>
    tpu.wait_dma2 semaphore(%arg38 : memref<!tpu.dma_semaphore, #tpu.memory_space<semaphore_mem>>) src(%arg12 : memref<8x1024xf32, #tpu.memory_space<vmem>>) dst(%dma_wait3A_436 : memref<8x1024xf32, #tpu.memory_space<hbm>>)
    %add3A_437 = arith.constant 32 : i32
    %add3A_438 = arith.addi %mul3A_2, %add3A_437 : i32
    %dma_start3A_439 = arith.constant 0 : i32
    %dma_start3A_440 = arith.constant 0 : i32
    %dma_start3A_441 = tpu.memref_slice %arg2[%dma_start3A_439, %add3A_438, %dma_start3A_440] : memref<4x2048x1024xf32, #tpu.memory_space<hbm>> -> memref<1x8x1024xf32, #tpu.memory_space<hbm>>
    %dma_start3A_442 = tpu.memref_squeeze %dma_start3A_441 : memref<1x8x1024xf32, #tpu.memory_space<hbm>> -> memref<8x1024xf32, #tpu.memory_space<hbm>>
    %dma_start3A_443 = arith.constant 0 : i32
    %dma_start3A_444 = tpu.memref_slice %arg2[%dma_start3A_439, %add3A_438, %dma_start3A_443] : memref<4x2048x1024xf32, #tpu.memory_space<hbm>> -> memref<1x8x1024xf32, #tpu.memory_space<hbm>>
    %dma_start3A_445 = tpu.memref_squeeze %dma_start3A_444 : memref<1x8x1024xf32, #tpu.memory_space<hbm>> -> memref<8x1024xf32, #tpu.memory_space<hbm>>
    tpu.enqueue_dma source(%dma_start3A_445 : memref<8x1024xf32, #tpu.memory_space<hbm>>) target(%arg9 : memref<8x1024xf32, #tpu.memory_space<vmem>>) target_semaphore(%arg23 : memref<!tpu.dma_semaphore, #tpu.memory_space<semaphore_mem>>)
    %add3A_446 = arith.constant 32 : i32
    %add3A_447 = arith.addi %mul3A_2, %add3A_446 : i32
    %dma_start3A_448 = arith.constant 1 : i32
    %dma_start3A_449 = arith.constant 0 : i32
    %dma_start3A_450 = tpu.memref_slice %arg2[%dma_start3A_448, %add3A_447, %dma_start3A_449] : memref<4x2048x1024xf32, #tpu.memory_space<hbm>> -> memref<1x8x1024xf32, #tpu.memory_space<hbm>>
    %dma_start3A_451 = tpu.memref_squeeze %dma_start3A_450 : memref<1x8x1024xf32, #tpu.memory_space<hbm>> -> memref<8x1024xf32, #tpu.memory_space<hbm>>
    %dma_start3A_452 = arith.constant 0 : i32
    %dma_start3A_453 = tpu.memref_slice %arg2[%dma_start3A_448, %add3A_447, %dma_start3A_452] : memref<4x2048x1024xf32, #tpu.memory_space<hbm>> -> memref<1x8x1024xf32, #tpu.memory_space<hbm>>
    %dma_start3A_454 = tpu.memref_squeeze %dma_start3A_453 : memref<1x8x1024xf32, #tpu.memory_space<hbm>> -> memref<8x1024xf32, #tpu.memory_space<hbm>>
    tpu.enqueue_dma source(%dma_start3A_454 : memref<8x1024xf32, #tpu.memory_space<hbm>>) target(%arg10 : memref<8x1024xf32, #tpu.memory_space<vmem>>) target_semaphore(%arg24 : memref<!tpu.dma_semaphore, #tpu.memory_space<semaphore_mem>>)
    %add3A_455 = arith.constant 32 : i32
    %add3A_456 = arith.addi %mul3A_2, %add3A_455 : i32
    %dma_start3A_457 = arith.constant 2 : i32
    %dma_start3A_458 = arith.constant 0 : i32
    %dma_start3A_459 = tpu.memref_slice %arg2[%dma_start3A_457, %add3A_456, %dma_start3A_458] : memref<4x2048x1024xf32, #tpu.memory_space<hbm>> -> memref<1x8x1024xf32, #tpu.memory_space<hbm>>
    %dma_start3A_460 = tpu.memref_squeeze %dma_start3A_459 : memref<1x8x1024xf32, #tpu.memory_space<hbm>> -> memref<8x1024xf32, #tpu.memory_space<hbm>>
    %dma_start3A_461 = arith.constant 0 : i32
    %dma_start3A_462 = tpu.memref_slice %arg2[%dma_start3A_457, %add3A_456, %dma_start3A_461] : memref<4x2048x1024xf32, #tpu.memory_space<hbm>> -> memref<1x8x1024xf32, #tpu.memory_space<hbm>>
    %dma_start3A_463 = tpu.memref_squeeze %dma_start3A_462 : memref<1x8x1024xf32, #tpu.memory_space<hbm>> -> memref<8x1024xf32, #tpu.memory_space<hbm>>
    tpu.enqueue_dma source(%dma_start3A_463 : memref<8x1024xf32, #tpu.memory_space<hbm>>) target(%arg11 : memref<8x1024xf32, #tpu.memory_space<vmem>>) target_semaphore(%arg25 : memref<!tpu.dma_semaphore, #tpu.memory_space<semaphore_mem>>)
    %add3A_464 = arith.constant 32 : i32
    %add3A_465 = arith.addi %mul3A_2, %add3A_464 : i32
    %dma_start3A_466 = arith.constant 3 : i32
    %dma_start3A_467 = arith.constant 0 : i32
    %dma_start3A_468 = tpu.memref_slice %arg2[%dma_start3A_466, %add3A_465, %dma_start3A_467] : memref<4x2048x1024xf32, #tpu.memory_space<hbm>> -> memref<1x8x1024xf32, #tpu.memory_space<hbm>>
    %dma_start3A_469 = tpu.memref_squeeze %dma_start3A_468 : memref<1x8x1024xf32, #tpu.memory_space<hbm>> -> memref<8x1024xf32, #tpu.memory_space<hbm>>
    %dma_start3A_470 = arith.constant 0 : i32
    %dma_start3A_471 = tpu.memref_slice %arg2[%dma_start3A_466, %add3A_465, %dma_start3A_470] : memref<4x2048x1024xf32, #tpu.memory_space<hbm>> -> memref<1x8x1024xf32, #tpu.memory_space<hbm>>
    %dma_start3A_472 = tpu.memref_squeeze %dma_start3A_471 : memref<1x8x1024xf32, #tpu.memory_space<hbm>> -> memref<8x1024xf32, #tpu.memory_space<hbm>>
    tpu.enqueue_dma source(%dma_start3A_472 : memref<8x1024xf32, #tpu.memory_space<hbm>>) target(%arg12 : memref<8x1024xf32, #tpu.memory_space<vmem>>) target_semaphore(%arg26 : memref<!tpu.dma_semaphore, #tpu.memory_space<semaphore_mem>>)
    %add3A_473 = arith.constant 32 : i32
    %add3A_474 = arith.addi %mul3A_2, %add3A_473 : i32
    %dma_start3A_475 = arith.constant 0 : i32
    %dma_start3A_476 = tpu.memref_slice %arg3[%add3A_474, %dma_start3A_475] : memref<2048x1024xf32, #tpu.memory_space<hbm>> -> memref<8x1024xf32, #tpu.memory_space<hbm>>
    %dma_start3A_477 = arith.constant 0 : i32
    %dma_start3A_478 = tpu.memref_slice %arg3[%add3A_474, %dma_start3A_477] : memref<2048x1024xf32, #tpu.memory_space<hbm>> -> memref<8x1024xf32, #tpu.memory_space<hbm>>
    tpu.enqueue_dma source(%dma_start3A_478 : memref<8x1024xf32, #tpu.memory_space<hbm>>) target(%arg17 : memref<8x1024xf32, #tpu.memory_space<vmem>>) target_semaphore(%arg43 : memref<!tpu.dma_semaphore, #tpu.memory_space<semaphore_mem>>)
    %dma_wait3A_479 = arith.constant 0 : i32
    %dma_wait3A_480 = tpu.memref_slice %arg3[%add3A_333, %dma_wait3A_479] : memref<2048x1024xf32, #tpu.memory_space<hbm>> -> memref<8x1024xf32, #tpu.memory_space<hbm>>
    %dma_wait3A_481 = arith.constant 0 : i32
    %dma_wait3A_482 = tpu.memref_slice %arg3[%add3A_333, %dma_wait3A_481] : memref<2048x1024xf32, #tpu.memory_space<hbm>> -> memref<8x1024xf32, #tpu.memory_space<hbm>>
    tpu.wait_dma2 semaphore(%arg44 : memref<!tpu.dma_semaphore, #tpu.memory_space<semaphore_mem>>) src(%dma_wait3A_482 : memref<8x1024xf32, #tpu.memory_space<hbm>>) dst(%arg18 : memref<8x1024xf32, #tpu.memory_space<vmem>>)
    %dma_wait3A_483 = arith.constant 0 : i32
    %dma_wait3A_484 = arith.constant 0 : i32
    %dma_wait3A_485 = tpu.memref_slice %arg2[%dma_wait3A_483, %add3A_297, %dma_wait3A_484] : memref<4x2048x1024xf32, #tpu.memory_space<hbm>> -> memref<1x8x1024xf32, #tpu.memory_space<hbm>>
    %dma_wait3A_486 = tpu.memref_squeeze %dma_wait3A_485 : memref<1x8x1024xf32, #tpu.memory_space<hbm>> -> memref<8x1024xf32, #tpu.memory_space<hbm>>
    %dma_wait3A_487 = arith.constant 0 : i32
    %dma_wait3A_488 = tpu.memref_slice %arg2[%dma_wait3A_483, %add3A_297, %dma_wait3A_487] : memref<4x2048x1024xf32, #tpu.memory_space<hbm>> -> memref<1x8x1024xf32, #tpu.memory_space<hbm>>
    %dma_wait3A_489 = tpu.memref_squeeze %dma_wait3A_488 : memref<1x8x1024xf32, #tpu.memory_space<hbm>> -> memref<8x1024xf32, #tpu.memory_space<hbm>>
    tpu.wait_dma2 semaphore(%arg19 : memref<!tpu.dma_semaphore, #tpu.memory_space<semaphore_mem>>) src(%dma_wait3A_489 : memref<8x1024xf32, #tpu.memory_space<hbm>>) dst(%arg5 : memref<8x1024xf32, #tpu.memory_space<vmem>>)
    %dma_wait3A_490 = arith.constant 1 : i32
    %dma_wait3A_491 = arith.constant 0 : i32
    %dma_wait3A_492 = tpu.memref_slice %arg2[%dma_wait3A_490, %add3A_306, %dma_wait3A_491] : memref<4x2048x1024xf32, #tpu.memory_space<hbm>> -> memref<1x8x1024xf32, #tpu.memory_space<hbm>>
    %dma_wait3A_493 = tpu.memref_squeeze %dma_wait3A_492 : memref<1x8x1024xf32, #tpu.memory_space<hbm>> -> memref<8x1024xf32, #tpu.memory_space<hbm>>
    %dma_wait3A_494 = arith.constant 0 : i32
    %dma_wait3A_495 = tpu.memref_slice %arg2[%dma_wait3A_490, %add3A_306, %dma_wait3A_494] : memref<4x2048x1024xf32, #tpu.memory_space<hbm>> -> memref<1x8x1024xf32, #tpu.memory_space<hbm>>
    %dma_wait3A_496 = tpu.memref_squeeze %dma_wait3A_495 : memref<1x8x1024xf32, #tpu.memory_space<hbm>> -> memref<8x1024xf32, #tpu.memory_space<hbm>>
    tpu.wait_dma2 semaphore(%arg20 : memref<!tpu.dma_semaphore, #tpu.memory_space<semaphore_mem>>) src(%dma_wait3A_496 : memref<8x1024xf32, #tpu.memory_space<hbm>>) dst(%arg6 : memref<8x1024xf32, #tpu.memory_space<vmem>>)
    %dma_wait3A_497 = arith.constant 2 : i32
    %dma_wait3A_498 = arith.constant 0 : i32
    %dma_wait3A_499 = tpu.memref_slice %arg2[%dma_wait3A_497, %add3A_315, %dma_wait3A_498] : memref<4x2048x1024xf32, #tpu.memory_space<hbm>> -> memref<1x8x1024xf32, #tpu.memory_space<hbm>>
    %dma_wait3A_500 = tpu.memref_squeeze %dma_wait3A_499 : memref<1x8x1024xf32, #tpu.memory_space<hbm>> -> memref<8x1024xf32, #tpu.memory_space<hbm>>
    %dma_wait3A_501 = arith.constant 0 : i32
    %dma_wait3A_502 = tpu.memref_slice %arg2[%dma_wait3A_497, %add3A_315, %dma_wait3A_501] : memref<4x2048x1024xf32, #tpu.memory_space<hbm>> -> memref<1x8x1024xf32, #tpu.memory_space<hbm>>
    %dma_wait3A_503 = tpu.memref_squeeze %dma_wait3A_502 : memref<1x8x1024xf32, #tpu.memory_space<hbm>> -> memref<8x1024xf32, #tpu.memory_space<hbm>>
    tpu.wait_dma2 semaphore(%arg21 : memref<!tpu.dma_semaphore, #tpu.memory_space<semaphore_mem>>) src(%dma_wait3A_503 : memref<8x1024xf32, #tpu.memory_space<hbm>>) dst(%arg7 : memref<8x1024xf32, #tpu.memory_space<vmem>>)
    %dma_wait3A_504 = arith.constant 3 : i32
    %dma_wait3A_505 = arith.constant 0 : i32
    %dma_wait3A_506 = tpu.memref_slice %arg2[%dma_wait3A_504, %add3A_324, %dma_wait3A_505] : memref<4x2048x1024xf32, #tpu.memory_space<hbm>> -> memref<1x8x1024xf32, #tpu.memory_space<hbm>>
    %dma_wait3A_507 = tpu.memref_squeeze %dma_wait3A_506 : memref<1x8x1024xf32, #tpu.memory_space<hbm>> -> memref<8x1024xf32, #tpu.memory_space<hbm>>
    %dma_wait3A_508 = arith.constant 0 : i32
    %dma_wait3A_509 = tpu.memref_slice %arg2[%dma_wait3A_504, %add3A_324, %dma_wait3A_508] : memref<4x2048x1024xf32, #tpu.memory_space<hbm>> -> memref<1x8x1024xf32, #tpu.memory_space<hbm>>
    %dma_wait3A_510 = tpu.memref_squeeze %dma_wait3A_509 : memref<1x8x1024xf32, #tpu.memory_space<hbm>> -> memref<8x1024xf32, #tpu.memory_space<hbm>>
    tpu.wait_dma2 semaphore(%arg22 : memref<!tpu.dma_semaphore, #tpu.memory_space<semaphore_mem>>) src(%dma_wait3A_510 : memref<8x1024xf32, #tpu.memory_space<hbm>>) dst(%arg8 : memref<8x1024xf32, #tpu.memory_space<vmem>>)
    %parallel_loop3A_511 = arith.constant 0 : i32
    %parallel_loop3A_512 = arith.constant 8192 : i32
    %parallel_loop3A_513 = arith.constant 16 : i32
    scf.for %parallel_loop3A_1128 = %parallel_loop3A_511 to %parallel_loop3A_512 step %parallel_loop3A_513  : i32 {
      %parallel_loop3A_1129 = arith.constant 10 : i32
      %parallel_loop3A_1130 = arith.shrsi %parallel_loop3A_1128, %parallel_loop3A_1129 : i32
      %parallel_loop3A_1131 = arith.constant 1023 : i32
      %parallel_loop3A_1132 = arith.andi %parallel_loop3A_1128, %parallel_loop3A_1131 : i32
      %parallel_loop3A_1133 = tpu.assume_multiple %parallel_loop3A_1132, 16 : i32
      %parallel_loop3A_1134 = arith.index_cast %parallel_loop3A_1130 : i32 to index
      %parallel_loop3A_1135 = arith.index_cast %parallel_loop3A_1133 : i32 to index
      %parallel_loop3A_1136 = tpu.vector_load %arg18[%parallel_loop3A_1134, %parallel_loop3A_1135] {strides = array<i32>} : memref<8x1024xf32, #tpu.memory_space<vmem>>, vector<1x16xf32>,
      %parallel_loop3A_1137 = vector.shape_cast %parallel_loop3A_1136 : vector<1x16xf32> to vector<16xf32>
      %parallel_loop3A_1138 = arith.index_cast %parallel_loop3A_1130 : i32 to index
      %parallel_loop3A_1139 = arith.index_cast %parallel_loop3A_1133 : i32 to index
      %parallel_loop3A_1140 = tpu.vector_load %arg5[%parallel_loop3A_1138, %parallel_loop3A_1139] {strides = array<i32>} : memref<8x1024xf32, #tpu.memory_space<vmem>>, vector<1x16xf32>,
      %parallel_loop3A_1141 = vector.shape_cast %parallel_loop3A_1140 : vector<1x16xf32> to vector<16xf32>
      %parallel_loop3A_1142 = vector.shape_cast %parallel_loop3A_1137 : vector<16xf32> to vector<1x16xf32>
      tpu.vector_store %arg5[%parallel_loop3A_1138, %parallel_loop3A_1139], %parallel_loop3A_1142 {add = true, strides = array<i32>} : memref<8x1024xf32, #tpu.memory_space<vmem>>, vector<1x16xf32>,
      %parallel_loop3A_1143 = arith.index_cast %parallel_loop3A_1130 : i32 to index
      %parallel_loop3A_1144 = arith.index_cast %parallel_loop3A_1133 : i32 to index
      %parallel_loop3A_1145 = tpu.vector_load %arg6[%parallel_loop3A_1143, %parallel_loop3A_1144] {strides = array<i32>} : memref<8x1024xf32, #tpu.memory_space<vmem>>, vector<1x16xf32>,
      %parallel_loop3A_1146 = vector.shape_cast %parallel_loop3A_1145 : vector<1x16xf32> to vector<16xf32>
      %parallel_loop3A_1147 = vector.shape_cast %parallel_loop3A_1137 : vector<16xf32> to vector<1x16xf32>
      tpu.vector_store %arg6[%parallel_loop3A_1143, %parallel_loop3A_1144], %parallel_loop3A_1147 {add = true, strides = array<i32>} : memref<8x1024xf32, #tpu.memory_space<vmem>>, vector<1x16xf32>,
      %parallel_loop3A_1148 = arith.index_cast %parallel_loop3A_1130 : i32 to index
      %parallel_loop3A_1149 = arith.index_cast %parallel_loop3A_1133 : i32 to index
      %parallel_loop3A_1150 = tpu.vector_load %arg7[%parallel_loop3A_1148, %parallel_loop3A_1149] {strides = array<i32>} : memref<8x1024xf32, #tpu.memory_space<vmem>>, vector<1x16xf32>,
      %parallel_loop3A_1151 = vector.shape_cast %parallel_loop3A_1150 : vector<1x16xf32> to vector<16xf32>
      %parallel_loop3A_1152 = vector.shape_cast %parallel_loop3A_1137 : vector<16xf32> to vector<1x16xf32>
      tpu.vector_store %arg7[%parallel_loop3A_1148, %parallel_loop3A_1149], %parallel_loop3A_1152 {add = true, strides = array<i32>} : memref<8x1024xf32, #tpu.memory_space<vmem>>, vector<1x16xf32>,
      %parallel_loop3A_1153 = arith.index_cast %parallel_loop3A_1130 : i32 to index
      %parallel_loop3A_1154 = arith.index_cast %parallel_loop3A_1133 : i32 to index
      %parallel_loop3A_1155 = tpu.vector_load %arg8[%parallel_loop3A_1153, %parallel_loop3A_1154] {strides = array<i32>} : memref<8x1024xf32, #tpu.memory_space<vmem>>, vector<1x16xf32>,
      %parallel_loop3A_1156 = vector.shape_cast %parallel_loop3A_1155 : vector<1x16xf32> to vector<16xf32>
      %parallel_loop3A_1157 = vector.shape_cast %parallel_loop3A_1137 : vector<16xf32> to vector<1x16xf32>
      tpu.vector_store %arg8[%parallel_loop3A_1153, %parallel_loop3A_1154], %parallel_loop3A_1157 {add = true, strides = array<i32>} : memref<8x1024xf32, #tpu.memory_space<vmem>>, vector<1x16xf32>,
    } {sc.loop_unroll_factor = 4 : i64, sc.parallel_access}
    %add3A_514 = arith.constant 24 : i32
    %add3A_515 = arith.addi %mul3A_2, %add3A_514 : i32
    %dma_start3A_516 = arith.constant 0 : i32
    %dma_start3A_517 = arith.constant 0 : i32
    %dma_start3A_518 = tpu.memref_slice %arg4[%dma_start3A_516, %add3A_515, %dma_start3A_517] : memref<4x2048x1024xf32, #tpu.memory_space<hbm>> -> memref<1x8x1024xf32, #tpu.memory_space<hbm>>
    %dma_start3A_519 = tpu.memref_squeeze %dma_start3A_518 : memref<1x8x1024xf32, #tpu.memory_space<hbm>> -> memref<8x1024xf32, #tpu.memory_space<hbm>>
    %dma_start3A_520 = arith.constant 0 : i32
    %dma_start3A_521 = tpu.memref_slice %arg4[%dma_start3A_516, %add3A_515, %dma_start3A_520] : memref<4x2048x1024xf32, #tpu.memory_space<hbm>> -> memref<1x8x1024xf32, #tpu.memory_space<hbm>>
    %dma_start3A_522 = tpu.memref_squeeze %dma_start3A_521 : memref<1x8x1024xf32, #tpu.memory_space<hbm>> -> memref<8x1024xf32, #tpu.memory_space<hbm>>
    tpu.enqueue_dma source(%arg5 : memref<8x1024xf32, #tpu.memory_space<vmem>>) target(%dma_start3A_522 : memref<8x1024xf32, #tpu.memory_space<hbm>>) target_semaphore(%arg31 : memref<!tpu.dma_semaphore, #tpu.memory_space<semaphore_mem>>)
    %add3A_523 = arith.constant 24 : i32
    %add3A_524 = arith.addi %mul3A_2, %add3A_523 : i32
    %dma_start3A_525 = arith.constant 1 : i32
    %dma_start3A_526 = arith.constant 0 : i32
    %dma_start3A_527 = tpu.memref_slice %arg4[%dma_start3A_525, %add3A_524, %dma_start3A_526] : memref<4x2048x1024xf32, #tpu.memory_space<hbm>> -> memref<1x8x1024xf32, #tpu.memory_space<hbm>>
    %dma_start3A_528 = tpu.memref_squeeze %dma_start3A_527 : memref<1x8x1024xf32, #tpu.memory_space<hbm>> -> memref<8x1024xf32, #tpu.memory_space<hbm>>
    %dma_start3A_529 = arith.constant 0 : i32
    %dma_start3A_530 = tpu.memref_slice %arg4[%dma_start3A_525, %add3A_524, %dma_start3A_529] : memref<4x2048x1024xf32, #tpu.memory_space<hbm>> -> memref<1x8x1024xf32, #tpu.memory_space<hbm>>
    %dma_start3A_531 = tpu.memref_squeeze %dma_start3A_530 : memref<1x8x1024xf32, #tpu.memory_space<hbm>> -> memref<8x1024xf32, #tpu.memory_space<hbm>>
    tpu.enqueue_dma source(%arg6 : memref<8x1024xf32, #tpu.memory_space<vmem>>) target(%dma_start3A_531 : memref<8x1024xf32, #tpu.memory_space<hbm>>) target_semaphore(%arg32 : memref<!tpu.dma_semaphore, #tpu.memory_space<semaphore_mem>>)
    %add3A_532 = arith.constant 24 : i32
    %add3A_533 = arith.addi %mul3A_2, %add3A_532 : i32
    %dma_start3A_534 = arith.constant 2 : i32
    %dma_start3A_535 = arith.constant 0 : i32
    %dma_start3A_536 = tpu.memref_slice %arg4[%dma_start3A_534, %add3A_533, %dma_start3A_535] : memref<4x2048x1024xf32, #tpu.memory_space<hbm>> -> memref<1x8x1024xf32, #tpu.memory_space<hbm>>
    %dma_start3A_537 = tpu.memref_squeeze %dma_start3A_536 : memref<1x8x1024xf32, #tpu.memory_space<hbm>> -> memref<8x1024xf32, #tpu.memory_space<hbm>>
    %dma_start3A_538 = arith.constant 0 : i32
    %dma_start3A_539 = tpu.memref_slice %arg4[%dma_start3A_534, %add3A_533, %dma_start3A_538] : memref<4x2048x1024xf32, #tpu.memory_space<hbm>> -> memref<1x8x1024xf32, #tpu.memory_space<hbm>>
    %dma_start3A_540 = tpu.memref_squeeze %dma_start3A_539 : memref<1x8x1024xf32, #tpu.memory_space<hbm>> -> memref<8x1024xf32, #tpu.memory_space<hbm>>
    tpu.enqueue_dma source(%arg7 : memref<8x1024xf32, #tpu.memory_space<vmem>>) target(%dma_start3A_540 : memref<8x1024xf32, #tpu.memory_space<hbm>>) target_semaphore(%arg33 : memref<!tpu.dma_semaphore, #tpu.memory_space<semaphore_mem>>)
    %add3A_541 = arith.constant 24 : i32
    %add3A_542 = arith.addi %mul3A_2, %add3A_541 : i32
    %dma_start3A_543 = arith.constant 3 : i32
    %dma_start3A_544 = arith.constant 0 : i32
    %dma_start3A_545 = tpu.memref_slice %arg4[%dma_start3A_543, %add3A_542, %dma_start3A_544] : memref<4x2048x1024xf32, #tpu.memory_space<hbm>> -> memref<1x8x1024xf32, #tpu.memory_space<hbm>>
    %dma_start3A_546 = tpu.memref_squeeze %dma_start3A_545 : memref<1x8x1024xf32, #tpu.memory_space<hbm>> -> memref<8x1024xf32, #tpu.memory_space<hbm>>
    %dma_start3A_547 = arith.constant 0 : i32
    %dma_start3A_548 = tpu.memref_slice %arg4[%dma_start3A_543, %add3A_542, %dma_start3A_547] : memref<4x2048x1024xf32, #tpu.memory_space<hbm>> -> memref<1x8x1024xf32, #tpu.memory_space<hbm>>
    %dma_start3A_549 = tpu.memref_squeeze %dma_start3A_548 : memref<1x8x1024xf32, #tpu.memory_space<hbm>> -> memref<8x1024xf32, #tpu.memory_space<hbm>>
    tpu.enqueue_dma source(%arg8 : memref<8x1024xf32, #tpu.memory_space<vmem>>) target(%dma_start3A_549 : memref<8x1024xf32, #tpu.memory_space<hbm>>) target_semaphore(%arg34 : memref<!tpu.dma_semaphore, #tpu.memory_space<semaphore_mem>>)
    %dma_wait3A_550 = arith.constant 0 : i32
    %dma_wait3A_551 = arith.constant 0 : i32
    %dma_wait3A_552 = tpu.memref_slice %arg4[%dma_wait3A_550, %add3A_374, %dma_wait3A_551] : memref<4x2048x1024xf32, #tpu.memory_space<hbm>> -> memref<1x8x1024xf32, #tpu.memory_space<hbm>>
    %dma_wait3A_553 = tpu.memref_squeeze %dma_wait3A_552 : memref<1x8x1024xf32, #tpu.memory_space<hbm>> -> memref<8x1024xf32, #tpu.memory_space<hbm>>
    %dma_wait3A_554 = arith.constant 0 : i32
    %dma_wait3A_555 = tpu.memref_slice %arg4[%dma_wait3A_550, %add3A_374, %dma_wait3A_554] : memref<4x2048x1024xf32, #tpu.memory_space<hbm>> -> memref<1x8x1024xf32, #tpu.memory_space<hbm>>
    %dma_wait3A_556 = tpu.memref_squeeze %dma_wait3A_555 : memref<1x8x1024xf32, #tpu.memory_space<hbm>> -> memref<8x1024xf32, #tpu.memory_space<hbm>>
    tpu.wait_dma2 semaphore(%arg39 : memref<!tpu.dma_semaphore, #tpu.memory_space<semaphore_mem>>) src(%arg13 : memref<8x1024xf32, #tpu.memory_space<vmem>>) dst(%dma_wait3A_556 : memref<8x1024xf32, #tpu.memory_space<hbm>>)
    %dma_wait3A_557 = arith.constant 1 : i32
    %dma_wait3A_558 = arith.constant 0 : i32
    %dma_wait3A_559 = tpu.memref_slice %arg4[%dma_wait3A_557, %add3A_383, %dma_wait3A_558] : memref<4x2048x1024xf32, #tpu.memory_space<hbm>> -> memref<1x8x1024xf32, #tpu.memory_space<hbm>>
    %dma_wait3A_560 = tpu.memref_squeeze %dma_wait3A_559 : memref<1x8x1024xf32, #tpu.memory_space<hbm>> -> memref<8x1024xf32, #tpu.memory_space<hbm>>
    %dma_wait3A_561 = arith.constant 0 : i32
    %dma_wait3A_562 = tpu.memref_slice %arg4[%dma_wait3A_557, %add3A_383, %dma_wait3A_561] : memref<4x2048x1024xf32, #tpu.memory_space<hbm>> -> memref<1x8x1024xf32, #tpu.memory_space<hbm>>
    %dma_wait3A_563 = tpu.memref_squeeze %dma_wait3A_562 : memref<1x8x1024xf32, #tpu.memory_space<hbm>> -> memref<8x1024xf32, #tpu.memory_space<hbm>>
    tpu.wait_dma2 semaphore(%arg40 : memref<!tpu.dma_semaphore, #tpu.memory_space<semaphore_mem>>) src(%arg14 : memref<8x1024xf32, #tpu.memory_space<vmem>>) dst(%dma_wait3A_563 : memref<8x1024xf32, #tpu.memory_space<hbm>>)
    %dma_wait3A_564 = arith.constant 2 : i32
    %dma_wait3A_565 = arith.constant 0 : i32
    %dma_wait3A_566 = tpu.memref_slice %arg4[%dma_wait3A_564, %add3A_392, %dma_wait3A_565] : memref<4x2048x1024xf32, #tpu.memory_space<hbm>> -> memref<1x8x1024xf32, #tpu.memory_space<hbm>>
    %dma_wait3A_567 = tpu.memref_squeeze %dma_wait3A_566 : memref<1x8x1024xf32, #tpu.memory_space<hbm>> -> memref<8x1024xf32, #tpu.memory_space<hbm>>
    %dma_wait3A_568 = arith.constant 0 : i32
    %dma_wait3A_569 = tpu.memref_slice %arg4[%dma_wait3A_564, %add3A_392, %dma_wait3A_568] : memref<4x2048x1024xf32, #tpu.memory_space<hbm>> -> memref<1x8x1024xf32, #tpu.memory_space<hbm>>
    %dma_wait3A_570 = tpu.memref_squeeze %dma_wait3A_569 : memref<1x8x1024xf32, #tpu.memory_space<hbm>> -> memref<8x1024xf32, #tpu.memory_space<hbm>>
    tpu.wait_dma2 semaphore(%arg41 : memref<!tpu.dma_semaphore, #tpu.memory_space<semaphore_mem>>) src(%arg15 : memref<8x1024xf32, #tpu.memory_space<vmem>>) dst(%dma_wait3A_570 : memref<8x1024xf32, #tpu.memory_space<hbm>>)
    %dma_wait3A_571 = arith.constant 3 : i32
    %dma_wait3A_572 = arith.constant 0 : i32
    %dma_wait3A_573 = tpu.memref_slice %arg4[%dma_wait3A_571, %add3A_401, %dma_wait3A_572] : memref<4x2048x1024xf32, #tpu.memory_space<hbm>> -> memref<1x8x1024xf32, #tpu.memory_space<hbm>>
    %dma_wait3A_574 = tpu.memref_squeeze %dma_wait3A_573 : memref<1x8x1024xf32, #tpu.memory_space<hbm>> -> memref<8x1024xf32, #tpu.memory_space<hbm>>
    %dma_wait3A_575 = arith.constant 0 : i32
    %dma_wait3A_576 = tpu.memref_slice %arg4[%dma_wait3A_571, %add3A_401, %dma_wait3A_575] : memref<4x2048x1024xf32, #tpu.memory_space<hbm>> -> memref<1x8x1024xf32, #tpu.memory_space<hbm>>
    %dma_wait3A_577 = tpu.memref_squeeze %dma_wait3A_576 : memref<1x8x1024xf32, #tpu.memory_space<hbm>> -> memref<8x1024xf32, #tpu.memory_space<hbm>>
    tpu.wait_dma2 semaphore(%arg42 : memref<!tpu.dma_semaphore, #tpu.memory_space<semaphore_mem>>) src(%arg16 : memref<8x1024xf32, #tpu.memory_space<vmem>>) dst(%dma_wait3A_577 : memref<8x1024xf32, #tpu.memory_space<hbm>>)
    %add3A_578 = arith.constant 40 : i32
    %add3A_579 = arith.addi %mul3A_2, %add3A_578 : i32
    %dma_start3A_580 = arith.constant 0 : i32
    %dma_start3A_581 = arith.constant 0 : i32
    %dma_start3A_582 = tpu.memref_slice %arg2[%dma_start3A_580, %add3A_579, %dma_start3A_581] : memref<4x2048x1024xf32, #tpu.memory_space<hbm>> -> memref<1x8x1024xf32, #tpu.memory_space<hbm>>
    %dma_start3A_583 = tpu.memref_squeeze %dma_start3A_582 : memref<1x8x1024xf32, #tpu.memory_space<hbm>> -> memref<8x1024xf32, #tpu.memory_space<hbm>>
    %dma_start3A_584 = arith.constant 0 : i32
    %dma_start3A_585 = tpu.memref_slice %arg2[%dma_start3A_580, %add3A_579, %dma_start3A_584] : memref<4x2048x1024xf32, #tpu.memory_space<hbm>> -> memref<1x8x1024xf32, #tpu.memory_space<hbm>>
    %dma_start3A_586 = tpu.memref_squeeze %dma_start3A_585 : memref<1x8x1024xf32, #tpu.memory_space<hbm>> -> memref<8x1024xf32, #tpu.memory_space<hbm>>
    tpu.enqueue_dma source(%dma_start3A_586 : memref<8x1024xf32, #tpu.memory_space<hbm>>) target(%arg13 : memref<8x1024xf32, #tpu.memory_space<vmem>>) target_semaphore(%arg27 : memref<!tpu.dma_semaphore, #tpu.memory_space<semaphore_mem>>)
    %add3A_587 = arith.constant 40 : i32
    %add3A_588 = arith.addi %mul3A_2, %add3A_587 : i32
    %dma_start3A_589 = arith.constant 1 : i32
    %dma_start3A_590 = arith.constant 0 : i32
    %dma_start3A_591 = tpu.memref_slice %arg2[%dma_start3A_589, %add3A_588, %dma_start3A_590] : memref<4x2048x1024xf32, #tpu.memory_space<hbm>> -> memref<1x8x1024xf32, #tpu.memory_space<hbm>>
    %dma_start3A_592 = tpu.memref_squeeze %dma_start3A_591 : memref<1x8x1024xf32, #tpu.memory_space<hbm>> -> memref<8x1024xf32, #tpu.memory_space<hbm>>
    %dma_start3A_593 = arith.constant 0 : i32
    %dma_start3A_594 = tpu.memref_slice %arg2[%dma_start3A_589, %add3A_588, %dma_start3A_593] : memref<4x2048x1024xf32, #tpu.memory_space<hbm>> -> memref<1x8x1024xf32, #tpu.memory_space<hbm>>
    %dma_start3A_595 = tpu.memref_squeeze %dma_start3A_594 : memref<1x8x1024xf32, #tpu.memory_space<hbm>> -> memref<8x1024xf32, #tpu.memory_space<hbm>>
    tpu.enqueue_dma source(%dma_start3A_595 : memref<8x1024xf32, #tpu.memory_space<hbm>>) target(%arg14 : memref<8x1024xf32, #tpu.memory_space<vmem>>) target_semaphore(%arg28 : memref<!tpu.dma_semaphore, #tpu.memory_space<semaphore_mem>>)
    %add3A_596 = arith.constant 40 : i32
    %add3A_597 = arith.addi %mul3A_2, %add3A_596 : i32
    %dma_start3A_598 = arith.constant 2 : i32
    %dma_start3A_599 = arith.constant 0 : i32
    %dma_start3A_600 = tpu.memref_slice %arg2[%dma_start3A_598, %add3A_597, %dma_start3A_599] : memref<4x2048x1024xf32, #tpu.memory_space<hbm>> -> memref<1x8x1024xf32, #tpu.memory_space<hbm>>
    %dma_start3A_601 = tpu.memref_squeeze %dma_start3A_600 : memref<1x8x1024xf32, #tpu.memory_space<hbm>> -> memref<8x1024xf32, #tpu.memory_space<hbm>>
    %dma_start3A_602 = arith.constant 0 : i32
    %dma_start3A_603 = tpu.memref_slice %arg2[%dma_start3A_598, %add3A_597, %dma_start3A_602] : memref<4x2048x1024xf32, #tpu.memory_space<hbm>> -> memref<1x8x1024xf32, #tpu.memory_space<hbm>>
    %dma_start3A_604 = tpu.memref_squeeze %dma_start3A_603 : memref<1x8x1024xf32, #tpu.memory_space<hbm>> -> memref<8x1024xf32, #tpu.memory_space<hbm>>
    tpu.enqueue_dma source(%dma_start3A_604 : memref<8x1024xf32, #tpu.memory_space<hbm>>) target(%arg15 : memref<8x1024xf32, #tpu.memory_space<vmem>>) target_semaphore(%arg29 : memref<!tpu.dma_semaphore, #tpu.memory_space<semaphore_mem>>)
    %add3A_605 = arith.constant 40 : i32
    %add3A_606 = arith.addi %mul3A_2, %add3A_605 : i32
    %dma_start3A_607 = arith.constant 3 : i32
    %dma_start3A_608 = arith.constant 0 : i32
    %dma_start3A_609 = tpu.memref_slice %arg2[%dma_start3A_607, %add3A_606, %dma_start3A_608] : memref<4x2048x1024xf32, #tpu.memory_space<hbm>> -> memref<1x8x1024xf32, #tpu.memory_space<hbm>>
    %dma_start3A_610 = tpu.memref_squeeze %dma_start3A_609 : memref<1x8x1024xf32, #tpu.memory_space<hbm>> -> memref<8x1024xf32, #tpu.memory_space<hbm>>
    %dma_start3A_611 = arith.constant 0 : i32
    %dma_start3A_612 = tpu.memref_slice %arg2[%dma_start3A_607, %add3A_606, %dma_start3A_611] : memref<4x2048x1024xf32, #tpu.memory_space<hbm>> -> memref<1x8x1024xf32, #tpu.memory_space<hbm>>
    %dma_start3A_613 = tpu.memref_squeeze %dma_start3A_612 : memref<1x8x1024xf32, #tpu.memory_space<hbm>> -> memref<8x1024xf32, #tpu.memory_space<hbm>>
    tpu.enqueue_dma source(%dma_start3A_613 : memref<8x1024xf32, #tpu.memory_space<hbm>>) target(%arg16 : memref<8x1024xf32, #tpu.memory_space<vmem>>) target_semaphore(%arg30 : memref<!tpu.dma_semaphore, #tpu.memory_space<semaphore_mem>>)
    %add3A_614 = arith.constant 40 : i32
    %add3A_615 = arith.addi %mul3A_2, %add3A_614 : i32
    %dma_start3A_616 = arith.constant 0 : i32
    %dma_start3A_617 = tpu.memref_slice %arg3[%add3A_615, %dma_start3A_616] : memref<2048x1024xf32, #tpu.memory_space<hbm>> -> memref<8x1024xf32, #tpu.memory_space<hbm>>
    %dma_start3A_618 = arith.constant 0 : i32
    %dma_start3A_619 = tpu.memref_slice %arg3[%add3A_615, %dma_start3A_618] : memref<2048x1024xf32, #tpu.memory_space<hbm>> -> memref<8x1024xf32, #tpu.memory_space<hbm>>
    tpu.enqueue_dma source(%dma_start3A_619 : memref<8x1024xf32, #tpu.memory_space<hbm>>) target(%arg18 : memref<8x1024xf32, #tpu.memory_space<vmem>>) target_semaphore(%arg44 : memref<!tpu.dma_semaphore, #tpu.memory_space<semaphore_mem>>)
    %dma_wait3A_620 = arith.constant 0 : i32
    %dma_wait3A_621 = tpu.memref_slice %arg3[%add3A_474, %dma_wait3A_620] : memref<2048x1024xf32, #tpu.memory_space<hbm>> -> memref<8x1024xf32, #tpu.memory_space<hbm>>
    %dma_wait3A_622 = arith.constant 0 : i32
    %dma_wait3A_623 = tpu.memref_slice %arg3[%add3A_474, %dma_wait3A_622] : memref<2048x1024xf32, #tpu.memory_space<hbm>> -> memref<8x1024xf32, #tpu.memory_space<hbm>>
    tpu.wait_dma2 semaphore(%arg43 : memref<!tpu.dma_semaphore, #tpu.memory_space<semaphore_mem>>) src(%dma_wait3A_623 : memref<8x1024xf32, #tpu.memory_space<hbm>>) dst(%arg17 : memref<8x1024xf32, #tpu.memory_space<vmem>>)
    %dma_wait3A_624 = arith.constant 0 : i32
    %dma_wait3A_625 = arith.constant 0 : i32
    %dma_wait3A_626 = tpu.memref_slice %arg2[%dma_wait3A_624, %add3A_438, %dma_wait3A_625] : memref<4x2048x1024xf32, #tpu.memory_space<hbm>> -> memref<1x8x1024xf32, #tpu.memory_space<hbm>>
    %dma_wait3A_627 = tpu.memref_squeeze %dma_wait3A_626 : memref<1x8x1024xf32, #tpu.memory_space<hbm>> -> memref<8x1024xf32, #tpu.memory_space<hbm>>
    %dma_wait3A_628 = arith.constant 0 : i32
    %dma_wait3A_629 = tpu.memref_slice %arg2[%dma_wait3A_624, %add3A_438, %dma_wait3A_628] : memref<4x2048x1024xf32, #tpu.memory_space<hbm>> -> memref<1x8x1024xf32, #tpu.memory_space<hbm>>
    %dma_wait3A_630 = tpu.memref_squeeze %dma_wait3A_629 : memref<1x8x1024xf32, #tpu.memory_space<hbm>> -> memref<8x1024xf32, #tpu.memory_space<hbm>>
    tpu.wait_dma2 semaphore(%arg23 : memref<!tpu.dma_semaphore, #tpu.memory_space<semaphore_mem>>) src(%dma_wait3A_630 : memref<8x1024xf32, #tpu.memory_space<hbm>>) dst(%arg9 : memref<8x1024xf32, #tpu.memory_space<vmem>>)
    %dma_wait3A_631 = arith.constant 1 : i32
    %dma_wait3A_632 = arith.constant 0 : i32
    %dma_wait3A_633 = tpu.memref_slice %arg2[%dma_wait3A_631, %add3A_447, %dma_wait3A_632] : memref<4x2048x1024xf32, #tpu.memory_space<hbm>> -> memref<1x8x1024xf32, #tpu.memory_space<hbm>>
    %dma_wait3A_634 = tpu.memref_squeeze %dma_wait3A_633 : memref<1x8x1024xf32, #tpu.memory_space<hbm>> -> memref<8x1024xf32, #tpu.memory_space<hbm>>
    %dma_wait3A_635 = arith.constant 0 : i32
    %dma_wait3A_636 = tpu.memref_slice %arg2[%dma_wait3A_631, %add3A_447, %dma_wait3A_635] : memref<4x2048x1024xf32, #tpu.memory_space<hbm>> -> memref<1x8x1024xf32, #tpu.memory_space<hbm>>
    %dma_wait3A_637 = tpu.memref_squeeze %dma_wait3A_636 : memref<1x8x1024xf32, #tpu.memory_space<hbm>> -> memref<8x1024xf32, #tpu.memory_space<hbm>>
    tpu.wait_dma2 semaphore(%arg24 : memref<!tpu.dma_semaphore, #tpu.memory_space<semaphore_mem>>) src(%dma_wait3A_637 : memref<8x1024xf32, #tpu.memory_space<hbm>>) dst(%arg10 : memref<8x1024xf32, #tpu.memory_space<vmem>>)
    %dma_wait3A_638 = arith.constant 2 : i32
    %dma_wait3A_639 = arith.constant 0 : i32
    %dma_wait3A_640 = tpu.memref_slice %arg2[%dma_wait3A_638, %add3A_456, %dma_wait3A_639] : memref<4x2048x1024xf32, #tpu.memory_space<hbm>> -> memref<1x8x1024xf32, #tpu.memory_space<hbm>>
    %dma_wait3A_641 = tpu.memref_squeeze %dma_wait3A_640 : memref<1x8x1024xf32, #tpu.memory_space<hbm>> -> memref<8x1024xf32, #tpu.memory_space<hbm>>
    %dma_wait3A_642 = arith.constant 0 : i32
    %dma_wait3A_643 = tpu.memref_slice %arg2[%dma_wait3A_638, %add3A_456, %dma_wait3A_642] : memref<4x2048x1024xf32, #tpu.memory_space<hbm>> -> memref<1x8x1024xf32, #tpu.memory_space<hbm>>
    %dma_wait3A_644 = tpu.memref_squeeze %dma_wait3A_643 : memref<1x8x1024xf32, #tpu.memory_space<hbm>> -> memref<8x1024xf32, #tpu.memory_space<hbm>>
    tpu.wait_dma2 semaphore(%arg25 : memref<!tpu.dma_semaphore, #tpu.memory_space<semaphore_mem>>) src(%dma_wait3A_644 : memref<8x1024xf32, #tpu.memory_space<hbm>>) dst(%arg11 : memref<8x1024xf32, #tpu.memory_space<vmem>>)
    %dma_wait3A_645 = arith.constant 3 : i32
    %dma_wait3A_646 = arith.constant 0 : i32
    %dma_wait3A_647 = tpu.memref_slice %arg2[%dma_wait3A_645, %add3A_465, %dma_wait3A_646] : memref<4x2048x1024xf32, #tpu.memory_space<hbm>> -> memref<1x8x1024xf32, #tpu.memory_space<hbm>>
    %dma_wait3A_648 = tpu.memref_squeeze %dma_wait3A_647 : memref<1x8x1024xf32, #tpu.memory_space<hbm>> -> memref<8x1024xf32, #tpu.memory_space<hbm>>
    %dma_wait3A_649 = arith.constant 0 : i32
    %dma_wait3A_650 = tpu.memref_slice %arg2[%dma_wait3A_645, %add3A_465, %dma_wait3A_649] : memref<4x2048x1024xf32, #tpu.memory_space<hbm>> -> memref<1x8x1024xf32, #tpu.memory_space<hbm>>
    %dma_wait3A_651 = tpu.memref_squeeze %dma_wait3A_650 : memref<1x8x1024xf32, #tpu.memory_space<hbm>> -> memref<8x1024xf32, #tpu.memory_space<hbm>>
    tpu.wait_dma2 semaphore(%arg26 : memref<!tpu.dma_semaphore, #tpu.memory_space<semaphore_mem>>) src(%dma_wait3A_651 : memref<8x1024xf32, #tpu.memory_space<hbm>>) dst(%arg12 : memref<8x1024xf32, #tpu.memory_space<vmem>>)
    %parallel_loop3A_652 = arith.constant 0 : i32
    %parallel_loop3A_653 = arith.constant 8192 : i32
    %parallel_loop3A_654 = arith.constant 16 : i32
    scf.for %parallel_loop3A_1128 = %parallel_loop3A_652 to %parallel_loop3A_653 step %parallel_loop3A_654  : i32 {
      %parallel_loop3A_1129 = arith.constant 10 : i32
      %parallel_loop3A_1130 = arith.shrsi %parallel_loop3A_1128, %parallel_loop3A_1129 : i32
      %parallel_loop3A_1131 = arith.constant 1023 : i32
      %parallel_loop3A_1132 = arith.andi %parallel_loop3A_1128, %parallel_loop3A_1131 : i32
      %parallel_loop3A_1133 = tpu.assume_multiple %parallel_loop3A_1132, 16 : i32
      %parallel_loop3A_1134 = arith.index_cast %parallel_loop3A_1130 : i32 to index
      %parallel_loop3A_1135 = arith.index_cast %parallel_loop3A_1133 : i32 to index
      %parallel_loop3A_1136 = tpu.vector_load %arg17[%parallel_loop3A_1134, %parallel_loop3A_1135] {strides = array<i32>} : memref<8x1024xf32, #tpu.memory_space<vmem>>, vector<1x16xf32>,
      %parallel_loop3A_1137 = vector.shape_cast %parallel_loop3A_1136 : vector<1x16xf32> to vector<16xf32>
      %parallel_loop3A_1138 = arith.index_cast %parallel_loop3A_1130 : i32 to index
      %parallel_loop3A_1139 = arith.index_cast %parallel_loop3A_1133 : i32 to index
      %parallel_loop3A_1140 = tpu.vector_load %arg9[%parallel_loop3A_1138, %parallel_loop3A_1139] {strides = array<i32>} : memref<8x1024xf32, #tpu.memory_space<vmem>>, vector<1x16xf32>,
      %parallel_loop3A_1141 = vector.shape_cast %parallel_loop3A_1140 : vector<1x16xf32> to vector<16xf32>
      %parallel_loop3A_1142 = vector.shape_cast %parallel_loop3A_1137 : vector<16xf32> to vector<1x16xf32>
      tpu.vector_store %arg9[%parallel_loop3A_1138, %parallel_loop3A_1139], %parallel_loop3A_1142 {add = true, strides = array<i32>} : memref<8x1024xf32, #tpu.memory_space<vmem>>, vector<1x16xf32>,
      %parallel_loop3A_1143 = arith.index_cast %parallel_loop3A_1130 : i32 to index
      %parallel_loop3A_1144 = arith.index_cast %parallel_loop3A_1133 : i32 to index
      %parallel_loop3A_1145 = tpu.vector_load %arg10[%parallel_loop3A_1143, %parallel_loop3A_1144] {strides = array<i32>} : memref<8x1024xf32, #tpu.memory_space<vmem>>, vector<1x16xf32>,
      %parallel_loop3A_1146 = vector.shape_cast %parallel_loop3A_1145 : vector<1x16xf32> to vector<16xf32>
      %parallel_loop3A_1147 = vector.shape_cast %parallel_loop3A_1137 : vector<16xf32> to vector<1x16xf32>
      tpu.vector_store %arg10[%parallel_loop3A_1143, %parallel_loop3A_1144], %parallel_loop3A_1147 {add = true, strides = array<i32>} : memref<8x1024xf32, #tpu.memory_space<vmem>>, vector<1x16xf32>,
      %parallel_loop3A_1148 = arith.index_cast %parallel_loop3A_1130 : i32 to index
      %parallel_loop3A_1149 = arith.index_cast %parallel_loop3A_1133 : i32 to index
      %parallel_loop3A_1150 = tpu.vector_load %arg11[%parallel_loop3A_1148, %parallel_loop3A_1149] {strides = array<i32>} : memref<8x1024xf32, #tpu.memory_space<vmem>>, vector<1x16xf32>,
      %parallel_loop3A_1151 = vector.shape_cast %parallel_loop3A_1150 : vector<1x16xf32> to vector<16xf32>
      %parallel_loop3A_1152 = vector.shape_cast %parallel_loop3A_1137 : vector<16xf32> to vector<1x16xf32>
      tpu.vector_store %arg11[%parallel_loop3A_1148, %parallel_loop3A_1149], %parallel_loop3A_1152 {add = true, strides = array<i32>} : memref<8x1024xf32, #tpu.memory_space<vmem>>, vector<1x16xf32>,
      %parallel_loop3A_1153 = arith.index_cast %parallel_loop3A_1130 : i32 to index
      %parallel_loop3A_1154 = arith.index_cast %parallel_loop3A_1133 : i32 to index
      %parallel_loop3A_1155 = tpu.vector_load %arg12[%parallel_loop3A_1153, %parallel_loop3A_1154] {strides = array<i32>} : memref<8x1024xf32, #tpu.memory_space<vmem>>, vector<1x16xf32>,
      %parallel_loop3A_1156 = vector.shape_cast %parallel_loop3A_1155 : vector<1x16xf32> to vector<16xf32>
      %parallel_loop3A_1157 = vector.shape_cast %parallel_loop3A_1137 : vector<16xf32> to vector<1x16xf32>
      tpu.vector_store %arg12[%parallel_loop3A_1153, %parallel_loop3A_1154], %parallel_loop3A_1157 {add = true, strides = array<i32>} : memref<8x1024xf32, #tpu.memory_space<vmem>>, vector<1x16xf32>,
    } {sc.loop_unroll_factor = 4 : i64, sc.parallel_access}
    %add3A_655 = arith.constant 32 : i32
    %add3A_656 = arith.addi %mul3A_2, %add3A_655 : i32
    %dma_start3A_657 = arith.constant 0 : i32
    %dma_start3A_658 = arith.constant 0 : i32
    %dma_start3A_659 = tpu.memref_slice %arg4[%dma_start3A_657, %add3A_656, %dma_start3A_658] : memref<4x2048x1024xf32, #tpu.memory_space<hbm>> -> memref<1x8x1024xf32, #tpu.memory_space<hbm>>
    %dma_start3A_660 = tpu.memref_squeeze %dma_start3A_659 : memref<1x8x1024xf32, #tpu.memory_space<hbm>> -> memref<8x1024xf32, #tpu.memory_space<hbm>>
    %dma_start3A_661 = arith.constant 0 : i32
    %dma_start3A_662 = tpu.memref_slice %arg4[%dma_start3A_657, %add3A_656, %dma_start3A_661] : memref<4x2048x1024xf32, #tpu.memory_space<hbm>> -> memref<1x8x1024xf32, #tpu.memory_space<hbm>>
    %dma_start3A_663 = tpu.memref_squeeze %dma_start3A_662 : memref<1x8x1024xf32, #tpu.memory_space<hbm>> -> memref<8x1024xf32, #tpu.memory_space<hbm>>
    tpu.enqueue_dma source(%arg9 : memref<8x1024xf32, #tpu.memory_space<vmem>>) target(%dma_start3A_663 : memref<8x1024xf32, #tpu.memory_space<hbm>>) target_semaphore(%arg35 : memref<!tpu.dma_semaphore, #tpu.memory_space<semaphore_mem>>)
    %add3A_664 = arith.constant 32 : i32
    %add3A_665 = arith.addi %mul3A_2, %add3A_664 : i32
    %dma_start3A_666 = arith.constant 1 : i32
    %dma_start3A_667 = arith.constant 0 : i32
    %dma_start3A_668 = tpu.memref_slice %arg4[%dma_start3A_666, %add3A_665, %dma_start3A_667] : memref<4x2048x1024xf32, #tpu.memory_space<hbm>> -> memref<1x8x1024xf32, #tpu.memory_space<hbm>>
    %dma_start3A_669 = tpu.memref_squeeze %dma_start3A_668 : memref<1x8x1024xf32, #tpu.memory_space<hbm>> -> memref<8x1024xf32, #tpu.memory_space<hbm>>
    %dma_start3A_670 = arith.constant 0 : i32
    %dma_start3A_671 = tpu.memref_slice %arg4[%dma_start3A_666, %add3A_665, %dma_start3A_670] : memref<4x2048x1024xf32, #tpu.memory_space<hbm>> -> memref<1x8x1024xf32, #tpu.memory_space<hbm>>
    %dma_start3A_672 = tpu.memref_squeeze %dma_start3A_671 : memref<1x8x1024xf32, #tpu.memory_space<hbm>> -> memref<8x1024xf32, #tpu.memory_space<hbm>>
    tpu.enqueue_dma source(%arg10 : memref<8x1024xf32, #tpu.memory_space<vmem>>) target(%dma_start3A_672 : memref<8x1024xf32, #tpu.memory_space<hbm>>) target_semaphore(%arg36 : memref<!tpu.dma_semaphore, #tpu.memory_space<semaphore_mem>>)
    %add3A_673 = arith.constant 32 : i32
    %add3A_674 = arith.addi %mul3A_2, %add3A_673 : i32
    %dma_start3A_675 = arith.constant 2 : i32
    %dma_start3A_676 = arith.constant 0 : i32
    %dma_start3A_677 = tpu.memref_slice %arg4[%dma_start3A_675, %add3A_674, %dma_start3A_676] : memref<4x2048x1024xf32, #tpu.memory_space<hbm>> -> memref<1x8x1024xf32, #tpu.memory_space<hbm>>
    %dma_start3A_678 = tpu.memref_squeeze %dma_start3A_677 : memref<1x8x1024xf32, #tpu.memory_space<hbm>> -> memref<8x1024xf32, #tpu.memory_space<hbm>>
    %dma_start3A_679 = arith.constant 0 : i32
    %dma_start3A_680 = tpu.memref_slice %arg4[%dma_start3A_675, %add3A_674, %dma_start3A_679] : memref<4x2048x1024xf32, #tpu.memory_space<hbm>> -> memref<1x8x1024xf32, #tpu.memory_space<hbm>>
    %dma_start3A_681 = tpu.memref_squeeze %dma_start3A_680 : memref<1x8x1024xf32, #tpu.memory_space<hbm>> -> memref<8x1024xf32, #tpu.memory_space<hbm>>
    tpu.enqueue_dma source(%arg11 : memref<8x1024xf32, #tpu.memory_space<vmem>>) target(%dma_start3A_681 : memref<8x1024xf32, #tpu.memory_space<hbm>>) target_semaphore(%arg37 : memref<!tpu.dma_semaphore, #tpu.memory_space<semaphore_mem>>)
    %add3A_682 = arith.constant 32 : i32
    %add3A_683 = arith.addi %mul3A_2, %add3A_682 : i32
    %dma_start3A_684 = arith.constant 3 : i32
    %dma_start3A_685 = arith.constant 0 : i32
    %dma_start3A_686 = tpu.memref_slice %arg4[%dma_start3A_684, %add3A_683, %dma_start3A_685] : memref<4x2048x1024xf32, #tpu.memory_space<hbm>> -> memref<1x8x1024xf32, #tpu.memory_space<hbm>>
    %dma_start3A_687 = tpu.memref_squeeze %dma_start3A_686 : memref<1x8x1024xf32, #tpu.memory_space<hbm>> -> memref<8x1024xf32, #tpu.memory_space<hbm>>
    %dma_start3A_688 = arith.constant 0 : i32
    %dma_start3A_689 = tpu.memref_slice %arg4[%dma_start3A_684, %add3A_683, %dma_start3A_688] : memref<4x2048x1024xf32, #tpu.memory_space<hbm>> -> memref<1x8x1024xf32, #tpu.memory_space<hbm>>
    %dma_start3A_690 = tpu.memref_squeeze %dma_start3A_689 : memref<1x8x1024xf32, #tpu.memory_space<hbm>> -> memref<8x1024xf32, #tpu.memory_space<hbm>>
    tpu.enqueue_dma source(%arg12 : memref<8x1024xf32, #tpu.memory_space<vmem>>) target(%dma_start3A_690 : memref<8x1024xf32, #tpu.memory_space<hbm>>) target_semaphore(%arg38 : memref<!tpu.dma_semaphore, #tpu.memory_space<semaphore_mem>>)
    %dma_wait3A_691 = arith.constant 0 : i32
    %dma_wait3A_692 = arith.constant 0 : i32
    %dma_wait3A_693 = tpu.memref_slice %arg4[%dma_wait3A_691, %add3A_515, %dma_wait3A_692] : memref<4x2048x1024xf32, #tpu.memory_space<hbm>> -> memref<1x8x1024xf32, #tpu.memory_space<hbm>>
    %dma_wait3A_694 = tpu.memref_squeeze %dma_wait3A_693 : memref<1x8x1024xf32, #tpu.memory_space<hbm>> -> memref<8x1024xf32, #tpu.memory_space<hbm>>
    %dma_wait3A_695 = arith.constant 0 : i32
    %dma_wait3A_696 = tpu.memref_slice %arg4[%dma_wait3A_691, %add3A_515, %dma_wait3A_695] : memref<4x2048x1024xf32, #tpu.memory_space<hbm>> -> memref<1x8x1024xf32, #tpu.memory_space<hbm>>
    %dma_wait3A_697 = tpu.memref_squeeze %dma_wait3A_696 : memref<1x8x1024xf32, #tpu.memory_space<hbm>> -> memref<8x1024xf32, #tpu.memory_space<hbm>>
    tpu.wait_dma2 semaphore(%arg31 : memref<!tpu.dma_semaphore, #tpu.memory_space<semaphore_mem>>) src(%arg5 : memref<8x1024xf32, #tpu.memory_space<vmem>>) dst(%dma_wait3A_697 : memref<8x1024xf32, #tpu.memory_space<hbm>>)
    %dma_wait3A_698 = arith.constant 1 : i32
    %dma_wait3A_699 = arith.constant 0 : i32
    %dma_wait3A_700 = tpu.memref_slice %arg4[%dma_wait3A_698, %add3A_524, %dma_wait3A_699] : memref<4x2048x1024xf32, #tpu.memory_space<hbm>> -> memref<1x8x1024xf32, #tpu.memory_space<hbm>>
    %dma_wait3A_701 = tpu.memref_squeeze %dma_wait3A_700 : memref<1x8x1024xf32, #tpu.memory_space<hbm>> -> memref<8x1024xf32, #tpu.memory_space<hbm>>
    %dma_wait3A_702 = arith.constant 0 : i32
    %dma_wait3A_703 = tpu.memref_slice %arg4[%dma_wait3A_698, %add3A_524, %dma_wait3A_702] : memref<4x2048x1024xf32, #tpu.memory_space<hbm>> -> memref<1x8x1024xf32, #tpu.memory_space<hbm>>
    %dma_wait3A_704 = tpu.memref_squeeze %dma_wait3A_703 : memref<1x8x1024xf32, #tpu.memory_space<hbm>> -> memref<8x1024xf32, #tpu.memory_space<hbm>>
    tpu.wait_dma2 semaphore(%arg32 : memref<!tpu.dma_semaphore, #tpu.memory_space<semaphore_mem>>) src(%arg6 : memref<8x1024xf32, #tpu.memory_space<vmem>>) dst(%dma_wait3A_704 : memref<8x1024xf32, #tpu.memory_space<hbm>>)
    %dma_wait3A_705 = arith.constant 2 : i32
    %dma_wait3A_706 = arith.constant 0 : i32
    %dma_wait3A_707 = tpu.memref_slice %arg4[%dma_wait3A_705, %add3A_533, %dma_wait3A_706] : memref<4x2048x1024xf32, #tpu.memory_space<hbm>> -> memref<1x8x1024xf32, #tpu.memory_space<hbm>>
    %dma_wait3A_708 = tpu.memref_squeeze %dma_wait3A_707 : memref<1x8x1024xf32, #tpu.memory_space<hbm>> -> memref<8x1024xf32, #tpu.memory_space<hbm>>
    %dma_wait3A_709 = arith.constant 0 : i32
    %dma_wait3A_710 = tpu.memref_slice %arg4[%dma_wait3A_705, %add3A_533, %dma_wait3A_709] : memref<4x2048x1024xf32, #tpu.memory_space<hbm>> -> memref<1x8x1024xf32, #tpu.memory_space<hbm>>
    %dma_wait3A_711 = tpu.memref_squeeze %dma_wait3A_710 : memref<1x8x1024xf32, #tpu.memory_space<hbm>> -> memref<8x1024xf32, #tpu.memory_space<hbm>>
    tpu.wait_dma2 semaphore(%arg33 : memref<!tpu.dma_semaphore, #tpu.memory_space<semaphore_mem>>) src(%arg7 : memref<8x1024xf32, #tpu.memory_space<vmem>>) dst(%dma_wait3A_711 : memref<8x1024xf32, #tpu.memory_space<hbm>>)
    %dma_wait3A_712 = arith.constant 3 : i32
    %dma_wait3A_713 = arith.constant 0 : i32
    %dma_wait3A_714 = tpu.memref_slice %arg4[%dma_wait3A_712, %add3A_542, %dma_wait3A_713] : memref<4x2048x1024xf32, #tpu.memory_space<hbm>> -> memref<1x8x1024xf32, #tpu.memory_space<hbm>>
    %dma_wait3A_715 = tpu.memref_squeeze %dma_wait3A_714 : memref<1x8x1024xf32, #tpu.memory_space<hbm>> -> memref<8x1024xf32, #tpu.memory_space<hbm>>
    %dma_wait3A_716 = arith.constant 0 : i32
    %dma_wait3A_717 = tpu.memref_slice %arg4[%dma_wait3A_712, %add3A_542, %dma_wait3A_716] : memref<4x2048x1024xf32, #tpu.memory_space<hbm>> -> memref<1x8x1024xf32, #tpu.memory_space<hbm>>
    %dma_wait3A_718 = tpu.memref_squeeze %dma_wait3A_717 : memref<1x8x1024xf32, #tpu.memory_space<hbm>> -> memref<8x1024xf32, #tpu.memory_space<hbm>>
    tpu.wait_dma2 semaphore(%arg34 : memref<!tpu.dma_semaphore, #tpu.memory_space<semaphore_mem>>) src(%arg8 : memref<8x1024xf32, #tpu.memory_space<vmem>>) dst(%dma_wait3A_718 : memref<8x1024xf32, #tpu.memory_space<hbm>>)
    %add3A_719 = arith.constant 48 : i32
    %add3A_720 = arith.addi %mul3A_2, %add3A_719 : i32
    %dma_start3A_721 = arith.constant 0 : i32
    %dma_start3A_722 = arith.constant 0 : i32
    %dma_start3A_723 = tpu.memref_slice %arg2[%dma_start3A_721, %add3A_720, %dma_start3A_722] : memref<4x2048x1024xf32, #tpu.memory_space<hbm>> -> memref<1x8x1024xf32, #tpu.memory_space<hbm>>
    %dma_start3A_724 = tpu.memref_squeeze %dma_start3A_723 : memref<1x8x1024xf32, #tpu.memory_space<hbm>> -> memref<8x1024xf32, #tpu.memory_space<hbm>>
    %dma_start3A_725 = arith.constant 0 : i32
    %dma_start3A_726 = tpu.memref_slice %arg2[%dma_start3A_721, %add3A_720, %dma_start3A_725] : memref<4x2048x1024xf32, #tpu.memory_space<hbm>> -> memref<1x8x1024xf32, #tpu.memory_space<hbm>>
    %dma_start3A_727 = tpu.memref_squeeze %dma_start3A_726 : memref<1x8x1024xf32, #tpu.memory_space<hbm>> -> memref<8x1024xf32, #tpu.memory_space<hbm>>
    tpu.enqueue_dma source(%dma_start3A_727 : memref<8x1024xf32, #tpu.memory_space<hbm>>) target(%arg5 : memref<8x1024xf32, #tpu.memory_space<vmem>>) target_semaphore(%arg19 : memref<!tpu.dma_semaphore, #tpu.memory_space<semaphore_mem>>)
    %add3A_728 = arith.constant 48 : i32
    %add3A_729 = arith.addi %mul3A_2, %add3A_728 : i32
    %dma_start3A_730 = arith.constant 1 : i32
    %dma_start3A_731 = arith.constant 0 : i32
    %dma_start3A_732 = tpu.memref_slice %arg2[%dma_start3A_730, %add3A_729, %dma_start3A_731] : memref<4x2048x1024xf32, #tpu.memory_space<hbm>> -> memref<1x8x1024xf32, #tpu.memory_space<hbm>>
    %dma_start3A_733 = tpu.memref_squeeze %dma_start3A_732 : memref<1x8x1024xf32, #tpu.memory_space<hbm>> -> memref<8x1024xf32, #tpu.memory_space<hbm>>
    %dma_start3A_734 = arith.constant 0 : i32
    %dma_start3A_735 = tpu.memref_slice %arg2[%dma_start3A_730, %add3A_729, %dma_start3A_734] : memref<4x2048x1024xf32, #tpu.memory_space<hbm>> -> memref<1x8x1024xf32, #tpu.memory_space<hbm>>
    %dma_start3A_736 = tpu.memref_squeeze %dma_start3A_735 : memref<1x8x1024xf32, #tpu.memory_space<hbm>> -> memref<8x1024xf32, #tpu.memory_space<hbm>>
    tpu.enqueue_dma source(%dma_start3A_736 : memref<8x1024xf32, #tpu.memory_space<hbm>>) target(%arg6 : memref<8x1024xf32, #tpu.memory_space<vmem>>) target_semaphore(%arg20 : memref<!tpu.dma_semaphore, #tpu.memory_space<semaphore_mem>>)
    %add3A_737 = arith.constant 48 : i32
    %add3A_738 = arith.addi %mul3A_2, %add3A_737 : i32
    %dma_start3A_739 = arith.constant 2 : i32
    %dma_start3A_740 = arith.constant 0 : i32
    %dma_start3A_741 = tpu.memref_slice %arg2[%dma_start3A_739, %add3A_738, %dma_start3A_740] : memref<4x2048x1024xf32, #tpu.memory_space<hbm>> -> memref<1x8x1024xf32, #tpu.memory_space<hbm>>
    %dma_start3A_742 = tpu.memref_squeeze %dma_start3A_741 : memref<1x8x1024xf32, #tpu.memory_space<hbm>> -> memref<8x1024xf32, #tpu.memory_space<hbm>>
    %dma_start3A_743 = arith.constant 0 : i32
    %dma_start3A_744 = tpu.memref_slice %arg2[%dma_start3A_739, %add3A_738, %dma_start3A_743] : memref<4x2048x1024xf32, #tpu.memory_space<hbm>> -> memref<1x8x1024xf32, #tpu.memory_space<hbm>>
    %dma_start3A_745 = tpu.memref_squeeze %dma_start3A_744 : memref<1x8x1024xf32, #tpu.memory_space<hbm>> -> memref<8x1024xf32, #tpu.memory_space<hbm>>
    tpu.enqueue_dma source(%dma_start3A_745 : memref<8x1024xf32, #tpu.memory_space<hbm>>) target(%arg7 : memref<8x1024xf32, #tpu.memory_space<vmem>>) target_semaphore(%arg21 : memref<!tpu.dma_semaphore, #tpu.memory_space<semaphore_mem>>)
    %add3A_746 = arith.constant 48 : i32
    %add3A_747 = arith.addi %mul3A_2, %add3A_746 : i32
    %dma_start3A_748 = arith.constant 3 : i32
    %dma_start3A_749 = arith.constant 0 : i32
    %dma_start3A_750 = tpu.memref_slice %arg2[%dma_start3A_748, %add3A_747, %dma_start3A_749] : memref<4x2048x1024xf32, #tpu.memory_space<hbm>> -> memref<1x8x1024xf32, #tpu.memory_space<hbm>>
    %dma_start3A_751 = tpu.memref_squeeze %dma_start3A_750 : memref<1x8x1024xf32, #tpu.memory_space<hbm>> -> memref<8x1024xf32, #tpu.memory_space<hbm>>
    %dma_start3A_752 = arith.constant 0 : i32
    %dma_start3A_753 = tpu.memref_slice %arg2[%dma_start3A_748, %add3A_747, %dma_start3A_752] : memref<4x2048x1024xf32, #tpu.memory_space<hbm>> -> memref<1x8x1024xf32, #tpu.memory_space<hbm>>
    %dma_start3A_754 = tpu.memref_squeeze %dma_start3A_753 : memref<1x8x1024xf32, #tpu.memory_space<hbm>> -> memref<8x1024xf32, #tpu.memory_space<hbm>>
    tpu.enqueue_dma source(%dma_start3A_754 : memref<8x1024xf32, #tpu.memory_space<hbm>>) target(%arg8 : memref<8x1024xf32, #tpu.memory_space<vmem>>) target_semaphore(%arg22 : memref<!tpu.dma_semaphore, #tpu.memory_space<semaphore_mem>>)
    %add3A_755 = arith.constant 48 : i32
    %add3A_756 = arith.addi %mul3A_2, %add3A_755 : i32
    %dma_start3A_757 = arith.constant 0 : i32
    %dma_start3A_758 = tpu.memref_slice %arg3[%add3A_756, %dma_start3A_757] : memref<2048x1024xf32, #tpu.memory_space<hbm>> -> memref<8x1024xf32, #tpu.memory_space<hbm>>
    %dma_start3A_759 = arith.constant 0 : i32
    %dma_start3A_760 = tpu.memref_slice %arg3[%add3A_756, %dma_start3A_759] : memref<2048x1024xf32, #tpu.memory_space<hbm>> -> memref<8x1024xf32, #tpu.memory_space<hbm>>
    tpu.enqueue_dma source(%dma_start3A_760 : memref<8x1024xf32, #tpu.memory_space<hbm>>) target(%arg17 : memref<8x1024xf32, #tpu.memory_space<vmem>>) target_semaphore(%arg43 : memref<!tpu.dma_semaphore, #tpu.memory_space<semaphore_mem>>)
    %dma_wait3A_761 = arith.constant 0 : i32
    %dma_wait3A_762 = tpu.memref_slice %arg3[%add3A_615, %dma_wait3A_761] : memref<2048x1024xf32, #tpu.memory_space<hbm>> -> memref<8x1024xf32, #tpu.memory_space<hbm>>
    %dma_wait3A_763 = arith.constant 0 : i32
    %dma_wait3A_764 = tpu.memref_slice %arg3[%add3A_615, %dma_wait3A_763] : memref<2048x1024xf32, #tpu.memory_space<hbm>> -> memref<8x1024xf32, #tpu.memory_space<hbm>>
    tpu.wait_dma2 semaphore(%arg44 : memref<!tpu.dma_semaphore, #tpu.memory_space<semaphore_mem>>) src(%dma_wait3A_764 : memref<8x1024xf32, #tpu.memory_space<hbm>>) dst(%arg18 : memref<8x1024xf32, #tpu.memory_space<vmem>>)
    %dma_wait3A_765 = arith.constant 0 : i32
    %dma_wait3A_766 = arith.constant 0 : i32
    %dma_wait3A_767 = tpu.memref_slice %arg2[%dma_wait3A_765, %add3A_579, %dma_wait3A_766] : memref<4x2048x1024xf32, #tpu.memory_space<hbm>> -> memref<1x8x1024xf32, #tpu.memory_space<hbm>>
    %dma_wait3A_768 = tpu.memref_squeeze %dma_wait3A_767 : memref<1x8x1024xf32, #tpu.memory_space<hbm>> -> memref<8x1024xf32, #tpu.memory_space<hbm>>
    %dma_wait3A_769 = arith.constant 0 : i32
    %dma_wait3A_770 = tpu.memref_slice %arg2[%dma_wait3A_765, %add3A_579, %dma_wait3A_769] : memref<4x2048x1024xf32, #tpu.memory_space<hbm>> -> memref<1x8x1024xf32, #tpu.memory_space<hbm>>
    %dma_wait3A_771 = tpu.memref_squeeze %dma_wait3A_770 : memref<1x8x1024xf32, #tpu.memory_space<hbm>> -> memref<8x1024xf32, #tpu.memory_space<hbm>>
    tpu.wait_dma2 semaphore(%arg27 : memref<!tpu.dma_semaphore, #tpu.memory_space<semaphore_mem>>) src(%dma_wait3A_771 : memref<8x1024xf32, #tpu.memory_space<hbm>>) dst(%arg13 : memref<8x1024xf32, #tpu.memory_space<vmem>>)
    %dma_wait3A_772 = arith.constant 1 : i32
    %dma_wait3A_773 = arith.constant 0 : i32
    %dma_wait3A_774 = tpu.memref_slice %arg2[%dma_wait3A_772, %add3A_588, %dma_wait3A_773] : memref<4x2048x1024xf32, #tpu.memory_space<hbm>> -> memref<1x8x1024xf32, #tpu.memory_space<hbm>>
    %dma_wait3A_775 = tpu.memref_squeeze %dma_wait3A_774 : memref<1x8x1024xf32, #tpu.memory_space<hbm>> -> memref<8x1024xf32, #tpu.memory_space<hbm>>
    %dma_wait3A_776 = arith.constant 0 : i32
    %dma_wait3A_777 = tpu.memref_slice %arg2[%dma_wait3A_772, %add3A_588, %dma_wait3A_776] : memref<4x2048x1024xf32, #tpu.memory_space<hbm>> -> memref<1x8x1024xf32, #tpu.memory_space<hbm>>
    %dma_wait3A_778 = tpu.memref_squeeze %dma_wait3A_777 : memref<1x8x1024xf32, #tpu.memory_space<hbm>> -> memref<8x1024xf32, #tpu.memory_space<hbm>>
    tpu.wait_dma2 semaphore(%arg28 : memref<!tpu.dma_semaphore, #tpu.memory_space<semaphore_mem>>) src(%dma_wait3A_778 : memref<8x1024xf32, #tpu.memory_space<hbm>>) dst(%arg14 : memref<8x1024xf32, #tpu.memory_space<vmem>>)
    %dma_wait3A_779 = arith.constant 2 : i32
    %dma_wait3A_780 = arith.constant 0 : i32
    %dma_wait3A_781 = tpu.memref_slice %arg2[%dma_wait3A_779, %add3A_597, %dma_wait3A_780] : memref<4x2048x1024xf32, #tpu.memory_space<hbm>> -> memref<1x8x1024xf32, #tpu.memory_space<hbm>>
    %dma_wait3A_782 = tpu.memref_squeeze %dma_wait3A_781 : memref<1x8x1024xf32, #tpu.memory_space<hbm>> -> memref<8x1024xf32, #tpu.memory_space<hbm>>
    %dma_wait3A_783 = arith.constant 0 : i32
    %dma_wait3A_784 = tpu.memref_slice %arg2[%dma_wait3A_779, %add3A_597, %dma_wait3A_783] : memref<4x2048x1024xf32, #tpu.memory_space<hbm>> -> memref<1x8x1024xf32, #tpu.memory_space<hbm>>
    %dma_wait3A_785 = tpu.memref_squeeze %dma_wait3A_784 : memref<1x8x1024xf32, #tpu.memory_space<hbm>> -> memref<8x1024xf32, #tpu.memory_space<hbm>>
    tpu.wait_dma2 semaphore(%arg29 : memref<!tpu.dma_semaphore, #tpu.memory_space<semaphore_mem>>) src(%dma_wait3A_785 : memref<8x1024xf32, #tpu.memory_space<hbm>>) dst(%arg15 : memref<8x1024xf32, #tpu.memory_space<vmem>>)
    %dma_wait3A_786 = arith.constant 3 : i32
    %dma_wait3A_787 = arith.constant 0 : i32
    %dma_wait3A_788 = tpu.memref_slice %arg2[%dma_wait3A_786, %add3A_606, %dma_wait3A_787] : memref<4x2048x1024xf32, #tpu.memory_space<hbm>> -> memref<1x8x1024xf32, #tpu.memory_space<hbm>>
    %dma_wait3A_789 = tpu.memref_squeeze %dma_wait3A_788 : memref<1x8x1024xf32, #tpu.memory_space<hbm>> -> memref<8x1024xf32, #tpu.memory_space<hbm>>
    %dma_wait3A_790 = arith.constant 0 : i32
    %dma_wait3A_791 = tpu.memref_slice %arg2[%dma_wait3A_786, %add3A_606, %dma_wait3A_790] : memref<4x2048x1024xf32, #tpu.memory_space<hbm>> -> memref<1x8x1024xf32, #tpu.memory_space<hbm>>
    %dma_wait3A_792 = tpu.memref_squeeze %dma_wait3A_791 : memref<1x8x1024xf32, #tpu.memory_space<hbm>> -> memref<8x1024xf32, #tpu.memory_space<hbm>>
    tpu.wait_dma2 semaphore(%arg30 : memref<!tpu.dma_semaphore, #tpu.memory_space<semaphore_mem>>) src(%dma_wait3A_792 : memref<8x1024xf32, #tpu.memory_space<hbm>>) dst(%arg16 : memref<8x1024xf32, #tpu.memory_space<vmem>>)
    %parallel_loop3A_793 = arith.constant 0 : i32
    %parallel_loop3A_794 = arith.constant 8192 : i32
    %parallel_loop3A_795 = arith.constant 16 : i32
    scf.for %parallel_loop3A_1128 = %parallel_loop3A_793 to %parallel_loop3A_794 step %parallel_loop3A_795  : i32 {
      %parallel_loop3A_1129 = arith.constant 10 : i32
      %parallel_loop3A_1130 = arith.shrsi %parallel_loop3A_1128, %parallel_loop3A_1129 : i32
      %parallel_loop3A_1131 = arith.constant 1023 : i32
      %parallel_loop3A_1132 = arith.andi %parallel_loop3A_1128, %parallel_loop3A_1131 : i32
      %parallel_loop3A_1133 = tpu.assume_multiple %parallel_loop3A_1132, 16 : i32
      %parallel_loop3A_1134 = arith.index_cast %parallel_loop3A_1130 : i32 to index
      %parallel_loop3A_1135 = arith.index_cast %parallel_loop3A_1133 : i32 to index
      %parallel_loop3A_1136 = tpu.vector_load %arg18[%parallel_loop3A_1134, %parallel_loop3A_1135] {strides = array<i32>} : memref<8x1024xf32, #tpu.memory_space<vmem>>, vector<1x16xf32>,
      %parallel_loop3A_1137 = vector.shape_cast %parallel_loop3A_1136 : vector<1x16xf32> to vector<16xf32>
      %parallel_loop3A_1138 = arith.index_cast %parallel_loop3A_1130 : i32 to index
      %parallel_loop3A_1139 = arith.index_cast %parallel_loop3A_1133 : i32 to index
      %parallel_loop3A_1140 = tpu.vector_load %arg13[%parallel_loop3A_1138, %parallel_loop3A_1139] {strides = array<i32>} : memref<8x1024xf32, #tpu.memory_space<vmem>>, vector<1x16xf32>,
      %parallel_loop3A_1141 = vector.shape_cast %parallel_loop3A_1140 : vector<1x16xf32> to vector<16xf32>
      %parallel_loop3A_1142 = vector.shape_cast %parallel_loop3A_1137 : vector<16xf32> to vector<1x16xf32>
      tpu.vector_store %arg13[%parallel_loop3A_1138, %parallel_loop3A_1139], %parallel_loop3A_1142 {add = true, strides = array<i32>} : memref<8x1024xf32, #tpu.memory_space<vmem>>, vector<1x16xf32>,
      %parallel_loop3A_1143 = arith.index_cast %parallel_loop3A_1130 : i32 to index
      %parallel_loop3A_1144 = arith.index_cast %parallel_loop3A_1133 : i32 to index
      %parallel_loop3A_1145 = tpu.vector_load %arg14[%parallel_loop3A_1143, %parallel_loop3A_1144] {strides = array<i32>} : memref<8x1024xf32, #tpu.memory_space<vmem>>, vector<1x16xf32>,
      %parallel_loop3A_1146 = vector.shape_cast %parallel_loop3A_1145 : vector<1x16xf32> to vector<16xf32>
      %parallel_loop3A_1147 = vector.shape_cast %parallel_loop3A_1137 : vector<16xf32> to vector<1x16xf32>
      tpu.vector_store %arg14[%parallel_loop3A_1143, %parallel_loop3A_1144], %parallel_loop3A_1147 {add = true, strides = array<i32>} : memref<8x1024xf32, #tpu.memory_space<vmem>>, vector<1x16xf32>,
      %parallel_loop3A_1148 = arith.index_cast %parallel_loop3A_1130 : i32 to index
      %parallel_loop3A_1149 = arith.index_cast %parallel_loop3A_1133 : i32 to index
      %parallel_loop3A_1150 = tpu.vector_load %arg15[%parallel_loop3A_1148, %parallel_loop3A_1149] {strides = array<i32>} : memref<8x1024xf32, #tpu.memory_space<vmem>>, vector<1x16xf32>,
      %parallel_loop3A_1151 = vector.shape_cast %parallel_loop3A_1150 : vector<1x16xf32> to vector<16xf32>
      %parallel_loop3A_1152 = vector.shape_cast %parallel_loop3A_1137 : vector<16xf32> to vector<1x16xf32>
      tpu.vector_store %arg15[%parallel_loop3A_1148, %parallel_loop3A_1149], %parallel_loop3A_1152 {add = true, strides = array<i32>} : memref<8x1024xf32, #tpu.memory_space<vmem>>, vector<1x16xf32>,
      %parallel_loop3A_1153 = arith.index_cast %parallel_loop3A_1130 : i32 to index
      %parallel_loop3A_1154 = arith.index_cast %parallel_loop3A_1133 : i32 to index
      %parallel_loop3A_1155 = tpu.vector_load %arg16[%parallel_loop3A_1153, %parallel_loop3A_1154] {strides = array<i32>} : memref<8x1024xf32, #tpu.memory_space<vmem>>, vector<1x16xf32>,
      %parallel_loop3A_1156 = vector.shape_cast %parallel_loop3A_1155 : vector<1x16xf32> to vector<16xf32>
      %parallel_loop3A_1157 = vector.shape_cast %parallel_loop3A_1137 : vector<16xf32> to vector<1x16xf32>
      tpu.vector_store %arg16[%parallel_loop3A_1153, %parallel_loop3A_1154], %parallel_loop3A_1157 {add = true, strides = array<i32>} : memref<8x1024xf32, #tpu.memory_space<vmem>>, vector<1x16xf32>,
    } {sc.loop_unroll_factor = 4 : i64, sc.parallel_access}
    %add3A_796 = arith.constant 40 : i32
    %add3A_797 = arith.addi %mul3A_2, %add3A_796 : i32
    %dma_start3A_798 = arith.constant 0 : i32
    %dma_start3A_799 = arith.constant 0 : i32
    %dma_start3A_800 = tpu.memref_slice %arg4[%dma_start3A_798, %add3A_797, %dma_start3A_799] : memref<4x2048x1024xf32, #tpu.memory_space<hbm>> -> memref<1x8x1024xf32, #tpu.memory_space<hbm>>
    %dma_start3A_801 = tpu.memref_squeeze %dma_start3A_800 : memref<1x8x1024xf32, #tpu.memory_space<hbm>> -> memref<8x1024xf32, #tpu.memory_space<hbm>>
    %dma_start3A_802 = arith.constant 0 : i32
    %dma_start3A_803 = tpu.memref_slice %arg4[%dma_start3A_798, %add3A_797, %dma_start3A_802] : memref<4x2048x1024xf32, #tpu.memory_space<hbm>> -> memref<1x8x1024xf32, #tpu.memory_space<hbm>>
    %dma_start3A_804 = tpu.memref_squeeze %dma_start3A_803 : memref<1x8x1024xf32, #tpu.memory_space<hbm>> -> memref<8x1024xf32, #tpu.memory_space<hbm>>
    tpu.enqueue_dma source(%arg13 : memref<8x1024xf32, #tpu.memory_space<vmem>>) target(%dma_start3A_804 : memref<8x1024xf32, #tpu.memory_space<hbm>>) target_semaphore(%arg39 : memref<!tpu.dma_semaphore, #tpu.memory_space<semaphore_mem>>)
    %add3A_805 = arith.constant 40 : i32
    %add3A_806 = arith.addi %mul3A_2, %add3A_805 : i32
    %dma_start3A_807 = arith.constant 1 : i32
    %dma_start3A_808 = arith.constant 0 : i32
    %dma_start3A_809 = tpu.memref_slice %arg4[%dma_start3A_807, %add3A_806, %dma_start3A_808] : memref<4x2048x1024xf32, #tpu.memory_space<hbm>> -> memref<1x8x1024xf32, #tpu.memory_space<hbm>>
    %dma_start3A_810 = tpu.memref_squeeze %dma_start3A_809 : memref<1x8x1024xf32, #tpu.memory_space<hbm>> -> memref<8x1024xf32, #tpu.memory_space<hbm>>
    %dma_start3A_811 = arith.constant 0 : i32
    %dma_start3A_812 = tpu.memref_slice %arg4[%dma_start3A_807, %add3A_806, %dma_start3A_811] : memref<4x2048x1024xf32, #tpu.memory_space<hbm>> -> memref<1x8x1024xf32, #tpu.memory_space<hbm>>
    %dma_start3A_813 = tpu.memref_squeeze %dma_start3A_812 : memref<1x8x1024xf32, #tpu.memory_space<hbm>> -> memref<8x1024xf32, #tpu.memory_space<hbm>>
    tpu.enqueue_dma source(%arg14 : memref<8x1024xf32, #tpu.memory_space<vmem>>) target(%dma_start3A_813 : memref<8x1024xf32, #tpu.memory_space<hbm>>) target_semaphore(%arg40 : memref<!tpu.dma_semaphore, #tpu.memory_space<semaphore_mem>>)
    %add3A_814 = arith.constant 40 : i32
    %add3A_815 = arith.addi %mul3A_2, %add3A_814 : i32
    %dma_start3A_816 = arith.constant 2 : i32
    %dma_start3A_817 = arith.constant 0 : i32
    %dma_start3A_818 = tpu.memref_slice %arg4[%dma_start3A_816, %add3A_815, %dma_start3A_817] : memref<4x2048x1024xf32, #tpu.memory_space<hbm>> -> memref<1x8x1024xf32, #tpu.memory_space<hbm>>
    %dma_start3A_819 = tpu.memref_squeeze %dma_start3A_818 : memref<1x8x1024xf32, #tpu.memory_space<hbm>> -> memref<8x1024xf32, #tpu.memory_space<hbm>>
    %dma_start3A_820 = arith.constant 0 : i32
    %dma_start3A_821 = tpu.memref_slice %arg4[%dma_start3A_816, %add3A_815, %dma_start3A_820] : memref<4x2048x1024xf32, #tpu.memory_space<hbm>> -> memref<1x8x1024xf32, #tpu.memory_space<hbm>>
    %dma_start3A_822 = tpu.memref_squeeze %dma_start3A_821 : memref<1x8x1024xf32, #tpu.memory_space<hbm>> -> memref<8x1024xf32, #tpu.memory_space<hbm>>
    tpu.enqueue_dma source(%arg15 : memref<8x1024xf32, #tpu.memory_space<vmem>>) target(%dma_start3A_822 : memref<8x1024xf32, #tpu.memory_space<hbm>>) target_semaphore(%arg41 : memref<!tpu.dma_semaphore, #tpu.memory_space<semaphore_mem>>)
    %add3A_823 = arith.constant 40 : i32
    %add3A_824 = arith.addi %mul3A_2, %add3A_823 : i32
    %dma_start3A_825 = arith.constant 3 : i32
    %dma_start3A_826 = arith.constant 0 : i32
    %dma_start3A_827 = tpu.memref_slice %arg4[%dma_start3A_825, %add3A_824, %dma_start3A_826] : memref<4x2048x1024xf32, #tpu.memory_space<hbm>> -> memref<1x8x1024xf32, #tpu.memory_space<hbm>>
    %dma_start3A_828 = tpu.memref_squeeze %dma_start3A_827 : memref<1x8x1024xf32, #tpu.memory_space<hbm>> -> memref<8x1024xf32, #tpu.memory_space<hbm>>
    %dma_start3A_829 = arith.constant 0 : i32
    %dma_start3A_830 = tpu.memref_slice %arg4[%dma_start3A_825, %add3A_824, %dma_start3A_829] : memref<4x2048x1024xf32, #tpu.memory_space<hbm>> -> memref<1x8x1024xf32, #tpu.memory_space<hbm>>
    %dma_start3A_831 = tpu.memref_squeeze %dma_start3A_830 : memref<1x8x1024xf32, #tpu.memory_space<hbm>> -> memref<8x1024xf32, #tpu.memory_space<hbm>>
    tpu.enqueue_dma source(%arg16 : memref<8x1024xf32, #tpu.memory_space<vmem>>) target(%dma_start3A_831 : memref<8x1024xf32, #tpu.memory_space<hbm>>) target_semaphore(%arg42 : memref<!tpu.dma_semaphore, #tpu.memory_space<semaphore_mem>>)
    %dma_wait3A_832 = arith.constant 0 : i32
    %dma_wait3A_833 = arith.constant 0 : i32
    %dma_wait3A_834 = tpu.memref_slice %arg4[%dma_wait3A_832, %add3A_656, %dma_wait3A_833] : memref<4x2048x1024xf32, #tpu.memory_space<hbm>> -> memref<1x8x1024xf32, #tpu.memory_space<hbm>>
    %dma_wait3A_835 = tpu.memref_squeeze %dma_wait3A_834 : memref<1x8x1024xf32, #tpu.memory_space<hbm>> -> memref<8x1024xf32, #tpu.memory_space<hbm>>
    %dma_wait3A_836 = arith.constant 0 : i32
    %dma_wait3A_837 = tpu.memref_slice %arg4[%dma_wait3A_832, %add3A_656, %dma_wait3A_836] : memref<4x2048x1024xf32, #tpu.memory_space<hbm>> -> memref<1x8x1024xf32, #tpu.memory_space<hbm>>
    %dma_wait3A_838 = tpu.memref_squeeze %dma_wait3A_837 : memref<1x8x1024xf32, #tpu.memory_space<hbm>> -> memref<8x1024xf32, #tpu.memory_space<hbm>>
    tpu.wait_dma2 semaphore(%arg35 : memref<!tpu.dma_semaphore, #tpu.memory_space<semaphore_mem>>) src(%arg9 : memref<8x1024xf32, #tpu.memory_space<vmem>>) dst(%dma_wait3A_838 : memref<8x1024xf32, #tpu.memory_space<hbm>>)
    %dma_wait3A_839 = arith.constant 1 : i32
    %dma_wait3A_840 = arith.constant 0 : i32
    %dma_wait3A_841 = tpu.memref_slice %arg4[%dma_wait3A_839, %add3A_665, %dma_wait3A_840] : memref<4x2048x1024xf32, #tpu.memory_space<hbm>> -> memref<1x8x1024xf32, #tpu.memory_space<hbm>>
    %dma_wait3A_842 = tpu.memref_squeeze %dma_wait3A_841 : memref<1x8x1024xf32, #tpu.memory_space<hbm>> -> memref<8x1024xf32, #tpu.memory_space<hbm>>
    %dma_wait3A_843 = arith.constant 0 : i32
    %dma_wait3A_844 = tpu.memref_slice %arg4[%dma_wait3A_839, %add3A_665, %dma_wait3A_843] : memref<4x2048x1024xf32, #tpu.memory_space<hbm>> -> memref<1x8x1024xf32, #tpu.memory_space<hbm>>
    %dma_wait3A_845 = tpu.memref_squeeze %dma_wait3A_844 : memref<1x8x1024xf32, #tpu.memory_space<hbm>> -> memref<8x1024xf32, #tpu.memory_space<hbm>>
    tpu.wait_dma2 semaphore(%arg36 : memref<!tpu.dma_semaphore, #tpu.memory_space<semaphore_mem>>) src(%arg10 : memref<8x1024xf32, #tpu.memory_space<vmem>>) dst(%dma_wait3A_845 : memref<8x1024xf32, #tpu.memory_space<hbm>>)
    %dma_wait3A_846 = arith.constant 2 : i32
    %dma_wait3A_847 = arith.constant 0 : i32
    %dma_wait3A_848 = tpu.memref_slice %arg4[%dma_wait3A_846, %add3A_674, %dma_wait3A_847] : memref<4x2048x1024xf32, #tpu.memory_space<hbm>> -> memref<1x8x1024xf32, #tpu.memory_space<hbm>>
    %dma_wait3A_849 = tpu.memref_squeeze %dma_wait3A_848 : memref<1x8x1024xf32, #tpu.memory_space<hbm>> -> memref<8x1024xf32, #tpu.memory_space<hbm>>
    %dma_wait3A_850 = arith.constant 0 : i32
    %dma_wait3A_851 = tpu.memref_slice %arg4[%dma_wait3A_846, %add3A_674, %dma_wait3A_850] : memref<4x2048x1024xf32, #tpu.memory_space<hbm>> -> memref<1x8x1024xf32, #tpu.memory_space<hbm>>
    %dma_wait3A_852 = tpu.memref_squeeze %dma_wait3A_851 : memref<1x8x1024xf32, #tpu.memory_space<hbm>> -> memref<8x1024xf32, #tpu.memory_space<hbm>>
    tpu.wait_dma2 semaphore(%arg37 : memref<!tpu.dma_semaphore, #tpu.memory_space<semaphore_mem>>) src(%arg11 : memref<8x1024xf32, #tpu.memory_space<vmem>>) dst(%dma_wait3A_852 : memref<8x1024xf32, #tpu.memory_space<hbm>>)
    %dma_wait3A_853 = arith.constant 3 : i32
    %dma_wait3A_854 = arith.constant 0 : i32
    %dma_wait3A_855 = tpu.memref_slice %arg4[%dma_wait3A_853, %add3A_683, %dma_wait3A_854] : memref<4x2048x1024xf32, #tpu.memory_space<hbm>> -> memref<1x8x1024xf32, #tpu.memory_space<hbm>>
    %dma_wait3A_856 = tpu.memref_squeeze %dma_wait3A_855 : memref<1x8x1024xf32, #tpu.memory_space<hbm>> -> memref<8x1024xf32, #tpu.memory_space<hbm>>
    %dma_wait3A_857 = arith.constant 0 : i32
    %dma_wait3A_858 = tpu.memref_slice %arg4[%dma_wait3A_853, %add3A_683, %dma_wait3A_857] : memref<4x2048x1024xf32, #tpu.memory_space<hbm>> -> memref<1x8x1024xf32, #tpu.memory_space<hbm>>
    %dma_wait3A_859 = tpu.memref_squeeze %dma_wait3A_858 : memref<1x8x1024xf32, #tpu.memory_space<hbm>> -> memref<8x1024xf32, #tpu.memory_space<hbm>>
    tpu.wait_dma2 semaphore(%arg38 : memref<!tpu.dma_semaphore, #tpu.memory_space<semaphore_mem>>) src(%arg12 : memref<8x1024xf32, #tpu.memory_space<vmem>>) dst(%dma_wait3A_859 : memref<8x1024xf32, #tpu.memory_space<hbm>>)
    %add3A_860 = arith.constant 56 : i32
    %add3A_861 = arith.addi %mul3A_2, %add3A_860 : i32
    %dma_start3A_862 = arith.constant 0 : i32
    %dma_start3A_863 = arith.constant 0 : i32
    %dma_start3A_864 = tpu.memref_slice %arg2[%dma_start3A_862, %add3A_861, %dma_start3A_863] : memref<4x2048x1024xf32, #tpu.memory_space<hbm>> -> memref<1x8x1024xf32, #tpu.memory_space<hbm>>
    %dma_start3A_865 = tpu.memref_squeeze %dma_start3A_864 : memref<1x8x1024xf32, #tpu.memory_space<hbm>> -> memref<8x1024xf32, #tpu.memory_space<hbm>>
    %dma_start3A_866 = arith.constant 0 : i32
    %dma_start3A_867 = tpu.memref_slice %arg2[%dma_start3A_862, %add3A_861, %dma_start3A_866] : memref<4x2048x1024xf32, #tpu.memory_space<hbm>> -> memref<1x8x1024xf32, #tpu.memory_space<hbm>>
    %dma_start3A_868 = tpu.memref_squeeze %dma_start3A_867 : memref<1x8x1024xf32, #tpu.memory_space<hbm>> -> memref<8x1024xf32, #tpu.memory_space<hbm>>
    tpu.enqueue_dma source(%dma_start3A_868 : memref<8x1024xf32, #tpu.memory_space<hbm>>) target(%arg9 : memref<8x1024xf32, #tpu.memory_space<vmem>>) target_semaphore(%arg23 : memref<!tpu.dma_semaphore, #tpu.memory_space<semaphore_mem>>)
    %add3A_869 = arith.constant 56 : i32
    %add3A_870 = arith.addi %mul3A_2, %add3A_869 : i32
    %dma_start3A_871 = arith.constant 1 : i32
    %dma_start3A_872 = arith.constant 0 : i32
    %dma_start3A_873 = tpu.memref_slice %arg2[%dma_start3A_871, %add3A_870, %dma_start3A_872] : memref<4x2048x1024xf32, #tpu.memory_space<hbm>> -> memref<1x8x1024xf32, #tpu.memory_space<hbm>>
    %dma_start3A_874 = tpu.memref_squeeze %dma_start3A_873 : memref<1x8x1024xf32, #tpu.memory_space<hbm>> -> memref<8x1024xf32, #tpu.memory_space<hbm>>
    %dma_start3A_875 = arith.constant 0 : i32
    %dma_start3A_876 = tpu.memref_slice %arg2[%dma_start3A_871, %add3A_870, %dma_start3A_875] : memref<4x2048x1024xf32, #tpu.memory_space<hbm>> -> memref<1x8x1024xf32, #tpu.memory_space<hbm>>
    %dma_start3A_877 = tpu.memref_squeeze %dma_start3A_876 : memref<1x8x1024xf32, #tpu.memory_space<hbm>> -> memref<8x1024xf32, #tpu.memory_space<hbm>>
    tpu.enqueue_dma source(%dma_start3A_877 : memref<8x1024xf32, #tpu.memory_space<hbm>>) target(%arg10 : memref<8x1024xf32, #tpu.memory_space<vmem>>) target_semaphore(%arg24 : memref<!tpu.dma_semaphore, #tpu.memory_space<semaphore_mem>>)
    %add3A_878 = arith.constant 56 : i32
    %add3A_879 = arith.addi %mul3A_2, %add3A_878 : i32
    %dma_start3A_880 = arith.constant 2 : i32
    %dma_start3A_881 = arith.constant 0 : i32
    %dma_start3A_882 = tpu.memref_slice %arg2[%dma_start3A_880, %add3A_879, %dma_start3A_881] : memref<4x2048x1024xf32, #tpu.memory_space<hbm>> -> memref<1x8x1024xf32, #tpu.memory_space<hbm>>
    %dma_start3A_883 = tpu.memref_squeeze %dma_start3A_882 : memref<1x8x1024xf32, #tpu.memory_space<hbm>> -> memref<8x1024xf32, #tpu.memory_space<hbm>>
    %dma_start3A_884 = arith.constant 0 : i32
    %dma_start3A_885 = tpu.memref_slice %arg2[%dma_start3A_880, %add3A_879, %dma_start3A_884] : memref<4x2048x1024xf32, #tpu.memory_space<hbm>> -> memref<1x8x1024xf32, #tpu.memory_space<hbm>>
    %dma_start3A_886 = tpu.memref_squeeze %dma_start3A_885 : memref<1x8x1024xf32, #tpu.memory_space<hbm>> -> memref<8x1024xf32, #tpu.memory_space<hbm>>
    tpu.enqueue_dma source(%dma_start3A_886 : memref<8x1024xf32, #tpu.memory_space<hbm>>) target(%arg11 : memref<8x1024xf32, #tpu.memory_space<vmem>>) target_semaphore(%arg25 : memref<!tpu.dma_semaphore, #tpu.memory_space<semaphore_mem>>)
    %add3A_887 = arith.constant 56 : i32
    %add3A_888 = arith.addi %mul3A_2, %add3A_887 : i32
    %dma_start3A_889 = arith.constant 3 : i32
    %dma_start3A_890 = arith.constant 0 : i32
    %dma_start3A_891 = tpu.memref_slice %arg2[%dma_start3A_889, %add3A_888, %dma_start3A_890] : memref<4x2048x1024xf32, #tpu.memory_space<hbm>> -> memref<1x8x1024xf32, #tpu.memory_space<hbm>>
    %dma_start3A_892 = tpu.memref_squeeze %dma_start3A_891 : memref<1x8x1024xf32, #tpu.memory_space<hbm>> -> memref<8x1024xf32, #tpu.memory_space<hbm>>
    %dma_start3A_893 = arith.constant 0 : i32
    %dma_start3A_894 = tpu.memref_slice %arg2[%dma_start3A_889, %add3A_888, %dma_start3A_893] : memref<4x2048x1024xf32, #tpu.memory_space<hbm>> -> memref<1x8x1024xf32, #tpu.memory_space<hbm>>
    %dma_start3A_895 = tpu.memref_squeeze %dma_start3A_894 : memref<1x8x1024xf32, #tpu.memory_space<hbm>> -> memref<8x1024xf32, #tpu.memory_space<hbm>>
    tpu.enqueue_dma source(%dma_start3A_895 : memref<8x1024xf32, #tpu.memory_space<hbm>>) target(%arg12 : memref<8x1024xf32, #tpu.memory_space<vmem>>) target_semaphore(%arg26 : memref<!tpu.dma_semaphore, #tpu.memory_space<semaphore_mem>>)
    %add3A_896 = arith.constant 56 : i32
    %add3A_897 = arith.addi %mul3A_2, %add3A_896 : i32
    %dma_start3A_898 = arith.constant 0 : i32
    %dma_start3A_899 = tpu.memref_slice %arg3[%add3A_897, %dma_start3A_898] : memref<2048x1024xf32, #tpu.memory_space<hbm>> -> memref<8x1024xf32, #tpu.memory_space<hbm>>
    %dma_start3A_900 = arith.constant 0 : i32
    %dma_start3A_901 = tpu.memref_slice %arg3[%add3A_897, %dma_start3A_900] : memref<2048x1024xf32, #tpu.memory_space<hbm>> -> memref<8x1024xf32, #tpu.memory_space<hbm>>
    tpu.enqueue_dma source(%dma_start3A_901 : memref<8x1024xf32, #tpu.memory_space<hbm>>) target(%arg18 : memref<8x1024xf32, #tpu.memory_space<vmem>>) target_semaphore(%arg44 : memref<!tpu.dma_semaphore, #tpu.memory_space<semaphore_mem>>)
    %dma_wait3A_902 = arith.constant 0 : i32
    %dma_wait3A_903 = tpu.memref_slice %arg3[%add3A_756, %dma_wait3A_902] : memref<2048x1024xf32, #tpu.memory_space<hbm>> -> memref<8x1024xf32, #tpu.memory_space<hbm>>
    %dma_wait3A_904 = arith.constant 0 : i32
    %dma_wait3A_905 = tpu.memref_slice %arg3[%add3A_756, %dma_wait3A_904] : memref<2048x1024xf32, #tpu.memory_space<hbm>> -> memref<8x1024xf32, #tpu.memory_space<hbm>>
    tpu.wait_dma2 semaphore(%arg43 : memref<!tpu.dma_semaphore, #tpu.memory_space<semaphore_mem>>) src(%dma_wait3A_905 : memref<8x1024xf32, #tpu.memory_space<hbm>>) dst(%arg17 : memref<8x1024xf32, #tpu.memory_space<vmem>>)
    %dma_wait3A_906 = arith.constant 0 : i32
    %dma_wait3A_907 = arith.constant 0 : i32
    %dma_wait3A_908 = tpu.memref_slice %arg2[%dma_wait3A_906, %add3A_720, %dma_wait3A_907] : memref<4x2048x1024xf32, #tpu.memory_space<hbm>> -> memref<1x8x1024xf32, #tpu.memory_space<hbm>>
    %dma_wait3A_909 = tpu.memref_squeeze %dma_wait3A_908 : memref<1x8x1024xf32, #tpu.memory_space<hbm>> -> memref<8x1024xf32, #tpu.memory_space<hbm>>
    %dma_wait3A_910 = arith.constant 0 : i32
    %dma_wait3A_911 = tpu.memref_slice %arg2[%dma_wait3A_906, %add3A_720, %dma_wait3A_910] : memref<4x2048x1024xf32, #tpu.memory_space<hbm>> -> memref<1x8x1024xf32, #tpu.memory_space<hbm>>
    %dma_wait3A_912 = tpu.memref_squeeze %dma_wait3A_911 : memref<1x8x1024xf32, #tpu.memory_space<hbm>> -> memref<8x1024xf32, #tpu.memory_space<hbm>>
    tpu.wait_dma2 semaphore(%arg19 : memref<!tpu.dma_semaphore, #tpu.memory_space<semaphore_mem>>) src(%dma_wait3A_912 : memref<8x1024xf32, #tpu.memory_space<hbm>>) dst(%arg5 : memref<8x1024xf32, #tpu.memory_space<vmem>>)
    %dma_wait3A_913 = arith.constant 1 : i32
    %dma_wait3A_914 = arith.constant 0 : i32
    %dma_wait3A_915 = tpu.memref_slice %arg2[%dma_wait3A_913, %add3A_729, %dma_wait3A_914] : memref<4x2048x1024xf32, #tpu.memory_space<hbm>> -> memref<1x8x1024xf32, #tpu.memory_space<hbm>>
    %dma_wait3A_916 = tpu.memref_squeeze %dma_wait3A_915 : memref<1x8x1024xf32, #tpu.memory_space<hbm>> -> memref<8x1024xf32, #tpu.memory_space<hbm>>
    %dma_wait3A_917 = arith.constant 0 : i32
    %dma_wait3A_918 = tpu.memref_slice %arg2[%dma_wait3A_913, %add3A_729, %dma_wait3A_917] : memref<4x2048x1024xf32, #tpu.memory_space<hbm>> -> memref<1x8x1024xf32, #tpu.memory_space<hbm>>
    %dma_wait3A_919 = tpu.memref_squeeze %dma_wait3A_918 : memref<1x8x1024xf32, #tpu.memory_space<hbm>> -> memref<8x1024xf32, #tpu.memory_space<hbm>>
    tpu.wait_dma2 semaphore(%arg20 : memref<!tpu.dma_semaphore, #tpu.memory_space<semaphore_mem>>) src(%dma_wait3A_919 : memref<8x1024xf32, #tpu.memory_space<hbm>>) dst(%arg6 : memref<8x1024xf32, #tpu.memory_space<vmem>>)
    %dma_wait3A_920 = arith.constant 2 : i32
    %dma_wait3A_921 = arith.constant 0 : i32
    %dma_wait3A_922 = tpu.memref_slice %arg2[%dma_wait3A_920, %add3A_738, %dma_wait3A_921] : memref<4x2048x1024xf32, #tpu.memory_space<hbm>> -> memref<1x8x1024xf32, #tpu.memory_space<hbm>>
    %dma_wait3A_923 = tpu.memref_squeeze %dma_wait3A_922 : memref<1x8x1024xf32, #tpu.memory_space<hbm>> -> memref<8x1024xf32, #tpu.memory_space<hbm>>
    %dma_wait3A_924 = arith.constant 0 : i32
    %dma_wait3A_925 = tpu.memref_slice %arg2[%dma_wait3A_920, %add3A_738, %dma_wait3A_924] : memref<4x2048x1024xf32, #tpu.memory_space<hbm>> -> memref<1x8x1024xf32, #tpu.memory_space<hbm>>
    %dma_wait3A_926 = tpu.memref_squeeze %dma_wait3A_925 : memref<1x8x1024xf32, #tpu.memory_space<hbm>> -> memref<8x1024xf32, #tpu.memory_space<hbm>>
    tpu.wait_dma2 semaphore(%arg21 : memref<!tpu.dma_semaphore, #tpu.memory_space<semaphore_mem>>) src(%dma_wait3A_926 : memref<8x1024xf32, #tpu.memory_space<hbm>>) dst(%arg7 : memref<8x1024xf32, #tpu.memory_space<vmem>>)
    %dma_wait3A_927 = arith.constant 3 : i32
    %dma_wait3A_928 = arith.constant 0 : i32
    %dma_wait3A_929 = tpu.memref_slice %arg2[%dma_wait3A_927, %add3A_747, %dma_wait3A_928] : memref<4x2048x1024xf32, #tpu.memory_space<hbm>> -> memref<1x8x1024xf32, #tpu.memory_space<hbm>>
    %dma_wait3A_930 = tpu.memref_squeeze %dma_wait3A_929 : memref<1x8x1024xf32, #tpu.memory_space<hbm>> -> memref<8x1024xf32, #tpu.memory_space<hbm>>
    %dma_wait3A_931 = arith.constant 0 : i32
    %dma_wait3A_932 = tpu.memref_slice %arg2[%dma_wait3A_927, %add3A_747, %dma_wait3A_931] : memref<4x2048x1024xf32, #tpu.memory_space<hbm>> -> memref<1x8x1024xf32, #tpu.memory_space<hbm>>
    %dma_wait3A_933 = tpu.memref_squeeze %dma_wait3A_932 : memref<1x8x1024xf32, #tpu.memory_space<hbm>> -> memref<8x1024xf32, #tpu.memory_space<hbm>>
    tpu.wait_dma2 semaphore(%arg22 : memref<!tpu.dma_semaphore, #tpu.memory_space<semaphore_mem>>) src(%dma_wait3A_933 : memref<8x1024xf32, #tpu.memory_space<hbm>>) dst(%arg8 : memref<8x1024xf32, #tpu.memory_space<vmem>>)
    %parallel_loop3A_934 = arith.constant 0 : i32
    %parallel_loop3A_935 = arith.constant 8192 : i32
    %parallel_loop3A_936 = arith.constant 16 : i32
    scf.for %parallel_loop3A_1128 = %parallel_loop3A_934 to %parallel_loop3A_935 step %parallel_loop3A_936  : i32 {
      %parallel_loop3A_1129 = arith.constant 10 : i32
      %parallel_loop3A_1130 = arith.shrsi %parallel_loop3A_1128, %parallel_loop3A_1129 : i32
      %parallel_loop3A_1131 = arith.constant 1023 : i32
      %parallel_loop3A_1132 = arith.andi %parallel_loop3A_1128, %parallel_loop3A_1131 : i32
      %parallel_loop3A_1133 = tpu.assume_multiple %parallel_loop3A_1132, 16 : i32
      %parallel_loop3A_1134 = arith.index_cast %parallel_loop3A_1130 : i32 to index
      %parallel_loop3A_1135 = arith.index_cast %parallel_loop3A_1133 : i32 to index
      %parallel_loop3A_1136 = tpu.vector_load %arg17[%parallel_loop3A_1134, %parallel_loop3A_1135] {strides = array<i32>} : memref<8x1024xf32, #tpu.memory_space<vmem>>, vector<1x16xf32>,
      %parallel_loop3A_1137 = vector.shape_cast %parallel_loop3A_1136 : vector<1x16xf32> to vector<16xf32>
      %parallel_loop3A_1138 = arith.index_cast %parallel_loop3A_1130 : i32 to index
      %parallel_loop3A_1139 = arith.index_cast %parallel_loop3A_1133 : i32 to index
      %parallel_loop3A_1140 = tpu.vector_load %arg5[%parallel_loop3A_1138, %parallel_loop3A_1139] {strides = array<i32>} : memref<8x1024xf32, #tpu.memory_space<vmem>>, vector<1x16xf32>,
      %parallel_loop3A_1141 = vector.shape_cast %parallel_loop3A_1140 : vector<1x16xf32> to vector<16xf32>
      %parallel_loop3A_1142 = vector.shape_cast %parallel_loop3A_1137 : vector<16xf32> to vector<1x16xf32>
      tpu.vector_store %arg5[%parallel_loop3A_1138, %parallel_loop3A_1139], %parallel_loop3A_1142 {add = true, strides = array<i32>} : memref<8x1024xf32, #tpu.memory_space<vmem>>, vector<1x16xf32>,
      %parallel_loop3A_1143 = arith.index_cast %parallel_loop3A_1130 : i32 to index
      %parallel_loop3A_1144 = arith.index_cast %parallel_loop3A_1133 : i32 to index
      %parallel_loop3A_1145 = tpu.vector_load %arg6[%parallel_loop3A_1143, %parallel_loop3A_1144] {strides = array<i32>} : memref<8x1024xf32, #tpu.memory_space<vmem>>, vector<1x16xf32>,
      %parallel_loop3A_1146 = vector.shape_cast %parallel_loop3A_1145 : vector<1x16xf32> to vector<16xf32>
      %parallel_loop3A_1147 = vector.shape_cast %parallel_loop3A_1137 : vector<16xf32> to vector<1x16xf32>
      tpu.vector_store %arg6[%parallel_loop3A_1143, %parallel_loop3A_1144], %parallel_loop3A_1147 {add = true, strides = array<i32>} : memref<8x1024xf32, #tpu.memory_space<vmem>>, vector<1x16xf32>,
      %parallel_loop3A_1148 = arith.index_cast %parallel_loop3A_1130 : i32 to index
      %parallel_loop3A_1149 = arith.index_cast %parallel_loop3A_1133 : i32 to index
      %parallel_loop3A_1150 = tpu.vector_load %arg7[%parallel_loop3A_1148, %parallel_loop3A_1149] {strides = array<i32>} : memref<8x1024xf32, #tpu.memory_space<vmem>>, vector<1x16xf32>,
      %parallel_loop3A_1151 = vector.shape_cast %parallel_loop3A_1150 : vector<1x16xf32> to vector<16xf32>
      %parallel_loop3A_1152 = vector.shape_cast %parallel_loop3A_1137 : vector<16xf32> to vector<1x16xf32>
      tpu.vector_store %arg7[%parallel_loop3A_1148, %parallel_loop3A_1149], %parallel_loop3A_1152 {add = true, strides = array<i32>} : memref<8x1024xf32, #tpu.memory_space<vmem>>, vector<1x16xf32>,
      %parallel_loop3A_1153 = arith.index_cast %parallel_loop3A_1130 : i32 to index
      %parallel_loop3A_1154 = arith.index_cast %parallel_loop3A_1133 : i32 to index
      %parallel_loop3A_1155 = tpu.vector_load %arg8[%parallel_loop3A_1153, %parallel_loop3A_1154] {strides = array<i32>} : memref<8x1024xf32, #tpu.memory_space<vmem>>, vector<1x16xf32>,
      %parallel_loop3A_1156 = vector.shape_cast %parallel_loop3A_1155 : vector<1x16xf32> to vector<16xf32>
      %parallel_loop3A_1157 = vector.shape_cast %parallel_loop3A_1137 : vector<16xf32> to vector<1x16xf32>
      tpu.vector_store %arg8[%parallel_loop3A_1153, %parallel_loop3A_1154], %parallel_loop3A_1157 {add = true, strides = array<i32>} : memref<8x1024xf32, #tpu.memory_space<vmem>>, vector<1x16xf32>,
    } {sc.loop_unroll_factor = 4 : i64, sc.parallel_access}
    %add3A_937 = arith.constant 48 : i32
    %add3A_938 = arith.addi %mul3A_2, %add3A_937 : i32
    %dma_start3A_939 = arith.constant 0 : i32
    %dma_start3A_940 = arith.constant 0 : i32
    %dma_start3A_941 = tpu.memref_slice %arg4[%dma_start3A_939, %add3A_938, %dma_start3A_940] : memref<4x2048x1024xf32, #tpu.memory_space<hbm>> -> memref<1x8x1024xf32, #tpu.memory_space<hbm>>
    %dma_start3A_942 = tpu.memref_squeeze %dma_start3A_941 : memref<1x8x1024xf32, #tpu.memory_space<hbm>> -> memref<8x1024xf32, #tpu.memory_space<hbm>>
    %dma_start3A_943 = arith.constant 0 : i32
    %dma_start3A_944 = tpu.memref_slice %arg4[%dma_start3A_939, %add3A_938, %dma_start3A_943] : memref<4x2048x1024xf32, #tpu.memory_space<hbm>> -> memref<1x8x1024xf32, #tpu.memory_space<hbm>>
    %dma_start3A_945 = tpu.memref_squeeze %dma_start3A_944 : memref<1x8x1024xf32, #tpu.memory_space<hbm>> -> memref<8x1024xf32, #tpu.memory_space<hbm>>
    tpu.enqueue_dma source(%arg5 : memref<8x1024xf32, #tpu.memory_space<vmem>>) target(%dma_start3A_945 : memref<8x1024xf32, #tpu.memory_space<hbm>>) target_semaphore(%arg31 : memref<!tpu.dma_semaphore, #tpu.memory_space<semaphore_mem>>)
    %add3A_946 = arith.constant 48 : i32
    %add3A_947 = arith.addi %mul3A_2, %add3A_946 : i32
    %dma_start3A_948 = arith.constant 1 : i32
    %dma_start3A_949 = arith.constant 0 : i32
    %dma_start3A_950 = tpu.memref_slice %arg4[%dma_start3A_948, %add3A_947, %dma_start3A_949] : memref<4x2048x1024xf32, #tpu.memory_space<hbm>> -> memref<1x8x1024xf32, #tpu.memory_space<hbm>>
    %dma_start3A_951 = tpu.memref_squeeze %dma_start3A_950 : memref<1x8x1024xf32, #tpu.memory_space<hbm>> -> memref<8x1024xf32, #tpu.memory_space<hbm>>
    %dma_start3A_952 = arith.constant 0 : i32
    %dma_start3A_953 = tpu.memref_slice %arg4[%dma_start3A_948, %add3A_947, %dma_start3A_952] : memref<4x2048x1024xf32, #tpu.memory_space<hbm>> -> memref<1x8x1024xf32, #tpu.memory_space<hbm>>
    %dma_start3A_954 = tpu.memref_squeeze %dma_start3A_953 : memref<1x8x1024xf32, #tpu.memory_space<hbm>> -> memref<8x1024xf32, #tpu.memory_space<hbm>>
    tpu.enqueue_dma source(%arg6 : memref<8x1024xf32, #tpu.memory_space<vmem>>) target(%dma_start3A_954 : memref<8x1024xf32, #tpu.memory_space<hbm>>) target_semaphore(%arg32 : memref<!tpu.dma_semaphore, #tpu.memory_space<semaphore_mem>>)
    %add3A_955 = arith.constant 48 : i32
    %add3A_956 = arith.addi %mul3A_2, %add3A_955 : i32
    %dma_start3A_957 = arith.constant 2 : i32
    %dma_start3A_958 = arith.constant 0 : i32
    %dma_start3A_959 = tpu.memref_slice %arg4[%dma_start3A_957, %add3A_956, %dma_start3A_958] : memref<4x2048x1024xf32, #tpu.memory_space<hbm>> -> memref<1x8x1024xf32, #tpu.memory_space<hbm>>
    %dma_start3A_960 = tpu.memref_squeeze %dma_start3A_959 : memref<1x8x1024xf32, #tpu.memory_space<hbm>> -> memref<8x1024xf32, #tpu.memory_space<hbm>>
    %dma_start3A_961 = arith.constant 0 : i32
    %dma_start3A_962 = tpu.memref_slice %arg4[%dma_start3A_957, %add3A_956, %dma_start3A_961] : memref<4x2048x1024xf32, #tpu.memory_space<hbm>> -> memref<1x8x1024xf32, #tpu.memory_space<hbm>>
    %dma_start3A_963 = tpu.memref_squeeze %dma_start3A_962 : memref<1x8x1024xf32, #tpu.memory_space<hbm>> -> memref<8x1024xf32, #tpu.memory_space<hbm>>
    tpu.enqueue_dma source(%arg7 : memref<8x1024xf32, #tpu.memory_space<vmem>>) target(%dma_start3A_963 : memref<8x1024xf32, #tpu.memory_space<hbm>>) target_semaphore(%arg33 : memref<!tpu.dma_semaphore, #tpu.memory_space<semaphore_mem>>)
    %add3A_964 = arith.constant 48 : i32
    %add3A_965 = arith.addi %mul3A_2, %add3A_964 : i32
    %dma_start3A_966 = arith.constant 3 : i32
    %dma_start3A_967 = arith.constant 0 : i32
    %dma_start3A_968 = tpu.memref_slice %arg4[%dma_start3A_966, %add3A_965, %dma_start3A_967] : memref<4x2048x1024xf32, #tpu.memory_space<hbm>> -> memref<1x8x1024xf32, #tpu.memory_space<hbm>>
    %dma_start3A_969 = tpu.memref_squeeze %dma_start3A_968 : memref<1x8x1024xf32, #tpu.memory_space<hbm>> -> memref<8x1024xf32, #tpu.memory_space<hbm>>
    %dma_start3A_970 = arith.constant 0 : i32
    %dma_start3A_971 = tpu.memref_slice %arg4[%dma_start3A_966, %add3A_965, %dma_start3A_970] : memref<4x2048x1024xf32, #tpu.memory_space<hbm>> -> memref<1x8x1024xf32, #tpu.memory_space<hbm>>
    %dma_start3A_972 = tpu.memref_squeeze %dma_start3A_971 : memref<1x8x1024xf32, #tpu.memory_space<hbm>> -> memref<8x1024xf32, #tpu.memory_space<hbm>>
    tpu.enqueue_dma source(%arg8 : memref<8x1024xf32, #tpu.memory_space<vmem>>) target(%dma_start3A_972 : memref<8x1024xf32, #tpu.memory_space<hbm>>) target_semaphore(%arg34 : memref<!tpu.dma_semaphore, #tpu.memory_space<semaphore_mem>>)
    %dma_wait3A_973 = arith.constant 0 : i32
    %dma_wait3A_974 = tpu.memref_slice %arg3[%add3A_897, %dma_wait3A_973] : memref<2048x1024xf32, #tpu.memory_space<hbm>> -> memref<8x1024xf32, #tpu.memory_space<hbm>>
    %dma_wait3A_975 = arith.constant 0 : i32
    %dma_wait3A_976 = tpu.memref_slice %arg3[%add3A_897, %dma_wait3A_975] : memref<2048x1024xf32, #tpu.memory_space<hbm>> -> memref<8x1024xf32, #tpu.memory_space<hbm>>
    tpu.wait_dma2 semaphore(%arg44 : memref<!tpu.dma_semaphore, #tpu.memory_space<semaphore_mem>>) src(%dma_wait3A_976 : memref<8x1024xf32, #tpu.memory_space<hbm>>) dst(%arg18 : memref<8x1024xf32, #tpu.memory_space<vmem>>)
    %dma_wait3A_977 = arith.constant 0 : i32
    %dma_wait3A_978 = arith.constant 0 : i32
    %dma_wait3A_979 = tpu.memref_slice %arg2[%dma_wait3A_977, %add3A_861, %dma_wait3A_978] : memref<4x2048x1024xf32, #tpu.memory_space<hbm>> -> memref<1x8x1024xf32, #tpu.memory_space<hbm>>
    %dma_wait3A_980 = tpu.memref_squeeze %dma_wait3A_979 : memref<1x8x1024xf32, #tpu.memory_space<hbm>> -> memref<8x1024xf32, #tpu.memory_space<hbm>>
    %dma_wait3A_981 = arith.constant 0 : i32
    %dma_wait3A_982 = tpu.memref_slice %arg2[%dma_wait3A_977, %add3A_861, %dma_wait3A_981] : memref<4x2048x1024xf32, #tpu.memory_space<hbm>> -> memref<1x8x1024xf32, #tpu.memory_space<hbm>>
    %dma_wait3A_983 = tpu.memref_squeeze %dma_wait3A_982 : memref<1x8x1024xf32, #tpu.memory_space<hbm>> -> memref<8x1024xf32, #tpu.memory_space<hbm>>
    tpu.wait_dma2 semaphore(%arg23 : memref<!tpu.dma_semaphore, #tpu.memory_space<semaphore_mem>>) src(%dma_wait3A_983 : memref<8x1024xf32, #tpu.memory_space<hbm>>) dst(%arg9 : memref<8x1024xf32, #tpu.memory_space<vmem>>)
    %dma_wait3A_984 = arith.constant 1 : i32
    %dma_wait3A_985 = arith.constant 0 : i32
    %dma_wait3A_986 = tpu.memref_slice %arg2[%dma_wait3A_984, %add3A_870, %dma_wait3A_985] : memref<4x2048x1024xf32, #tpu.memory_space<hbm>> -> memref<1x8x1024xf32, #tpu.memory_space<hbm>>
    %dma_wait3A_987 = tpu.memref_squeeze %dma_wait3A_986 : memref<1x8x1024xf32, #tpu.memory_space<hbm>> -> memref<8x1024xf32, #tpu.memory_space<hbm>>
    %dma_wait3A_988 = arith.constant 0 : i32
    %dma_wait3A_989 = tpu.memref_slice %arg2[%dma_wait3A_984, %add3A_870, %dma_wait3A_988] : memref<4x2048x1024xf32, #tpu.memory_space<hbm>> -> memref<1x8x1024xf32, #tpu.memory_space<hbm>>
    %dma_wait3A_990 = tpu.memref_squeeze %dma_wait3A_989 : memref<1x8x1024xf32, #tpu.memory_space<hbm>> -> memref<8x1024xf32, #tpu.memory_space<hbm>>
    tpu.wait_dma2 semaphore(%arg24 : memref<!tpu.dma_semaphore, #tpu.memory_space<semaphore_mem>>) src(%dma_wait3A_990 : memref<8x1024xf32, #tpu.memory_space<hbm>>) dst(%arg10 : memref<8x1024xf32, #tpu.memory_space<vmem>>)
    %dma_wait3A_991 = arith.constant 2 : i32
    %dma_wait3A_992 = arith.constant 0 : i32
    %dma_wait3A_993 = tpu.memref_slice %arg2[%dma_wait3A_991, %add3A_879, %dma_wait3A_992] : memref<4x2048x1024xf32, #tpu.memory_space<hbm>> -> memref<1x8x1024xf32, #tpu.memory_space<hbm>>
    %dma_wait3A_994 = tpu.memref_squeeze %dma_wait3A_993 : memref<1x8x1024xf32, #tpu.memory_space<hbm>> -> memref<8x1024xf32, #tpu.memory_space<hbm>>
    %dma_wait3A_995 = arith.constant 0 : i32
    %dma_wait3A_996 = tpu.memref_slice %arg2[%dma_wait3A_991, %add3A_879, %dma_wait3A_995] : memref<4x2048x1024xf32, #tpu.memory_space<hbm>> -> memref<1x8x1024xf32, #tpu.memory_space<hbm>>
    %dma_wait3A_997 = tpu.memref_squeeze %dma_wait3A_996 : memref<1x8x1024xf32, #tpu.memory_space<hbm>> -> memref<8x1024xf32, #tpu.memory_space<hbm>>
    tpu.wait_dma2 semaphore(%arg25 : memref<!tpu.dma_semaphore, #tpu.memory_space<semaphore_mem>>) src(%dma_wait3A_997 : memref<8x1024xf32, #tpu.memory_space<hbm>>) dst(%arg11 : memref<8x1024xf32, #tpu.memory_space<vmem>>)
    %dma_wait3A_998 = arith.constant 3 : i32
    %dma_wait3A_999 = arith.constant 0 : i32
    %dma_wait3A_1000 = tpu.memref_slice %arg2[%dma_wait3A_998, %add3A_888, %dma_wait3A_999] : memref<4x2048x1024xf32, #tpu.memory_space<hbm>> -> memref<1x8x1024xf32, #tpu.memory_space<hbm>>
    %dma_wait3A_1001 = tpu.memref_squeeze %dma_wait3A_1000 : memref<1x8x1024xf32, #tpu.memory_space<hbm>> -> memref<8x1024xf32, #tpu.memory_space<hbm>>
    %dma_wait3A_1002 = arith.constant 0 : i32
    %dma_wait3A_1003 = tpu.memref_slice %arg2[%dma_wait3A_998, %add3A_888, %dma_wait3A_1002] : memref<4x2048x1024xf32, #tpu.memory_space<hbm>> -> memref<1x8x1024xf32, #tpu.memory_space<hbm>>
    %dma_wait3A_1004 = tpu.memref_squeeze %dma_wait3A_1003 : memref<1x8x1024xf32, #tpu.memory_space<hbm>> -> memref<8x1024xf32, #tpu.memory_space<hbm>>
    tpu.wait_dma2 semaphore(%arg26 : memref<!tpu.dma_semaphore, #tpu.memory_space<semaphore_mem>>) src(%dma_wait3A_1004 : memref<8x1024xf32, #tpu.memory_space<hbm>>) dst(%arg12 : memref<8x1024xf32, #tpu.memory_space<vmem>>)
    %parallel_loop3A_1005 = arith.constant 0 : i32
    %parallel_loop3A_1006 = arith.constant 8192 : i32
    %parallel_loop3A_1007 = arith.constant 16 : i32
    scf.for %parallel_loop3A_1128 = %parallel_loop3A_1005 to %parallel_loop3A_1006 step %parallel_loop3A_1007  : i32 {
      %parallel_loop3A_1129 = arith.constant 10 : i32
      %parallel_loop3A_1130 = arith.shrsi %parallel_loop3A_1128, %parallel_loop3A_1129 : i32
      %parallel_loop3A_1131 = arith.constant 1023 : i32
      %parallel_loop3A_1132 = arith.andi %parallel_loop3A_1128, %parallel_loop3A_1131 : i32
      %parallel_loop3A_1133 = tpu.assume_multiple %parallel_loop3A_1132, 16 : i32
      %parallel_loop3A_1134 = arith.index_cast %parallel_loop3A_1130 : i32 to index
      %parallel_loop3A_1135 = arith.index_cast %parallel_loop3A_1133 : i32 to index
      %parallel_loop3A_1136 = tpu.vector_load %arg18[%parallel_loop3A_1134, %parallel_loop3A_1135] {strides = array<i32>} : memref<8x1024xf32, #tpu.memory_space<vmem>>, vector<1x16xf32>,
      %parallel_loop3A_1137 = vector.shape_cast %parallel_loop3A_1136 : vector<1x16xf32> to vector<16xf32>
      %parallel_loop3A_1138 = arith.index_cast %parallel_loop3A_1130 : i32 to index
      %parallel_loop3A_1139 = arith.index_cast %parallel_loop3A_1133 : i32 to index
      %parallel_loop3A_1140 = tpu.vector_load %arg9[%parallel_loop3A_1138, %parallel_loop3A_1139] {strides = array<i32>} : memref<8x1024xf32, #tpu.memory_space<vmem>>, vector<1x16xf32>,
      %parallel_loop3A_1141 = vector.shape_cast %parallel_loop3A_1140 : vector<1x16xf32> to vector<16xf32>
      %parallel_loop3A_1142 = vector.shape_cast %parallel_loop3A_1137 : vector<16xf32> to vector<1x16xf32>
      tpu.vector_store %arg9[%parallel_loop3A_1138, %parallel_loop3A_1139], %parallel_loop3A_1142 {add = true, strides = array<i32>} : memref<8x1024xf32, #tpu.memory_space<vmem>>, vector<1x16xf32>,
      %parallel_loop3A_1143 = arith.index_cast %parallel_loop3A_1130 : i32 to index
      %parallel_loop3A_1144 = arith.index_cast %parallel_loop3A_1133 : i32 to index
      %parallel_loop3A_1145 = tpu.vector_load %arg10[%parallel_loop3A_1143, %parallel_loop3A_1144] {strides = array<i32>} : memref<8x1024xf32, #tpu.memory_space<vmem>>, vector<1x16xf32>,
      %parallel_loop3A_1146 = vector.shape_cast %parallel_loop3A_1145 : vector<1x16xf32> to vector<16xf32>
      %parallel_loop3A_1147 = vector.shape_cast %parallel_loop3A_1137 : vector<16xf32> to vector<1x16xf32>
      tpu.vector_store %arg10[%parallel_loop3A_1143, %parallel_loop3A_1144], %parallel_loop3A_1147 {add = true, strides = array<i32>} : memref<8x1024xf32, #tpu.memory_space<vmem>>, vector<1x16xf32>,
      %parallel_loop3A_1148 = arith.index_cast %parallel_loop3A_1130 : i32 to index
      %parallel_loop3A_1149 = arith.index_cast %parallel_loop3A_1133 : i32 to index
      %parallel_loop3A_1150 = tpu.vector_load %arg11[%parallel_loop3A_1148, %parallel_loop3A_1149] {strides = array<i32>} : memref<8x1024xf32, #tpu.memory_space<vmem>>, vector<1x16xf32>,
      %parallel_loop3A_1151 = vector.shape_cast %parallel_loop3A_1150 : vector<1x16xf32> to vector<16xf32>
      %parallel_loop3A_1152 = vector.shape_cast %parallel_loop3A_1137 : vector<16xf32> to vector<1x16xf32>
      tpu.vector_store %arg11[%parallel_loop3A_1148, %parallel_loop3A_1149], %parallel_loop3A_1152 {add = true, strides = array<i32>} : memref<8x1024xf32, #tpu.memory_space<vmem>>, vector<1x16xf32>,
      %parallel_loop3A_1153 = arith.index_cast %parallel_loop3A_1130 : i32 to index
      %parallel_loop3A_1154 = arith.index_cast %parallel_loop3A_1133 : i32 to index
      %parallel_loop3A_1155 = tpu.vector_load %arg12[%parallel_loop3A_1153, %parallel_loop3A_1154] {strides = array<i32>} : memref<8x1024xf32, #tpu.memory_space<vmem>>, vector<1x16xf32>,
      %parallel_loop3A_1156 = vector.shape_cast %parallel_loop3A_1155 : vector<1x16xf32> to vector<16xf32>
      %parallel_loop3A_1157 = vector.shape_cast %parallel_loop3A_1137 : vector<16xf32> to vector<1x16xf32>
      tpu.vector_store %arg12[%parallel_loop3A_1153, %parallel_loop3A_1154], %parallel_loop3A_1157 {add = true, strides = array<i32>} : memref<8x1024xf32, #tpu.memory_space<vmem>>, vector<1x16xf32>,
    } {sc.loop_unroll_factor = 4 : i64, sc.parallel_access}
    %add3A_1008 = arith.constant 56 : i32
    %add3A_1009 = arith.addi %mul3A_2, %add3A_1008 : i32
    %dma_start3A_1010 = arith.constant 0 : i32
    %dma_start3A_1011 = arith.constant 0 : i32
    %dma_start3A_1012 = tpu.memref_slice %arg4[%dma_start3A_1010, %add3A_1009, %dma_start3A_1011] : memref<4x2048x1024xf32, #tpu.memory_space<hbm>> -> memref<1x8x1024xf32, #tpu.memory_space<hbm>>
    %dma_start3A_1013 = tpu.memref_squeeze %dma_start3A_1012 : memref<1x8x1024xf32, #tpu.memory_space<hbm>> -> memref<8x1024xf32, #tpu.memory_space<hbm>>
    %dma_start3A_1014 = arith.constant 0 : i32
    %dma_start3A_1015 = tpu.memref_slice %arg4[%dma_start3A_1010, %add3A_1009, %dma_start3A_1014] : memref<4x2048x1024xf32, #tpu.memory_space<hbm>> -> memref<1x8x1024xf32, #tpu.memory_space<hbm>>
    %dma_start3A_1016 = tpu.memref_squeeze %dma_start3A_1015 : memref<1x8x1024xf32, #tpu.memory_space<hbm>> -> memref<8x1024xf32, #tpu.memory_space<hbm>>
    tpu.enqueue_dma source(%arg9 : memref<8x1024xf32, #tpu.memory_space<vmem>>) target(%dma_start3A_1016 : memref<8x1024xf32, #tpu.memory_space<hbm>>) target_semaphore(%arg35 : memref<!tpu.dma_semaphore, #tpu.memory_space<semaphore_mem>>)
    %add3A_1017 = arith.constant 56 : i32
    %add3A_1018 = arith.addi %mul3A_2, %add3A_1017 : i32
    %dma_start3A_1019 = arith.constant 1 : i32
    %dma_start3A_1020 = arith.constant 0 : i32
    %dma_start3A_1021 = tpu.memref_slice %arg4[%dma_start3A_1019, %add3A_1018, %dma_start3A_1020] : memref<4x2048x1024xf32, #tpu.memory_space<hbm>> -> memref<1x8x1024xf32, #tpu.memory_space<hbm>>
    %dma_start3A_1022 = tpu.memref_squeeze %dma_start3A_1021 : memref<1x8x1024xf32, #tpu.memory_space<hbm>> -> memref<8x1024xf32, #tpu.memory_space<hbm>>
    %dma_start3A_1023 = arith.constant 0 : i32
    %dma_start3A_1024 = tpu.memref_slice %arg4[%dma_start3A_1019, %add3A_1018, %dma_start3A_1023] : memref<4x2048x1024xf32, #tpu.memory_space<hbm>> -> memref<1x8x1024xf32, #tpu.memory_space<hbm>>
    %dma_start3A_1025 = tpu.memref_squeeze %dma_start3A_1024 : memref<1x8x1024xf32, #tpu.memory_space<hbm>> -> memref<8x1024xf32, #tpu.memory_space<hbm>>
    tpu.enqueue_dma source(%arg10 : memref<8x1024xf32, #tpu.memory_space<vmem>>) target(%dma_start3A_1025 : memref<8x1024xf32, #tpu.memory_space<hbm>>) target_semaphore(%arg36 : memref<!tpu.dma_semaphore, #tpu.memory_space<semaphore_mem>>)
    %add3A_1026 = arith.constant 56 : i32
    %add3A_1027 = arith.addi %mul3A_2, %add3A_1026 : i32
    %dma_start3A_1028 = arith.constant 2 : i32
    %dma_start3A_1029 = arith.constant 0 : i32
    %dma_start3A_1030 = tpu.memref_slice %arg4[%dma_start3A_1028, %add3A_1027, %dma_start3A_1029] : memref<4x2048x1024xf32, #tpu.memory_space<hbm>> -> memref<1x8x1024xf32, #tpu.memory_space<hbm>>
    %dma_start3A_1031 = tpu.memref_squeeze %dma_start3A_1030 : memref<1x8x1024xf32, #tpu.memory_space<hbm>> -> memref<8x1024xf32, #tpu.memory_space<hbm>>
    %dma_start3A_1032 = arith.constant 0 : i32
    %dma_start3A_1033 = tpu.memref_slice %arg4[%dma_start3A_1028, %add3A_1027, %dma_start3A_1032] : memref<4x2048x1024xf32, #tpu.memory_space<hbm>> -> memref<1x8x1024xf32, #tpu.memory_space<hbm>>
    %dma_start3A_1034 = tpu.memref_squeeze %dma_start3A_1033 : memref<1x8x1024xf32, #tpu.memory_space<hbm>> -> memref<8x1024xf32, #tpu.memory_space<hbm>>
    tpu.enqueue_dma source(%arg11 : memref<8x1024xf32, #tpu.memory_space<vmem>>) target(%dma_start3A_1034 : memref<8x1024xf32, #tpu.memory_space<hbm>>) target_semaphore(%arg37 : memref<!tpu.dma_semaphore, #tpu.memory_space<semaphore_mem>>)
    %add3A_1035 = arith.constant 56 : i32
    %add3A_1036 = arith.addi %mul3A_2, %add3A_1035 : i32
    %dma_start3A_1037 = arith.constant 3 : i32
    %dma_start3A_1038 = arith.constant 0 : i32
    %dma_start3A_1039 = tpu.memref_slice %arg4[%dma_start3A_1037, %add3A_1036, %dma_start3A_1038] : memref<4x2048x1024xf32, #tpu.memory_space<hbm>> -> memref<1x8x1024xf32, #tpu.memory_space<hbm>>
    %dma_start3A_1040 = tpu.memref_squeeze %dma_start3A_1039 : memref<1x8x1024xf32, #tpu.memory_space<hbm>> -> memref<8x1024xf32, #tpu.memory_space<hbm>>
    %dma_start3A_1041 = arith.constant 0 : i32
    %dma_start3A_1042 = tpu.memref_slice %arg4[%dma_start3A_1037, %add3A_1036, %dma_start3A_1041] : memref<4x2048x1024xf32, #tpu.memory_space<hbm>> -> memref<1x8x1024xf32, #tpu.memory_space<hbm>>
    %dma_start3A_1043 = tpu.memref_squeeze %dma_start3A_1042 : memref<1x8x1024xf32, #tpu.memory_space<hbm>> -> memref<8x1024xf32, #tpu.memory_space<hbm>>
    tpu.enqueue_dma source(%arg12 : memref<8x1024xf32, #tpu.memory_space<vmem>>) target(%dma_start3A_1043 : memref<8x1024xf32, #tpu.memory_space<hbm>>) target_semaphore(%arg38 : memref<!tpu.dma_semaphore, #tpu.memory_space<semaphore_mem>>)
    %dma_wait3A_1044 = arith.constant 0 : i32
    %dma_wait3A_1045 = arith.constant 0 : i32
    %dma_wait3A_1046 = tpu.memref_slice %arg4[%dma_wait3A_1044, %add3A_797, %dma_wait3A_1045] : memref<4x2048x1024xf32, #tpu.memory_space<hbm>> -> memref<1x8x1024xf32, #tpu.memory_space<hbm>>
    %dma_wait3A_1047 = tpu.memref_squeeze %dma_wait3A_1046 : memref<1x8x1024xf32, #tpu.memory_space<hbm>> -> memref<8x1024xf32, #tpu.memory_space<hbm>>
    %dma_wait3A_1048 = arith.constant 0 : i32
    %dma_wait3A_1049 = tpu.memref_slice %arg4[%dma_wait3A_1044, %add3A_797, %dma_wait3A_1048] : memref<4x2048x1024xf32, #tpu.memory_space<hbm>> -> memref<1x8x1024xf32, #tpu.memory_space<hbm>>
    %dma_wait3A_1050 = tpu.memref_squeeze %dma_wait3A_1049 : memref<1x8x1024xf32, #tpu.memory_space<hbm>> -> memref<8x1024xf32, #tpu.memory_space<hbm>>
    tpu.wait_dma2 semaphore(%arg39 : memref<!tpu.dma_semaphore, #tpu.memory_space<semaphore_mem>>) src(%arg13 : memref<8x1024xf32, #tpu.memory_space<vmem>>) dst(%dma_wait3A_1050 : memref<8x1024xf32, #tpu.memory_space<hbm>>)
    %dma_wait3A_1051 = arith.constant 1 : i32
    %dma_wait3A_1052 = arith.constant 0 : i32
    %dma_wait3A_1053 = tpu.memref_slice %arg4[%dma_wait3A_1051, %add3A_806, %dma_wait3A_1052] : memref<4x2048x1024xf32, #tpu.memory_space<hbm>> -> memref<1x8x1024xf32, #tpu.memory_space<hbm>>
    %dma_wait3A_1054 = tpu.memref_squeeze %dma_wait3A_1053 : memref<1x8x1024xf32, #tpu.memory_space<hbm>> -> memref<8x1024xf32, #tpu.memory_space<hbm>>
    %dma_wait3A_1055 = arith.constant 0 : i32
    %dma_wait3A_1056 = tpu.memref_slice %arg4[%dma_wait3A_1051, %add3A_806, %dma_wait3A_1055] : memref<4x2048x1024xf32, #tpu.memory_space<hbm>> -> memref<1x8x1024xf32, #tpu.memory_space<hbm>>
    %dma_wait3A_1057 = tpu.memref_squeeze %dma_wait3A_1056 : memref<1x8x1024xf32, #tpu.memory_space<hbm>> -> memref<8x1024xf32, #tpu.memory_space<hbm>>
    tpu.wait_dma2 semaphore(%arg40 : memref<!tpu.dma_semaphore, #tpu.memory_space<semaphore_mem>>) src(%arg14 : memref<8x1024xf32, #tpu.memory_space<vmem>>) dst(%dma_wait3A_1057 : memref<8x1024xf32, #tpu.memory_space<hbm>>)
    %dma_wait3A_1058 = arith.constant 2 : i32
    %dma_wait3A_1059 = arith.constant 0 : i32
    %dma_wait3A_1060 = tpu.memref_slice %arg4[%dma_wait3A_1058, %add3A_815, %dma_wait3A_1059] : memref<4x2048x1024xf32, #tpu.memory_space<hbm>> -> memref<1x8x1024xf32, #tpu.memory_space<hbm>>
    %dma_wait3A_1061 = tpu.memref_squeeze %dma_wait3A_1060 : memref<1x8x1024xf32, #tpu.memory_space<hbm>> -> memref<8x1024xf32, #tpu.memory_space<hbm>>
    %dma_wait3A_1062 = arith.constant 0 : i32
    %dma_wait3A_1063 = tpu.memref_slice %arg4[%dma_wait3A_1058, %add3A_815, %dma_wait3A_1062] : memref<4x2048x1024xf32, #tpu.memory_space<hbm>> -> memref<1x8x1024xf32, #tpu.memory_space<hbm>>
    %dma_wait3A_1064 = tpu.memref_squeeze %dma_wait3A_1063 : memref<1x8x1024xf32, #tpu.memory_space<hbm>> -> memref<8x1024xf32, #tpu.memory_space<hbm>>
    tpu.wait_dma2 semaphore(%arg41 : memref<!tpu.dma_semaphore, #tpu.memory_space<semaphore_mem>>) src(%arg15 : memref<8x1024xf32, #tpu.memory_space<vmem>>) dst(%dma_wait3A_1064 : memref<8x1024xf32, #tpu.memory_space<hbm>>)
    %dma_wait3A_1065 = arith.constant 3 : i32
    %dma_wait3A_1066 = arith.constant 0 : i32
    %dma_wait3A_1067 = tpu.memref_slice %arg4[%dma_wait3A_1065, %add3A_824, %dma_wait3A_1066] : memref<4x2048x1024xf32, #tpu.memory_space<hbm>> -> memref<1x8x1024xf32, #tpu.memory_space<hbm>>
    %dma_wait3A_1068 = tpu.memref_squeeze %dma_wait3A_1067 : memref<1x8x1024xf32, #tpu.memory_space<hbm>> -> memref<8x1024xf32, #tpu.memory_space<hbm>>
    %dma_wait3A_1069 = arith.constant 0 : i32
    %dma_wait3A_1070 = tpu.memref_slice %arg4[%dma_wait3A_1065, %add3A_824, %dma_wait3A_1069] : memref<4x2048x1024xf32, #tpu.memory_space<hbm>> -> memref<1x8x1024xf32, #tpu.memory_space<hbm>>
    %dma_wait3A_1071 = tpu.memref_squeeze %dma_wait3A_1070 : memref<1x8x1024xf32, #tpu.memory_space<hbm>> -> memref<8x1024xf32, #tpu.memory_space<hbm>>
    tpu.wait_dma2 semaphore(%arg42 : memref<!tpu.dma_semaphore, #tpu.memory_space<semaphore_mem>>) src(%arg16 : memref<8x1024xf32, #tpu.memory_space<vmem>>) dst(%dma_wait3A_1071 : memref<8x1024xf32, #tpu.memory_space<hbm>>)
    %dma_wait3A_1072 = arith.constant 0 : i32
    %dma_wait3A_1073 = arith.constant 0 : i32
    %dma_wait3A_1074 = tpu.memref_slice %arg4[%dma_wait3A_1072, %add3A_938, %dma_wait3A_1073] : memref<4x2048x1024xf32, #tpu.memory_space<hbm>> -> memref<1x8x1024xf32, #tpu.memory_space<hbm>>
    %dma_wait3A_1075 = tpu.memref_squeeze %dma_wait3A_1074 : memref<1x8x1024xf32, #tpu.memory_space<hbm>> -> memref<8x1024xf32, #tpu.memory_space<hbm>>
    %dma_wait3A_1076 = arith.constant 0 : i32
    %dma_wait3A_1077 = tpu.memref_slice %arg4[%dma_wait3A_1072, %add3A_938, %dma_wait3A_1076] : memref<4x2048x1024xf32, #tpu.memory_space<hbm>> -> memref<1x8x1024xf32, #tpu.memory_space<hbm>>
    %dma_wait3A_1078 = tpu.memref_squeeze %dma_wait3A_1077 : memref<1x8x1024xf32, #tpu.memory_space<hbm>> -> memref<8x1024xf32, #tpu.memory_space<hbm>>
    tpu.wait_dma2 semaphore(%arg31 : memref<!tpu.dma_semaphore, #tpu.memory_space<semaphore_mem>>) src(%arg5 : memref<8x1024xf32, #tpu.memory_space<vmem>>) dst(%dma_wait3A_1078 : memref<8x1024xf32, #tpu.memory_space<hbm>>)
    %dma_wait3A_1079 = arith.constant 1 : i32
    %dma_wait3A_1080 = arith.constant 0 : i32
    %dma_wait3A_1081 = tpu.memref_slice %arg4[%dma_wait3A_1079, %add3A_947, %dma_wait3A_1080] : memref<4x2048x1024xf32, #tpu.memory_space<hbm>> -> memref<1x8x1024xf32, #tpu.memory_space<hbm>>
    %dma_wait3A_1082 = tpu.memref_squeeze %dma_wait3A_1081 : memref<1x8x1024xf32, #tpu.memory_space<hbm>> -> memref<8x1024xf32, #tpu.memory_space<hbm>>
    %dma_wait3A_1083 = arith.constant 0 : i32
    %dma_wait3A_1084 = tpu.memref_slice %arg4[%dma_wait3A_1079, %add3A_947, %dma_wait3A_1083] : memref<4x2048x1024xf32, #tpu.memory_space<hbm>> -> memref<1x8x1024xf32, #tpu.memory_space<hbm>>
    %dma_wait3A_1085 = tpu.memref_squeeze %dma_wait3A_1084 : memref<1x8x1024xf32, #tpu.memory_space<hbm>> -> memref<8x1024xf32, #tpu.memory_space<hbm>>
    tpu.wait_dma2 semaphore(%arg32 : memref<!tpu.dma_semaphore, #tpu.memory_space<semaphore_mem>>) src(%arg6 : memref<8x1024xf32, #tpu.memory_space<vmem>>) dst(%dma_wait3A_1085 : memref<8x1024xf32, #tpu.memory_space<hbm>>)
    %dma_wait3A_1086 = arith.constant 2 : i32
    %dma_wait3A_1087 = arith.constant 0 : i32
    %dma_wait3A_1088 = tpu.memref_slice %arg4[%dma_wait3A_1086, %add3A_956, %dma_wait3A_1087] : memref<4x2048x1024xf32, #tpu.memory_space<hbm>> -> memref<1x8x1024xf32, #tpu.memory_space<hbm>>
    %dma_wait3A_1089 = tpu.memref_squeeze %dma_wait3A_1088 : memref<1x8x1024xf32, #tpu.memory_space<hbm>> -> memref<8x1024xf32, #tpu.memory_space<hbm>>
    %dma_wait3A_1090 = arith.constant 0 : i32
    %dma_wait3A_1091 = tpu.memref_slice %arg4[%dma_wait3A_1086, %add3A_956, %dma_wait3A_1090] : memref<4x2048x1024xf32, #tpu.memory_space<hbm>> -> memref<1x8x1024xf32, #tpu.memory_space<hbm>>
    %dma_wait3A_1092 = tpu.memref_squeeze %dma_wait3A_1091 : memref<1x8x1024xf32, #tpu.memory_space<hbm>> -> memref<8x1024xf32, #tpu.memory_space<hbm>>
    tpu.wait_dma2 semaphore(%arg33 : memref<!tpu.dma_semaphore, #tpu.memory_space<semaphore_mem>>) src(%arg7 : memref<8x1024xf32, #tpu.memory_space<vmem>>) dst(%dma_wait3A_1092 : memref<8x1024xf32, #tpu.memory_space<hbm>>)
    %dma_wait3A_1093 = arith.constant 3 : i32
    %dma_wait3A_1094 = arith.constant 0 : i32
    %dma_wait3A_1095 = tpu.memref_slice %arg4[%dma_wait3A_1093, %add3A_965, %dma_wait3A_1094] : memref<4x2048x1024xf32, #tpu.memory_space<hbm>> -> memref<1x8x1024xf32, #tpu.memory_space<hbm>>
    %dma_wait3A_1096 = tpu.memref_squeeze %dma_wait3A_1095 : memref<1x8x1024xf32, #tpu.memory_space<hbm>> -> memref<8x1024xf32, #tpu.memory_space<hbm>>
    %dma_wait3A_1097 = arith.constant 0 : i32
    %dma_wait3A_1098 = tpu.memref_slice %arg4[%dma_wait3A_1093, %add3A_965, %dma_wait3A_1097] : memref<4x2048x1024xf32, #tpu.memory_space<hbm>> -> memref<1x8x1024xf32, #tpu.memory_space<hbm>>
    %dma_wait3A_1099 = tpu.memref_squeeze %dma_wait3A_1098 : memref<1x8x1024xf32, #tpu.memory_space<hbm>> -> memref<8x1024xf32, #tpu.memory_space<hbm>>
    tpu.wait_dma2 semaphore(%arg34 : memref<!tpu.dma_semaphore, #tpu.memory_space<semaphore_mem>>) src(%arg8 : memref<8x1024xf32, #tpu.memory_space<vmem>>) dst(%dma_wait3A_1099 : memref<8x1024xf32, #tpu.memory_space<hbm>>)
    %dma_wait3A_1100 = arith.constant 0 : i32
    %dma_wait3A_1101 = arith.constant 0 : i32
    %dma_wait3A_1102 = tpu.memref_slice %arg4[%dma_wait3A_1100, %add3A_1009, %dma_wait3A_1101] : memref<4x2048x1024xf32, #tpu.memory_space<hbm>> -> memref<1x8x1024xf32, #tpu.memory_space<hbm>>
    %dma_wait3A_1103 = tpu.memref_squeeze %dma_wait3A_1102 : memref<1x8x1024xf32, #tpu.memory_space<hbm>> -> memref<8x1024xf32, #tpu.memory_space<hbm>>
    %dma_wait3A_1104 = arith.constant 0 : i32
    %dma_wait3A_1105 = tpu.memref_slice %arg4[%dma_wait3A_1100, %add3A_1009, %dma_wait3A_1104] : memref<4x2048x1024xf32, #tpu.memory_space<hbm>> -> memref<1x8x1024xf32, #tpu.memory_space<hbm>>
    %dma_wait3A_1106 = tpu.memref_squeeze %dma_wait3A_1105 : memref<1x8x1024xf32, #tpu.memory_space<hbm>> -> memref<8x1024xf32, #tpu.memory_space<hbm>>
    tpu.wait_dma2 semaphore(%arg35 : memref<!tpu.dma_semaphore, #tpu.memory_space<semaphore_mem>>) src(%arg9 : memref<8x1024xf32, #tpu.memory_space<vmem>>) dst(%dma_wait3A_1106 : memref<8x1024xf32, #tpu.memory_space<hbm>>)
    %dma_wait3A_1107 = arith.constant 1 : i32
    %dma_wait3A_1108 = arith.constant 0 : i32
    %dma_wait3A_1109 = tpu.memref_slice %arg4[%dma_wait3A_1107, %add3A_1018, %dma_wait3A_1108] : memref<4x2048x1024xf32, #tpu.memory_space<hbm>> -> memref<1x8x1024xf32, #tpu.memory_space<hbm>>
    %dma_wait3A_1110 = tpu.memref_squeeze %dma_wait3A_1109 : memref<1x8x1024xf32, #tpu.memory_space<hbm>> -> memref<8x1024xf32, #tpu.memory_space<hbm>>
    %dma_wait3A_1111 = arith.constant 0 : i32
    %dma_wait3A_1112 = tpu.memref_slice %arg4[%dma_wait3A_1107, %add3A_1018, %dma_wait3A_1111] : memref<4x2048x1024xf32, #tpu.memory_space<hbm>> -> memref<1x8x1024xf32, #tpu.memory_space<hbm>>
    %dma_wait3A_1113 = tpu.memref_squeeze %dma_wait3A_1112 : memref<1x8x1024xf32, #tpu.memory_space<hbm>> -> memref<8x1024xf32, #tpu.memory_space<hbm>>
    tpu.wait_dma2 semaphore(%arg36 : memref<!tpu.dma_semaphore, #tpu.memory_space<semaphore_mem>>) src(%arg10 : memref<8x1024xf32, #tpu.memory_space<vmem>>) dst(%dma_wait3A_1113 : memref<8x1024xf32, #tpu.memory_space<hbm>>)
    %dma_wait3A_1114 = arith.constant 2 : i32
    %dma_wait3A_1115 = arith.constant 0 : i32
    %dma_wait3A_1116 = tpu.memref_slice %arg4[%dma_wait3A_1114, %add3A_1027, %dma_wait3A_1115] : memref<4x2048x1024xf32, #tpu.memory_space<hbm>> -> memref<1x8x1024xf32, #tpu.memory_space<hbm>>
    %dma_wait3A_1117 = tpu.memref_squeeze %dma_wait3A_1116 : memref<1x8x1024xf32, #tpu.memory_space<hbm>> -> memref<8x1024xf32, #tpu.memory_space<hbm>>
    %dma_wait3A_1118 = arith.constant 0 : i32
    %dma_wait3A_1119 = tpu.memref_slice %arg4[%dma_wait3A_1114, %add3A_1027, %dma_wait3A_1118] : memref<4x2048x1024xf32, #tpu.memory_space<hbm>> -> memref<1x8x1024xf32, #tpu.memory_space<hbm>>
    %dma_wait3A_1120 = tpu.memref_squeeze %dma_wait3A_1119 : memref<1x8x1024xf32, #tpu.memory_space<hbm>> -> memref<8x1024xf32, #tpu.memory_space<hbm>>
    tpu.wait_dma2 semaphore(%arg37 : memref<!tpu.dma_semaphore, #tpu.memory_space<semaphore_mem>>) src(%arg11 : memref<8x1024xf32, #tpu.memory_space<vmem>>) dst(%dma_wait3A_1120 : memref<8x1024xf32, #tpu.memory_space<hbm>>)
    %dma_wait3A_1121 = arith.constant 3 : i32
    %dma_wait3A_1122 = arith.constant 0 : i32
    %dma_wait3A_1123 = tpu.memref_slice %arg4[%dma_wait3A_1121, %add3A_1036, %dma_wait3A_1122] : memref<4x2048x1024xf32, #tpu.memory_space<hbm>> -> memref<1x8x1024xf32, #tpu.memory_space<hbm>>
    %dma_wait3A_1124 = tpu.memref_squeeze %dma_wait3A_1123 : memref<1x8x1024xf32, #tpu.memory_space<hbm>> -> memref<8x1024xf32, #tpu.memory_space<hbm>>
    %dma_wait3A_1125 = arith.constant 0 : i32
    %dma_wait3A_1126 = tpu.memref_slice %arg4[%dma_wait3A_1121, %add3A_1036, %dma_wait3A_1125] : memref<4x2048x1024xf32, #tpu.memory_space<hbm>> -> memref<1x8x1024xf32, #tpu.memory_space<hbm>>
    %dma_wait3A_1127 = tpu.memref_squeeze %dma_wait3A_1126 : memref<1x8x1024xf32, #tpu.memory_space<hbm>> -> memref<8x1024xf32, #tpu.memory_space<hbm>>
    tpu.wait_dma2 semaphore(%arg38 : memref<!tpu.dma_semaphore, #tpu.memory_space<semaphore_mem>>) src(%arg12 : memref<8x1024xf32, #tpu.memory_space<vmem>>) dst(%dma_wait3A_1127 : memref<8x1024xf32, #tpu.memory_space<hbm>>)
    return
  }
}

</mosaic_0001>

<sc_bundles>
// kernel: kernel.3.cloned.1.call-start
scs
__scs_entry_jumppad:
0x0: {  	(pc) =	sbr.rel $0x88, $3  }
0x1: {  	(tag) =	ssettag $0x0;
	lr =	simm.s32 $0x1  }
0x2: {  	[smem:$0x3F9F] =	sst lr;
	_ =	strace $0xD0000000  }
0x3: {  	_ = 	snop  }
0x4: {  	_ = 	snop  }
0x5: {  	_ = 	snop  }
0x6: {  	_ = 	snop  }
0x7: {  	_ = 	snop  }
__scs_overlays_trampoline_lowered:
0x8: {  	[smem:$0x3FAE] =	sst s0  }
0x9: {  	[smem:$0x3FAF] =	sst s1  }
0xa: {  	[smem:$0x3FB0] =	sst s2  }
0xb: {  	[smem:$0x3FB1] =	sst s3  }
0xc: {  	[smem:$0x3FB2] =	sst s4  }
0xd: {  	[smem:$0x3FB3] =	sst s5  }
0xe: {  	[smem:$0x3FB4] =	sst s6  }
0xf: {  	[smem:$0x3FB5] =	sst s7  }
0x10: {  	[smem:$0x3FB6] =	sst s8  }
0x11: {  	[smem:$0x3FB7] =	sst s9;
	s0 =	simm.s32 @!p0 $0x0  }
0x12: {  	s1 =	sld [smem:$0x3F9D];
	s0 =	simm.s32 @p0 $0x1  }
0x13: {  	[smem:$0x3FB8] =	sst s0;
	s0 =	simm.s32 @!p1 $0x0  }
0x14: {  	s2 =	sld [smem:$0x3F9C];
	s0 =	simm.s32 @p1 $0x1  }
0x15: {  	[smem:$0x3FB9] =	sst s0;
	s0 =	simm.s32 @!p2 $0x0  }
0x16: {  	s3 =	sld [smem:$0x3FDB];
	s0 =	simm.s32 @p2 $0x1  }
0x17: {  	s4 =	simm.s32 $0x1BF5;
	[smem:$0x3FBB] =	sst s0  }
0x18: {  	s0 =	sld [smem:$0x3F9E];
	_ =	swait.ge [sflag:s4], $0x0  }
0x19: {  	s7 =	sld [smem:$0x3F9F]  }
0x1a: {  	s8 =	sadd.s32 $0xFFFFE003, lr  }
0x1b: {  	s9 =	sadd.s32 $0xFFFFFEF7, lr;
	s5 =	simm.s32 $0xFFFFFFFF;
	p2 =	slt.u32 s8, $0xFFFFF086  }
0x1c: {  	p1 =	slt.u32 s9, $0xF7A;
	s5 =	simm.s32 @!p2 $0x0  }
0x1d: {  	s5 =	simm.s32 @p1 $0x1;
	p0 =	seq.s32 s7, s2  }
0x1e: {  	s7 =	smul.u32 @!p0 $0xF7A, s2;
	p2 =	seq.s32 @!p0 s5, $0x0  }
0x1f: {  	s9 =	smul.u32 $0xF7A, s1;
	s8 =	simm.s32 @!p0 $0x1BF5;
	p2 =	por !p2, p0  }
0x20: {  	[sflag:s8] =	ssyncset.s32 @!p0 $0xFFFFF086;
	s6 =	sadd.s32 @!p0 s3, s7;
	s7 =	simm.s32 @!p0 $0x108  }
0x21: {  	s3 =	sadd.s32 s3, s9;
	s6 =	sadd.s32 @!p0 $0x88, s6;
	s7 =	simm.s32 @p2 $0x1082  }
0x22: {  	[simem:s7], [sflag:s8] =	dma.local @!p0 [hbm:s6], $0xF7A  }
0x23: {  	s9 =	sor.u32 $0xD0000000, s2;
	s6 =	simm.s32 $0x108;
	_ =	swait.ge @!p0 [sflag:s8], $0x0  }
0x24: {  	s3 =	sadd.s32 $0x88, s3;
	s6 =	simm.s32 @!p1 $0x1082;
	[sflag:s4] =	ssyncset.s32 $0xFFFFF086  }
0x25: {  	[simem:s6], [sflag:s4] =	dma.local [hbm:s3], $0xF7A  }
0x26: {  	[smem:$0x3F9F] =	sst s1;
	(tag) =	ssettag s2;
	_ =	strace s9  }
0x27: {  	s1 =	sld [smem:$0x3FAF]  }
0x28: {  	s2 =	sld [smem:$0x3FB0]  }
0x29: {  	s4 =	sld [smem:$0x3FB2]  }
0x2a: {  	p0 =	seq.s32 s5, $0x0;
	s5 =	sld [smem:$0x3FB3]  }
0x2b: {  	s6 =	sld [smem:$0x3FB4]  }
0x2c: {  	s7 =	sld [smem:$0x3FB5]  }
0x2d: {  	s3 =	simm.s32 $0x108;
	s8 =	sld [smem:$0x3FB6]  }
0x2e: {  	s3 =	simm.s32 @!p0 $0x1082;
	s9 =	sld [smem:$0x3FB7]  }
0x2f: {  	lr =	sadd.s32 s0, s3;
	s0 =	sld [smem:$0x3FAE]  }
0x30: {  	s3 =	sld [smem:$0x3FB1]  }
0x31: {  	[smem:$0x3FBA] =	sst s10  }
0x32: {  	s10 =	sld [smem:$0x3FB8];
	_ =	sdelay $0x3  }
0x33: {  	p0 =	seq.s32 s10, $0x1;
	s10 =	sld [smem:$0x3FBA];
	_ =	sdelay $0x3  }
0x34: {  	[smem:$0x3FBA] =	sst s10  }
0x35: {  	s10 =	sld [smem:$0x3FB9];
	_ =	sdelay $0x3  }
0x36: {  	p1 =	seq.s32 s10, $0x1;
	s10 =	sld [smem:$0x3FBA];
	_ =	sdelay $0x3  }
0x37: {  	[smem:$0x3FBA] =	sst s10  }
0x38: {  	s10 =	sld [smem:$0x3FBB]  }
0x39: {  	_ = 	snop;
	(pc) =	sbr.ind lr, $3  }
0x3a: {  	_ = 	snop  }
0x3b: {  	_ = 	snop  }
0x3c: {  	p2 =	seq.s32 s10, $0x1;
	s10 =	sld [smem:$0x3FBA]  }
0x3d: {  	_ =	shalt  }
0x3e: {  	_ =	shalt  }
0x3f: {  	_ =	shalt  }
0x40: {  	_ =	shalt  }
0x41: {  	_ =	shalt  }
0x42: {  	_ =	shalt  }
0x43: {  	_ =	shalt  }
0x44: {  	_ =	shalt  }
0x45: {  	_ =	shalt  }
0x46: {  	_ =	shalt  }
0x47: {  	_ =	shalt  }
0x48: {  	_ =	shalt  }
0x49: {  	_ =	shalt  }
0x4a: {  	_ =	shalt  }
0x4b: {  	_ =	shalt  }
0x4c: {  	_ =	shalt  }
0x4d: {  	_ =	shalt  }
0x4e: {  	_ =	shalt  }
0x4f: {  	_ =	shalt  }
0x50: {  	_ =	shalt  }
0x51: {  	_ =	shalt  }
0x52: {  	_ =	shalt  }
0x53: {  	_ =	shalt  }
0x54: {  	_ =	shalt  }
0x55: {  	_ =	shalt  }
0x56: {  	_ =	shalt  }
0x57: {  	_ =	shalt  }
0x58: {  	_ =	shalt  }
0x59: {  	_ =	shalt  }
0x5a: {  	_ =	shalt  }
0x5b: {  	_ =	shalt  }
0x5c: {  	_ =	shalt  }
0x5d: {  	_ =	shalt  }
0x5e: {  	_ =	shalt  }
0x5f: {  	_ =	shalt  }
0x60: {  	_ =	shalt  }
0x61: {  	_ =	shalt  }
0x62: {  	_ =	shalt  }
0x63: {  	_ =	shalt  }
0x64: {  	_ =	shalt  }
0x65: {  	_ =	shalt  }
0x66: {  	_ =	shalt  }
0x67: {  	_ =	shalt  }
0x68: {  	_ =	shalt  }
0x69: {  	_ =	shalt  }
0x6a: {  	_ =	shalt  }
0x6b: {  	_ =	shalt  }
0x6c: {  	_ =	shalt  }
0x6d: {  	_ =	shalt  }
0x6e: {  	_ =	shalt  }
0x6f: {  	_ =	shalt  }
0x70: {  	_ =	shalt  }
0x71: {  	_ =	shalt  }
0x72: {  	_ =	shalt  }
0x73: {  	_ =	shalt  }
0x74: {  	_ =	shalt  }
0x75: {  	_ =	shalt  }
0x76: {  	_ =	shalt  }
0x77: {  	_ =	shalt  }
0x78: {  	_ =	shalt  }
0x79: {  	_ =	shalt  }
0x7a: {  	_ =	shalt  }
0x7b: {  	_ =	shalt  }
0x7c: {  	_ =	shalt  }
0x7d: {  	_ =	shalt  }
0x7e: {  	_ =	shalt  }
0x7f: {  	_ =	shalt  }
0x80: {  	_ =	shalt  }
0x81: {  	_ =	shalt  }
0x82: {  	_ =	shalt  }
0x83: {  	_ =	shalt  }
0x84: {  	_ =	shalt  }
0x85: {  	_ =	shalt  }
0x86: {  	_ =	shalt  }
0x87: {  	_ =	shalt  }
.Lfunc_end0:
.L_simem_size_0:
called_computation_lowered:
.L_overlay_start_0:
0x88: {  	s2 =	sld [smem:$0x3FD9]  }
0x89: {  	s3 =	sld [smem:$0x3FFE];
	_ =	sdelay $0x1  }
0x8a: {  	s1 =	srdreg.scid  }
0x8b: {  	s0 =	sand.u32 $0x1, s1  }
0x8c: {  	s18 =	sshll.u32 s0, $0xA;
	s2 =	sadd.s32 s3, s2  }
0x8d: {  	s2 =	sadd.s32 s2, s18  }
0x8e: {  	[smem:$0x3FC6] =	sst s2  }
0x8f: {  	_ = 	snop  }
0x90: {  	s2 =	sld [smem:$0x3FC9]  }
0x91: {  	s19 =	sld [smem:$0x3FC8]  }
0x92: {  	s4 =	sld [smem:$0x3FD0];
	(tm) =	ssettm $0x1  }
0x93: {  	s5 =	sld [smem:$0x3FFB];
	_ =	sdelay $0x3  }
0x94: {  	_ =	strace s5  }
0x95: {  	s5 =	sld [smem:$0x3FFC];
	_ =	sdelay $0x3  }
0x96: {  	_ =	strace s5  }
0x97: {  	s5 =	sld [smem:$0x3FFD];
	_ =	sdelay $0x3  }
0x98: {  	_ =	strace s5  }
0x99: {  	_ =	strace $0x8FFFFFFF  }
0x9a: {  	s20 =	sld [smem:$0x3FDB];
	_ =	sdelay $0x1  }
0x9b: {  	s6 =	simm.s32 $_scs_section_size  }
0x9c: {  	s7 =	simm.s32 $_size__tile_overlayer_lowered;
	s8 =	simm.s32 $_tile_overlayer_lowered  }
0x9d: {  	s23 =	simm.s32 $0x1BFF;
	s22 =	sshll.u32 s8, $0x1;
	s5 =	sadd.s32 s6, s20  }
0x9e: {  	s9 =	simm.s32 $0x0;
	s21 =	sshll.u32 s7, $0x1;
	s7 =	sadd.s32 s22, s5  }
0x9f: {  	[timem:s9], [sflag:s23] =	dma.local [hbm:s7], s21  }
0xa0: {  	_ =	swait.ge [sflag:s23], s21  }
0xa1: {  	s6 =	ssub.s32 $0x0, s21;
	[sflag:s23] =	ssyncset.done $0x0  }
0xa2: {  	[sflag:s23] =	ssyncadd.s32 s6;
	_ =	sdelay $0x1  }
0xa3: {  	s24 =	simm.s32 $0x1B8B  }
0xa4: {  	_ =	swait.ge [sflag:s24], $0x1  }
0xa5: {  	[sflag:s24] =	ssyncset.done $0x0  }
0xa6: {  	s25 =	simm.s32 $0x1B8E;
	[sflag:s24] =	ssyncadd.s32 $0xFFFFFFFF  }
0xa7: {  	s26 =	simm.s32 $execute0_lowered;
	[smem:$0x3FD2] =	sst s25  }
0xa8: {  	s6 =	sshll.u32 s26, $0x1;
	_ =	strace $0x80000046;
	[dreg:$0x1] =	wrdreg $0xFFFFFFFF  }
0xa9: {  	s28 =	simm.s32 $_size_execute0_lowered;
	s5 =	sadd.s32 s5, s6;
	[dreg:$0x0] =	wrdreg $0x0  }
0xaa: {  	s6 =	sshll.u32 s28, $0x1;
	[dreg:$0x2] =	wrdreg s5  }
0xab: {  	[dreg:$0x3] =	wrdreg s6  }
0xac: {  	[dreg:$0x4] =	wrdreg $0xC0  }
0xad: {  	_ =	task [dreg:s9], $0x5FFFF  }
0xae: {  	[dreg:$0x1] =	wrdreg $0xFFFFFFFF  }
0xaf: {  	[dreg:$0x0] =	wrdreg $0x60  }
0xb0: {  	[dreg:$0x2] =	wrdreg s2  }
0xb1: {  	[dreg:$0x3] =	wrdreg s19  }
0xb2: {  	[dreg:$0x4] =	wrdreg s4  }
0xb3: {  	[dreg:$0x5] =	wrdreg $0x9  }
0xb4: {  	_ =	task.clear_ibuf [dreg:s9], $0x6FFFF;
	_ =	strace $0x90000046  }
0xb5: {  	s29 =	simm.s32 $0x9;
	_ =	strace $0x80000048  }
0xb6: {  	_ =	swait.ge [sflag:s29], $0x1  }
0xb7: {  	[sflag:s29] =	ssyncadd.s32 $0xFFFFFFFF  }
0xb8: {  	_ =	strace $0x90000048  }
0xb9: {  	_ =	sfence  }
0xba: {  	s30 =	sld [smem:$0x0];
	_ =	sdelay $0x2  }
0xbb: {  	s31 =	sshll.u32 s1, $0xD;
	s1 =	sshrl.u32 s1, $0x2  }
0xbc: {  	s3 =	sand.u32 $0x4000, s31;
	s1 =	sadd.s32 s1, s30  }
0xbd: {  	s0 =	sor.u32 s3, s0;
	s1 =	sshll.u32 s1, $0x11  }
0xbe: {  	s0 =	sor.u32 s1, s0  }
0xbf: {  	s0 =	sadd.s32 $0x8F2B, s0  }
0xc0: {  	[sflag:s0] =	ssyncadd.remote.s32 $0x1  }
0xc1: {  	_ =	sfence.sel $0xFFFF  }
0xc2: {  	[dreg:$0x0] =	wrdreg $0xFFFFFFFF;
	(pc) =	sbr.abs _section_cstart, $3  }
0xc3: {  	[dreg:$0x1] =	wrdreg $0xFFFFFFFF  }
0xc4: {  	_ =	task.clear_ibuf [dreg:s9], $0x2FFFF;
	_ =	strace $0x9FFFFFFF  }
0xc5: {  	(tm) =	ssettm $0x7FFFFFFF  }
tec
execute0_lowered:
.L_overlay_start_1:
0x0: {  	(tag) =	ssettag $0x1  }
0x1: {  	s0 =	srdreg.scid  }
0x2: {  	s2 =	rddreg [dreg:$0x0];
	s3 =	stileid.u32;
	s1 =	sand.u32 $0x1, s0  }
0x3: {  	s4 =	rddreg [dreg:$0x1];
	s3 =	sshll.u32 s3, $0xE;
	s5 =	sshll.u32 s1, $0xD  }
0x4: {  	s0 =	rddreg [dreg:$0x2];
	s5 =	sor.u32 s5, s3  }
0x5: {  	s6 =	ssub.s32 $0x2, s1;
	s1 =	simm.s32 $0x0;
	s7 =	sor.u32 $0x400, s5  }
0x6: {  	[smem:$0x7FF] =	sst s1;
	s24 =	sor.u32 $0x40000, s5;
	s23 =	sadd.s32 s4, s7  }
0x7: {  	s8 =	sor.u32 $0x80000, s5;
	s10 =	sadd.s32 s2, s24;
	[dreg:$0x4] =	wrdreg s23  }
0x8: {  	s9 =	sor.u32 $0xC0000, s5;
	s25 =	sadd.s32 s2, s8;
	[dreg:$0x5] =	wrdreg s10  }
0x9: {  	s26 =	sadd.s32 s2, s9;
	[dreg:$0x6] =	wrdreg s25  }
0xa: {  	s29 =	sor.u32 $0x40400, s5;
	s28 =	sadd.s32 s2, s7;
	[dreg:$0x7] =	wrdreg s26  }
0xb: {  	s11 =	sor.u32 $0x80400, s5;
	s12 =	sadd.s32 s2, s29;
	[dreg:$0x8] =	wrdreg s28  }
0xc: {  	s22 =	sshrl.u32 s6, $0x1;
	s13 =	sadd.s32 s2, s11;
	[dreg:$0x9] =	wrdreg s12  }
0xd: {  	s3 =	ssub.s32 s6, s22;
	s6 =	sadd.s32 s0, s24;
	[dreg:$0xa] =	wrdreg s13  }
0xe: {  	s8 =	sadd.s32 s0, s8;
	[dreg:$0xc] =	wrdreg s6  }
0xf: {  	s15 =	sor.u32 $0x800, s5;
	s16 =	sadd.s32 s0, s9;
	[dreg:$0xd] =	wrdreg s8  }
0x10: {  	s17 =	sadd.s32 s2, s15;
	[dreg:$0xe] =	wrdreg s16  }
0x11: {  	s19 =	sadd.s32 s4, s15;
	[dreg:$0xf] =	wrdreg s17  }
0x12: {  	s7 =	sadd.s32 s0, s7;
	[dreg:$0x10] =	wrdreg s19  }
0x13: {  	s20 =	sadd.s32 s0, s29;
	[dreg:$0x11] =	wrdreg s7  }
0x14: {  	s14 =	sor.u32 $0xC0400, s5;
	s21 =	sadd.s32 s0, s11;
	[dreg:$0x12] =	wrdreg s20  }
0x15: {  	s22 =	sadd.s32 s0, s14;
	[dreg:$0x13] =	wrdreg s21  }
0x16: {  	s13 =	sadd.s32 s2, s14;
	[dreg:$0x14] =	wrdreg s22  }
0x17: {  	s18 =	sor.u32 $0x40800, s5;
	s6 =	sadd.s32 s0, s15;
	[dreg:$0xb] =	wrdreg s13  }
0x18: {  	s23 =	sadd.s32 s2, s18;
	[dreg:$0x15] =	wrdreg s6  }
0x19: {  	s24 =	sor.u32 $0x80800, s5;
	s25 =	sadd.s32 s0, s18;
	[dreg:$0x16] =	wrdreg s23  }
0x1a: {  	s26 =	sadd.s32 s2, s24;
	[dreg:$0x17] =	wrdreg s25  }
0x1b: {  	s28 =	sor.u32 $0xC0800, s5;
	[dreg:$0x18] =	wrdreg s26;
	s6 =	sadd.s32 s0, s24  }
0x1c: {  	s29 =	sadd.s32 s2, s28;
	[dreg:$0x19] =	wrdreg s6  }
0x1d: {  	s8 =	sor.u32 $0xC00, s5;
	s7 =	sadd.s32 s0, s28;
	[dreg:$0x1a] =	wrdreg s29  }
0x1e: {  	s9 =	sadd.s32 s2, s8;
	[dreg:$0x1b] =	wrdreg s7  }
0x1f: {  	s11 =	sor.u32 $0x40C00, s5;
	s10 =	sadd.s32 s4, s8;
	[dreg:$0x1c] =	wrdreg s9  }
0x20: {  	s12 =	sor.u32 $0x80C00, s5;
	s13 =	sadd.s32 s2, s11;
	[dreg:$0x1d] =	wrdreg s10  }
0x21: {  	s14 =	sadd.s32 s2, s12;
	[dreg:$0x1f] =	wrdreg s13  }
0x22: {  	s16 =	sor.u32 $0xC0C00, s5;
	s15 =	sadd.s32 s0, s12;
	[smem:$0x7D2] =	sst s14  }
0x23: {  	s17 =	sor.u32 $0x1000, s5;
	s18 =	sadd.s32 s2, s16;
	[smem:$0x7D3] =	sst s15  }
0x24: {  	s19 =	sadd.s32 s2, s17;
	[smem:$0x7D4] =	sst s18  }
0x25: {  	s20 =	sadd.s32 s4, s17;
	[smem:$0x7D6] =	sst s19  }
0x26: {  	s22 =	sor.u32 $0x41000, s5;
	s21 =	sadd.s32 s0, s17;
	[smem:$0x7D7] =	sst s20  }
0x27: {  	s23 =	sadd.s32 s2, s22;
	[smem:$0x7D8] =	sst s21  }
0x28: {  	s24 =	sor.u32 $0x81000, s5;
	s6 =	sadd.s32 s0, s8;
	[smem:$0x7D9] =	sst s23  }
0x29: {  	s26 =	sor.u32 $0xC1000, s5;
	s25 =	sadd.s32 s2, s24;
	[dreg:$0x1e] =	wrdreg s6  }
0x2a: {  	s28 =	sadd.s32 s2, s26;
	[smem:$0x7DB] =	sst s25  }
0x2b: {  	s18 =	sadd.s32 s4, s5;
	[smem:$0x7DD] =	sst s28  }
0x2c: {  	s19 =	sadd.s32 s2, s5;
	[smem:$0x7E8] =	sst s18  }
0x2d: {  	s20 =	sadd.s32 s0, s5;
	[smem:$0x7E9] =	sst s19  }
0x2e: {  	s29 =	sor.u32 $0x1400, s5;
	s6 =	sadd.s32 s0, s11;
	[smem:$0x7EA] =	sst s20  }
0x2f: {  	s9 =	sadd.s32 s2, s29;
	[smem:$0x7D1] =	sst s6  }
0x30: {  	s10 =	sor.u32 $0x41400, s5;
	s11 =	sadd.s32 s4, s29;
	[smem:$0x7DF] =	sst s9  }
0x31: {  	s12 =	sadd.s32 s2, s10;
	[smem:$0x7E0] =	sst s11  }
0x32: {  	s13 =	sor.u32 $0x81400, s5;
	s7 =	sadd.s32 s0, s10;
	[smem:$0x7E2] =	sst s12  }
0x33: {  	s15 =	sor.u32 $0xC1400, s5;
	s14 =	sadd.s32 s2, s13;
	[smem:$0x7E3] =	sst s7  }
0x34: {  	s21 =	sor.u32 $0x1800, s5;
	s17 =	sadd.s32 s0, s15;
	[smem:$0x7E4] =	sst s14  }
0x35: {  	s28 =	sadd.s32 s2, s21;
	[smem:$0x7E7] =	sst s17  }
0x36: {  	s19 =	sadd.s32 s4, s21;
	[smem:$0x7EB] =	sst s28  }
0x37: {  	s21 =	sadd.s32 s0, s21;
	[smem:$0x7F3] =	sst s19  }
0x38: {  	s6 =	sadd.s32 s0, s16;
	[smem:$0x7F5] =	sst s21  }
0x39: {  	s23 =	sor.u32 $0x81800, s5;
	s16 =	sadd.s32 s2, s15;
	[smem:$0x7D5] =	sst s6  }
0x3a: {  	s25 =	sor.u32 $0x1C00, s5;
	s14 =	sadd.s32 s2, s23;
	[smem:$0x7E6] =	sst s16  }
0x3b: {  	s30 =	simm.s32 $0x12;
	s20 =	sadd.s32 s4, s25;
	[smem:$0x7ED] =	sst s14  }
0x3c: {  	s31 =	simm.s32 $0x13;
	s23 =	sadd.s32 s0, s23;
	[smem:$0x7F4] =	sst s20  }
0x3d: {  	s8 =	simm.s32 $0xD;
	s6 =	sadd.s32 s0, s22;
	[smem:$0x7F7] =	sst s23  }
0x3e: {  	s12 =	sor.u32 $0x81C00, s5;
	s16 =	sadd.s32 s2, s25;
	[smem:$0x7DA] =	sst s6  }
0x3f: {  	s10 =	simm.s32 $0xF;
	s18 =	sadd.s32 s2, s12;
	[smem:$0x7EF] =	sst s16  }
0x40: {  	s7 =	simm.s32 $0x8;
	s25 =	sadd.s32 s0, s25;
	[smem:$0x7F1] =	sst s18  }
0x41: {  	s9 =	simm.s32 $0xE;
	s28 =	sadd.s32 s0, s12;
	[smem:$0x7F9] =	sst s25  }
0x42: {  	s11 =	simm.s32 $0x10;
	s6 =	sadd.s32 s0, s24;
	[smem:$0x7FB] =	sst s28  }
0x43: {  	s24 =	sor.u32 $0xC1800, s5;
	[smem:$0x7DC] =	sst s6;
	s6 =	sadd.s32 s0, s26  }
0x44: {  	s22 =	sor.u32 $0x41800, s5;
	s15 =	sadd.s32 s2, s24;
	[smem:$0x7DE] =	sst s6  }
0x45: {  	s12 =	simm.s32 $0xC000;
	s24 =	sadd.s32 s0, s24;
	[smem:$0x7EE] =	sst s15  }
0x46: {  	s20 =	simm.s32 $0x0;
	s6 =	sadd.s32 s0, s29;
	[smem:$0x7F8] =	sst s24  }
0x47: {  	s26 =	sor.u32 $0x41C00, s5;
	s29 =	sadd.s32 s2, s22;
	[smem:$0x7E1] =	sst s6  }
0x48: {  	s5 =	sor.u32 $0xC1C00, s5;
	s17 =	sadd.s32 s2, s26;
	[smem:$0x7EC] =	sst s29  }
0x49: {  	s16 =	simm.s32 $0x11;
	s2 =	sadd.s32 s2, s5;
	[smem:$0x7F0] =	sst s17  }
0x4a: {  	s22 =	sadd.s32 s0, s22;
	s26 =	sadd.s32 s0, s26;
	[smem:$0x7F2] =	sst s2  }
0x4b: {  	s24 =	simm.s32 $0x19;
	s6 =	sadd.s32 s0, s13;
	[smem:$0x7F6] =	sst s22  }
0x4c: {  	[smem:$0x7FA] =	sst s26;
	s0 =	sadd.s32 s0, s5;
	s29 =	smax.u32 s3, $0x1  }
0x4d: {  	s5 =	simm.s32 $0x8000;
	s13 =	simm.s32 $0xE000;
	[smem:$0x7E5] =	sst s6  }
0x4e: {  	s3 =	simm.s32 $0x1A;
	[smem:$0x7FC] =	sst s0;
	s6 =	simm.s32 $0xA000  }
0x4f: {  	s0 =	simm.s32 $0x14;
	_ =	strace $0x80000047;
	[smem:$0x7FD] =	sst s29  }
.LBB2_1:
0x50: {  	s2 =	sld [smem:$0x7E8];
	_ =	sdelay $0x1  }
0x51: {  	s4 =	simm.s32 $0x18000;
	s28 =	rddreg [dreg:$0x4]  }
0x52: {  	[tilespmem:s4], [sflag:$0x19] =	stream.linear.gather [hbm4b:s2+s1], $0x2000, $0x38;
	[tilespmem:$0x1C000] =	vst v63  }
0x53: {  	s29 =	simm.s32 $0x1A000;
	s14 =	sld [smem:$0x7E9]  }
0x54: {  	[tilespmem:s29], [sflag:$0x1A] =	stream.linear.gather [hbm4b:s28+s1], $0x2000, $0x38;
	[tilespmem:$0x1C000] =	vst v63  }
0x55: {  	_ = 	snop  }
0x56: {  	[tilespmem:s1], [sflag:$0x1] =	stream.linear.gather [hbm4b:s14+s1], $0x2000, $0x38;
	[tilespmem:$0x1C000] =	vst v63  }
0x57: {  	s15 =	rddreg [dreg:$0x5];
	s17 =	simm.s32 $0x2000  }
0x58: {  	[tilespmem:s17], [sflag:$0x2] =	stream.linear.gather [hbm4b:s15+s1], $0x2000, $0x38;
	[tilespmem:$0x1C000] =	vst v63  }
0x59: {  	s18 =	rddreg [dreg:$0x6];
	s19 =	simm.s32 $0x4000  }
0x5a: {  	[tilespmem:s19], [sflag:$0x3] =	stream.linear.gather [hbm4b:s18+s1], $0x2000, $0x38;
	[tilespmem:$0x1C000] =	vst v63  }
0x5b: {  	s21 =	rddreg [dreg:$0x7];
	s22 =	simm.s32 $0x6000  }
0x5c: {  	[tilespmem:s22], [sflag:$0x4] =	stream.linear.gather [hbm4b:s21+s1], $0x2000, $0x38;
	[tilespmem:$0x1C000] =	vst v63  }
0x5d: {  	s23 =	rddreg [dreg:$0x8]  }
0x5e: {  	[tilespmem:s5], [sflag:$0x5] =	stream.linear.gather [hbm4b:s23+s1], $0x2000, $0x38;
	[tilespmem:$0x1C000] =	vst v63  }
0x5f: {  	s25 =	rddreg [dreg:$0x9]  }
0x60: {  	[tilespmem:s6], [sflag:$0x6] =	stream.linear.gather [hbm4b:s25+s1], $0x2000, $0x38;
	[tilespmem:$0x1C000] =	vst v63  }
0x61: {  	s26 =	rddreg [dreg:$0xa]  }
0x62: {  	[tilespmem:s12], [sflag:$0x7] =	stream.linear.gather [hbm4b:s26+s1], $0x2000, $0x38;
	[tilespmem:$0x1C000] =	vst v63  }
0x63: {  	s28 =	rddreg [dreg:$0xb]  }
0x64: {  	[tilespmem:s13], [sflag:$0x8] =	stream.linear.gather [hbm4b:s28+s1], $0x2000, $0x38;
	[tilespmem:$0x1C000] =	vst v63  }
0x65: {  	_ =	swait.ge [sflag:s24], $0x2000  }
0x66: {  	[sflag:s24] =	ssyncset.done $0x0  }
0x67: {  	s29 =	simm.s32 $0x1;
	[sflag:s24] =	ssyncadd.s32 $0xFFFFE000  }
0x68: {  	_ =	swait.ge [sflag:s29], $0x2000  }
0x69: {  	[sflag:s29] =	ssyncset.done $0x0  }
0x6a: {  	s4 =	simm.s32 $0x2;
	[sflag:s29] =	ssyncadd.s32 $0xFFFFE000  }
0x6b: {  	_ =	swait.ge [sflag:s4], $0x2000  }
0x6c: {  	[sflag:s4] =	ssyncset.done $0x0  }
0x6d: {  	s5 =	simm.s32 $0x3;
	[sflag:s4] =	ssyncadd.s32 $0xFFFFE000  }
0x6e: {  	_ =	swait.ge [sflag:s5], $0x2000  }
0x6f: {  	[sflag:s5] =	ssyncset.done $0x0  }
0x70: {  	s15 =	sand.u32 $0x1C00, s1;
	s6 =	simm.s32 $0x4;
	[sflag:s5] =	ssyncadd.s32 $0xFFFFE000  }
0x71: {  	s17 =	sand.u32 $0x380, s1;
	s21 =	simm.s32 $0x0;
	_ =	swait.ge [sflag:s6], $0x2000  }
0x72: {  	s14 =	sand.u32 $0x40, s21;
	s12 =	sor.u32 s17, s15;
	[sflag:s6] =	ssyncset.done $0x0  }
0x73: {  	s12 =	sor.u32 s14, s12;
	[sflag:s6] =	ssyncadd.s32 $0xFFFFE000  }
0x74: {  	v1 =	vld [tilespmem:s12+$0x18030]  }
0x75: {  	v2 =	vld [tilespmem:s12+$0x18000]  }
0x76: {  	v3 =	vld [tilespmem:s12+$0x18010];
	_ =	sdelay $0x1  }
0x77: {  	s18 =	sor.u32 $0x30, s12;
	v0 =	vld [tilespmem:s12+$0x18020]  }
0x78: {  	[tilespmem:s18+$0x0] =	vst.add.f32.msk $0xffff, v1  }
0x79: {  	s28 =	sor.u32 $0x10, s12;
	[tilespmem:s12+$0x0] =	vst.add.f32.msk $0xffff, v2  }
0x7a: {  	s19 =	sor.u32 $0x2030, s12;
	[tilespmem:s28+$0x0] =	vst.add.f32.msk $0xffff, v3  }
0x7b: {  	s25 =	sor.u32 $0x2000, s12;
	[tilespmem:s19+$0x0] =	vst.add.f32.msk $0xffff, v1  }
0x7c: {  	s29 =	sor.u32 $0x2010, s12;
	[tilespmem:s25+$0x0] =	vst.add.f32.msk $0xffff, v2  }
0x7d: {  	s22 =	sor.u32 $0x4030, s12;
	[tilespmem:s29+$0x0] =	vst.add.f32.msk $0xffff, v3  }
0x7e: {  	s14 =	sor.u32 $0x4000, s12;
	[tilespmem:s22+$0x0] =	vst.add.f32.msk $0xffff, v1  }
0x7f: {  	s23 =	sor.u32 $0x6030, s12;
	[tilespmem:s14+$0x0] =	vst.add.f32.msk $0xffff, v2  }
0x80: {  	s26 =	sor.u32 $0x6000, s12;
	[tilespmem:s23+$0x0] =	vst.add.f32.msk $0xffff, v1  }
0x81: {  	s15 =	sor.u32 $0x20, s12;
	s22 =	sor.u32 $0x4010, s12;
	[tilespmem:s26+$0x0] =	vst.add.f32.msk $0xffff, v2  }
0x82: {  	s13 =	sor.u32 $0x2020, s12;
	s14 =	sor.u32 $0x4020, s12;
	s23 =	sor.u32 $0x6010, s12;
	[tilespmem:s22+$0x0] =	vst.add.f32.msk $0xffff, v3  }
0x83: {  	s22 =	sor.u32 $0x6020, s12;
	s12 =	simm.s32 $0x200;
	[tilespmem:s23+$0x0] =	vst.add.f32.msk $0xffff, v3;
	s23 =	simm.s32 $0x8  }
.LBB2_2:
0x84: {  	s21 =	sadd.s32 $0x40, s21;
	s2 =	sand.u32 $0x1C00, s12;
	s17 =	sand.u32 $0x380, s23;
	[tilespmem:s15+$0x0] =	vst.add.f32.msk $0xffff, v0  }
0x85: {  	s15 =	sand.u32 $0x40, s21;
	s2 =	sor.u32 s17, s2;
	[tilespmem:s13+$0x0] =	vst.add.f32.msk $0xffff, v0  }
0x86: {  	s2 =	sor.u32 s15, s2;
	[tilespmem:s14+$0x0] =	vst.add.f32.msk $0xffff, v0  }
0x87: {  	s17 =	sor.u32 $0x2000, s2;
	s18 =	sor.u32 $0x4000, s2;
	s19 =	sor.u32 $0x6000, s2;
	v1 =	vld [tilespmem:s2+$0x18030]  }
0x88: {  	s25 =	sor.u32 $0x10, s2;
	s26 =	sor.u32 $0x2010, s2;
	s28 =	sor.u32 $0x4010, s2;
	v2 =	vld [tilespmem:s2+$0x18000]  }
0x89: {  	s29 =	sor.u32 $0x6010, s2;
	s15 =	sor.u32 $0x20, s2;
	s13 =	sor.u32 $0x2020, s2;
	v3 =	vld [tilespmem:s2+$0x18010]  }
0x8a: {  	p0 =	slt.u32 s21, $0x1FC0;
	s14 =	sor.u32 $0x4020, s2;
	s4 =	sor.u32 $0x6020, s2;
	v4 =	vld [tilespmem:s2+$0x18020]  }
0x8b: {  	s5 =	sor.u32 $0x30, s2;
	[tilespmem:s22+$0x0] =	vst.add.f32.msk $0xffff, v0;
	s22 =	smov.u32 s4  }
0x8c: {  	s4 =	sor.u32 $0x2030, s2;
	[tilespmem:s5+$0x0] =	vst.add.f32.msk $0xffff, v1  }
0x8d: {  	[tilespmem:s4+$0x0] =	vst.add.f32.msk $0xffff, v1;
	s4 =	sor.u32 $0x4030, s2  }
0x8e: {  	[tilespmem:s4+$0x0] =	vst.add.f32.msk $0xffff, v1;
	s4 =	sor.u32 $0x6030, s2  }
0x8f: {  	[tilespmem:s4+$0x0] =	vst.add.f32.msk $0xffff, v1;
	v0 =	vmov v4  }
0x90: {  	[tilespmem:s2+$0x0] =	vst.add.f32.msk $0xffff, v2  }
0x91: {  	[tilespmem:s17+$0x0] =	vst.add.f32.msk $0xffff, v2  }
0x92: {  	[tilespmem:s18+$0x0] =	vst.add.f32.msk $0xffff, v2  }
.Ltmp0:
0x93: {  	[tilespmem:s19+$0x0] =	vst.add.f32.msk $0xffff, v2;
	(pc) =	sbr.rel @p0 .LBB2_2-.Ltmp0, $4  }
0x94: {  	[tilespmem:s25+$0x0] =	vst.add.f32.msk $0xffff, v3  }
0x95: {  	[tilespmem:s26+$0x0] =	vst.add.f32.msk $0xffff, v3  }
0x96: {  	[tilespmem:s28+$0x0] =	vst.add.f32.msk $0xffff, v3  }
0x97: {  	s23 =	sadd.s32 $0x8, s23;
	s12 =	sadd.s32 $0x200, s12;
	[tilespmem:s29+$0x0] =	vst.add.f32.msk $0xffff, v3  }
0x98: {  	[tilespmem:s15+$0x0] =	vst.add.f32.msk $0xffff, v0  }
0x99: {  	[tilespmem:s13+$0x0] =	vst.add.f32.msk $0xffff, v0  }
0x9a: {  	[tilespmem:s14+$0x0] =	vst.add.f32.msk $0xffff, v0  }
0x9b: {  	[tilespmem:s22+$0x0] =	vst.add.f32.msk $0xffff, v0  }
0x9c: {  	s4 =	sld [smem:$0x7EA];
	_ =	sdelay $0x1  }
0x9d: {  	s2 =	simm.s32 $0x0  }
0x9e: {  	[hbm4b:s4+s2] =	stream.linear.scatter [tilespmem:s2], [sflag:$0xD], $0x2000, $0x38;
	[tilespmem:$0x1C000] =	vst v63  }
0x9f: {  	s5 =	simm.s32 $0x2000;
	s6 =	rddreg [dreg:$0xc]  }
0xa0: {  	[hbm4b:s6+s2] =	stream.linear.scatter [tilespmem:s5], [sflag:$0xE], $0x2000, $0x38;
	[tilespmem:$0x1C000] =	vst v63  }
0xa1: {  	s13 =	simm.s32 $0x4000;
	s12 =	rddreg [dreg:$0xd]  }
0xa2: {  	[hbm4b:s12+s2] =	stream.linear.scatter [tilespmem:s13], [sflag:$0xF], $0x2000, $0x38;
	[tilespmem:$0x1C000] =	vst v63  }
0xa3: {  	s15 =	simm.s32 $0x6000;
	s14 =	rddreg [dreg:$0xe]  }
0xa4: {  	[hbm4b:s14+s2] =	stream.linear.scatter [tilespmem:s15], [sflag:$0x10], $0x2000, $0x38;
	[tilespmem:$0x1C000] =	vst v63  }
0xa5: {  	s18 =	simm.s32 $0x10000;
	s17 =	rddreg [dreg:$0xf]  }
0xa6: {  	[tilespmem:s18], [sflag:$0x9] =	stream.linear.gather [hbm4b:s17+s2], $0x2000, $0x38;
	[tilespmem:$0x1C000] =	vst v63  }
0xa7: {  	s21 =	simm.s32 $0x12000;
	s19 =	rddreg [dreg:$0x16]  }
0xa8: {  	[tilespmem:s21], [sflag:$0xA] =	stream.linear.gather [hbm4b:s19+s2], $0x2000, $0x38;
	[tilespmem:$0x1C000] =	vst v63  }
0xa9: {  	s23 =	simm.s32 $0x14000;
	s22 =	rddreg [dreg:$0x18]  }
0xaa: {  	[tilespmem:s23], [sflag:$0xB] =	stream.linear.gather [hbm4b:s22+s2], $0x2000, $0x38;
	[tilespmem:$0x1C000] =	vst v63  }
0xab: {  	s26 =	simm.s32 $0x16000;
	s25 =	rddreg [dreg:$0x1a]  }
0xac: {  	[tilespmem:s26], [sflag:$0xC] =	stream.linear.gather [hbm4b:s25+s2], $0x2000, $0x38;
	[tilespmem:$0x1C000] =	vst v63  }
0xad: {  	s29 =	simm.s32 $0x18000;
	s28 =	rddreg [dreg:$0x10]  }
0xae: {  	[tilespmem:s29], [sflag:$0x19] =	stream.linear.gather [hbm4b:s28+s2], $0x2000, $0x38;
	[tilespmem:$0x1C000] =	vst v63  }
0xaf: {  	_ =	swait.ge [sflag:s3], $0x2000  }
0xb0: {  	[sflag:s3] =	ssyncset.done $0x0  }
0xb1: {  	s5 =	simm.s32 $0x5;
	[sflag:s3] =	ssyncadd.s32 $0xFFFFE000  }
0xb2: {  	_ =	swait.ge [sflag:s5], $0x2000  }
0xb3: {  	[sflag:s5] =	ssyncset.done $0x0  }
0xb4: {  	s6 =	simm.s32 $0x6;
	[sflag:s5] =	ssyncadd.s32 $0xFFFFE000  }
0xb5: {  	_ =	swait.ge [sflag:s6], $0x2000  }
0xb6: {  	[sflag:s6] =	ssyncset.done $0x0  }
0xb7: {  	s12 =	simm.s32 $0x7;
	[sflag:s6] =	ssyncadd.s32 $0xFFFFE000  }
0xb8: {  	_ =	swait.ge [sflag:s12], $0x2000  }
0xb9: {  	[sflag:s12] =	ssyncset.done $0x0  }
0xba: {  	s13 =	sand.u32 $0x1C00, s2;
	[sflag:s12] =	ssyncadd.s32 $0xFFFFE000  }
0xbb: {  	s21 =	simm.s32 $0x0;
	s2 =	sand.u32 $0x380, s2;
	_ =	swait.ge [sflag:s7], $0x2000  }
0xbc: {  	s14 =	sand.u32 $0x40, s21;
	s2 =	sor.u32 s2, s13;
	[sflag:s7] =	ssyncset.done $0x0  }
0xbd: {  	s2 =	sor.u32 s14, s2;
	[sflag:s7] =	ssyncadd.s32 $0xFFFFE000  }
0xbe: {  	v1 =	vld [tilespmem:s2+$0x1A030]  }
0xbf: {  	v2 =	vld [tilespmem:s2+$0x1A000]  }
0xc0: {  	v3 =	vld [tilespmem:s2+$0x1A010];
	_ =	sdelay $0x1  }
0xc1: {  	s15 =	sor.u32 $0x8030, s2;
	v0 =	vld [tilespmem:s2+$0x1A020]  }
0xc2: {  	s5 =	sor.u32 $0x8000, s2;
	[tilespmem:s15+$0x0] =	vst.add.f32.msk $0xffff, v1  }
0xc3: {  	s26 =	sor.u32 $0x8010, s2;
	[tilespmem:s5+$0x0] =	vst.add.f32.msk $0xffff, v2  }
0xc4: {  	s17 =	sor.u32 $0xA030, s2;
	[tilespmem:s26+$0x0] =	vst.add.f32.msk $0xffff, v3  }
0xc5: {  	s22 =	sor.u32 $0xA000, s2;
	[tilespmem:s17+$0x0] =	vst.add.f32.msk $0xffff, v1  }
0xc6: {  	s28 =	sor.u32 $0xA010, s2;
	[tilespmem:s22+$0x0] =	vst.add.f32.msk $0xffff, v2  }
0xc7: {  	s18 =	sor.u32 $0xC030, s2;
	[tilespmem:s28+$0x0] =	vst.add.f32.msk $0xffff, v3  }
0xc8: {  	s23 =	sor.u32 $0xC000, s2;
	[tilespmem:s18+$0x0] =	vst.add.f32.msk $0xffff, v1  }
0xc9: {  	s29 =	sor.u32 $0xC010, s2;
	[tilespmem:s23+$0x0] =	vst.add.f32.msk $0xffff, v2  }
0xca: {  	s19 =	sor.u32 $0xE030, s2;
	[tilespmem:s29+$0x0] =	vst.add.f32.msk $0xffff, v3  }
0xcb: {  	s25 =	sor.u32 $0xE000, s2;
	s14 =	sor.u32 $0xA020, s2;
	[tilespmem:s19+$0x0] =	vst.add.f32.msk $0xffff, v1  }
0xcc: {  	s13 =	sor.u32 $0xC020, s2;
	s12 =	sor.u32 $0xE010, s2;
	s15 =	sor.u32 $0x8020, s2;
	[tilespmem:s25+$0x0] =	vst.add.f32.msk $0xffff, v2  }
0xcd: {  	s22 =	sor.u32 $0xE020, s2;
	s23 =	simm.s32 $0x8;
	[tilespmem:s12+$0x0] =	vst.add.f32.msk $0xffff, v3;
	s12 =	simm.s32 $0x200  }
.LBB2_4:
0xce: {  	s21 =	sadd.s32 $0x40, s21;
	s2 =	sand.u32 $0x1C00, s12;
	s4 =	sand.u32 $0x380, s23;
	[tilespmem:s15+$0x0] =	vst.add.f32.msk $0xffff, v0  }
0xcf: {  	s5 =	sand.u32 $0x40, s21;
	s2 =	sor.u32 s4, s2;
	[tilespmem:s14+$0x0] =	vst.add.f32.msk $0xffff, v0  }
0xd0: {  	s2 =	sor.u32 s5, s2;
	[tilespmem:s13+$0x0] =	vst.add.f32.msk $0xffff, v0  }
0xd1: {  	s4 =	sor.u32 $0x8000, s2;
	s5 =	sor.u32 $0xA000, s2;
	s17 =	sor.u32 $0xC000, s2;
	v1 =	vld [tilespmem:s2+$0x1A030]  }
0xd2: {  	s18 =	sor.u32 $0xE000, s2;
	s19 =	sor.u32 $0x8010, s2;
	s25 =	sor.u32 $0xA010, s2;
	v2 =	vld [tilespmem:s2+$0x1A000]  }
0xd3: {  	s26 =	sor.u32 $0xC010, s2;
	s28 =	sor.u32 $0xE010, s2;
	s15 =	sor.u32 $0x8020, s2;
	v3 =	vld [tilespmem:s2+$0x1A010]  }
0xd4: {  	s14 =	sor.u32 $0xA020, s2;
	s13 =	sor.u32 $0xC020, s2;
	s29 =	sor.u32 $0xE020, s2;
	v4 =	vld [tilespmem:s2+$0x1A020]  }
0xd5: {  	p0 =	slt.u32 s21, $0x1FC0;
	s6 =	sor.u32 $0x8030, s2;
	[tilespmem:s22+$0x0] =	vst.add.f32.msk $0xffff, v0;
	s22 =	smov.u32 s29  }
0xd6: {  	[tilespmem:s6+$0x0] =	vst.add.f32.msk $0xffff, v1;
	s6 =	sor.u32 $0xA030, s2  }
0xd7: {  	[tilespmem:s6+$0x0] =	vst.add.f32.msk $0xffff, v1;
	s6 =	sor.u32 $0xC030, s2  }
0xd8: {  	s2 =	sor.u32 $0xE030, s2;
	[tilespmem:s6+$0x0] =	vst.add.f32.msk $0xffff, v1  }
0xd9: {  	[tilespmem:s2+$0x0] =	vst.add.f32.msk $0xffff, v1;
	v0 =	vmov v4  }
0xda: {  	[tilespmem:s4+$0x0] =	vst.add.f32.msk $0xffff, v2  }
0xdb: {  	[tilespmem:s5+$0x0] =	vst.add.f32.msk $0xffff, v2  }
0xdc: {  	[tilespmem:s17+$0x0] =	vst.add.f32.msk $0xffff, v2  }
.Ltmp1:
0xdd: {  	[tilespmem:s18+$0x0] =	vst.add.f32.msk $0xffff, v2;
	(pc) =	sbr.rel @p0 .LBB2_4-.Ltmp1, $4  }
0xde: {  	[tilespmem:s19+$0x0] =	vst.add.f32.msk $0xffff, v3  }
0xdf: {  	[tilespmem:s25+$0x0] =	vst.add.f32.msk $0xffff, v3  }
0xe0: {  	[tilespmem:s26+$0x0] =	vst.add.f32.msk $0xffff, v3  }
0xe1: {  	s23 =	sadd.s32 $0x8, s23;
	s12 =	sadd.s32 $0x200, s12;
	[tilespmem:s28+$0x0] =	vst.add.f32.msk $0xffff, v3  }
0xe2: {  	[tilespmem:s15+$0x0] =	vst.add.f32.msk $0xffff, v0  }
0xe3: {  	[tilespmem:s14+$0x0] =	vst.add.f32.msk $0xffff, v0  }
0xe4: {  	[tilespmem:s13+$0x0] =	vst.add.f32.msk $0xffff, v0  }
0xe5: {  	[tilespmem:s22+$0x0] =	vst.add.f32.msk $0xffff, v0  }
0xe6: {  	s2 =	simm.s32 $0x0;
	s5 =	simm.s32 $0x8000;
	s4 =	rddreg [dreg:$0x11]  }
0xe7: {  	[hbm4b:s4+s2] =	stream.linear.scatter [tilespmem:s5], [sflag:$0x11], $0x2000, $0x38;
	[tilespmem:$0x1C000] =	vst v63  }
0xe8: {  	s6 =	simm.s32 $0xA000;
	s5 =	rddreg [dreg:$0x12]  }
0xe9: {  	[hbm4b:s5+s2] =	stream.linear.scatter [tilespmem:s6], [sflag:$0x12], $0x2000, $0x38;
	[tilespmem:$0x1C000] =	vst v63  }
0xea: {  	s13 =	simm.s32 $0xC000;
	s12 =	rddreg [dreg:$0x13]  }
0xeb: {  	[hbm4b:s12+s2] =	stream.linear.scatter [tilespmem:s13], [sflag:$0x13], $0x2000, $0x38;
	[tilespmem:$0x1C000] =	vst v63  }
0xec: {  	s15 =	simm.s32 $0xE000;
	s14 =	rddreg [dreg:$0x14]  }
0xed: {  	[hbm4b:s14+s2] =	stream.linear.scatter [tilespmem:s15], [sflag:$0x14], $0x2000, $0x38;
	[tilespmem:$0x1C000] =	vst v63  }
0xee: {  	_ =	swait.ge [sflag:s8], $0x2000  }
0xef: {  	[sflag:s8] =	ssyncset.done $0x0  }
0xf0: {  	[sflag:s8] =	ssyncadd.s32 $0xFFFFE000  }
0xf1: {  	_ =	swait.ge [sflag:s9], $0x2000  }
0xf2: {  	[sflag:s9] =	ssyncset.done $0x0  }
0xf3: {  	[sflag:s9] =	ssyncadd.s32 $0xFFFFE000  }
0xf4: {  	_ =	swait.ge [sflag:s10], $0x2000  }
0xf5: {  	[sflag:s10] =	ssyncset.done $0x0  }
0xf6: {  	[sflag:s10] =	ssyncadd.s32 $0xFFFFE000  }
0xf7: {  	_ =	swait.ge [sflag:s11], $0x2000  }
0xf8: {  	[sflag:s11] =	ssyncset.done $0x0;
	s17 =	rddreg [dreg:$0x1c]  }
0xf9: {  	s18 =	rddreg [dreg:$0x1f];
	[sflag:s11] =	ssyncadd.s32 $0xFFFFE000  }
0xfa: {  	[tilespmem:s2], [sflag:$0x1] =	stream.linear.gather [hbm4b:s17+s2], $0x2000, $0x38;
	[tilespmem:$0x1C000] =	vst v63  }
0xfb: {  	s19 =	simm.s32 $0x2000;
	s21 =	sld [smem:$0x7D2]  }
0xfc: {  	[tilespmem:s19], [sflag:$0x2] =	stream.linear.gather [hbm4b:s18+s2], $0x2000, $0x38;
	[tilespmem:$0x1C000] =	vst v63  }
0xfd: {  	s22 =	simm.s32 $0x4000;
	s23 =	sld [smem:$0x7D4]  }
0xfe: {  	[tilespmem:s22], [sflag:$0x3] =	stream.linear.gather [hbm4b:s21+s2], $0x2000, $0x38;
	[tilespmem:$0x1C000] =	vst v63  }
0xff: {  	s25 =	simm.s32 $0x6000  }
0x100: {  	[tilespmem:s25], [sflag:$0x4] =	stream.linear.gather [hbm4b:s23+s2], $0x2000, $0x38;
	[tilespmem:$0x1C000] =	vst v63  }
0x101: {  	s28 =	simm.s32 $0x1A000;
	s26 =	rddreg [dreg:$0x1d]  }
0x102: {  	[tilespmem:s28], [sflag:$0x1A] =	stream.linear.gather [hbm4b:s26+s2], $0x2000, $0x38;
	[tilespmem:$0x1C000] =	vst v63  }
0x103: {  	_ =	swait.ge [sflag:s24], $0x2000  }
0x104: {  	[sflag:s24] =	ssyncset.done $0x0  }
0x105: {  	s29 =	simm.s32 $0x9;
	[sflag:s24] =	ssyncadd.s32 $0xFFFFE000  }
0x106: {  	_ =	swait.ge [sflag:s29], $0x2000  }
0x107: {  	[sflag:s29] =	ssyncset.done $0x0  }
0x108: {  	s5 =	simm.s32 $0xA;
	[sflag:s29] =	ssyncadd.s32 $0xFFFFE000  }
0x109: {  	_ =	swait.ge [sflag:s5], $0x2000  }
0x10a: {  	[sflag:s5] =	ssyncset.done $0x0  }
0x10b: {  	s6 =	simm.s32 $0xB;
	[sflag:s5] =	ssyncadd.s32 $0xFFFFE000  }
0x10c: {  	_ =	swait.ge [sflag:s6], $0x2000  }
0x10d: {  	[sflag:s6] =	ssyncset.done $0x0  }
0x10e: {  	s12 =	sand.u32 $0x1C00, s2;
	[sflag:s6] =	ssyncadd.s32 $0xFFFFE000;
	s6 =	simm.s32 $0xC  }
0x10f: {  	s21 =	simm.s32 $0x0;
	s2 =	sand.u32 $0x380, s2;
	_ =	swait.ge [sflag:s6], $0x2000  }
0x110: {  	s13 =	sand.u32 $0x40, s21;
	s2 =	sor.u32 s2, s12;
	[sflag:s6] =	ssyncset.done $0x0  }
0x111: {  	s2 =	sor.u32 s13, s2;
	[sflag:s6] =	ssyncadd.s32 $0xFFFFE000  }
0x112: {  	v1 =	vld [tilespmem:s2+$0x18030]  }
0x113: {  	v2 =	vld [tilespmem:s2+$0x18000]  }
0x114: {  	v3 =	vld [tilespmem:s2+$0x18010];
	_ =	sdelay $0x1  }
0x115: {  	s14 =	sor.u32 $0x10030, s2;
	v0 =	vld [tilespmem:s2+$0x18020]  }
0x116: {  	s5 =	sor.u32 $0x10000, s2;
	[tilespmem:s14+$0x0] =	vst.add.f32.msk $0xffff, v1  }
0x117: {  	s25 =	sor.u32 $0x10010, s2;
	[tilespmem:s5+$0x0] =	vst.add.f32.msk $0xffff, v2  }
0x118: {  	s15 =	sor.u32 $0x12030, s2;
	[tilespmem:s25+$0x0] =	vst.add.f32.msk $0xffff, v3  }
0x119: {  	s19 =	sor.u32 $0x12000, s2;
	[tilespmem:s15+$0x0] =	vst.add.f32.msk $0xffff, v1  }
0x11a: {  	s26 =	sor.u32 $0x12010, s2;
	[tilespmem:s19+$0x0] =	vst.add.f32.msk $0xffff, v2  }
0x11b: {  	s17 =	sor.u32 $0x14030, s2;
	[tilespmem:s26+$0x0] =	vst.add.f32.msk $0xffff, v3  }
0x11c: {  	s22 =	sor.u32 $0x14000, s2;
	[tilespmem:s17+$0x0] =	vst.add.f32.msk $0xffff, v1  }
0x11d: {  	s28 =	sor.u32 $0x14010, s2;
	[tilespmem:s22+$0x0] =	vst.add.f32.msk $0xffff, v2  }
0x11e: {  	s18 =	sor.u32 $0x16030, s2;
	[tilespmem:s28+$0x0] =	vst.add.f32.msk $0xffff, v3  }
0x11f: {  	s12 =	simm.s32 $0x200;
	s23 =	sor.u32 $0x16000, s2;
	[tilespmem:s18+$0x0] =	vst.add.f32.msk $0xffff, v1  }
0x120: {  	s13 =	sor.u32 $0x14020, s2;
	s29 =	sor.u32 $0x16010, s2;
	s14 =	sor.u32 $0x12020, s2;
	[tilespmem:s23+$0x0] =	vst.add.f32.msk $0xffff, v2  }
0x121: {  	s15 =	sor.u32 $0x10020, s2;
	s22 =	sor.u32 $0x16020, s2;
	[tilespmem:s29+$0x0] =	vst.add.f32.msk $0xffff, v3;
	s23 =	simm.s32 $0x8  }
.LBB2_6:
0x122: {  	s21 =	sadd.s32 $0x40, s21;
	s2 =	sand.u32 $0x1C00, s12;
	s4 =	sand.u32 $0x380, s23;
	[tilespmem:s15+$0x0] =	vst.add.f32.msk $0xffff, v0  }
0x123: {  	s5 =	sand.u32 $0x40, s21;
	s2 =	sor.u32 s4, s2;
	[tilespmem:s14+$0x0] =	vst.add.f32.msk $0xffff, v0  }
0x124: {  	s2 =	sor.u32 s5, s2;
	[tilespmem:s13+$0x0] =	vst.add.f32.msk $0xffff, v0  }
0x125: {  	s4 =	sor.u32 $0x10000, s2;
	s5 =	sor.u32 $0x12000, s2;
	s6 =	sor.u32 $0x14000, s2;
	v1 =	vld [tilespmem:s2+$0x18030]  }
0x126: {  	s17 =	sor.u32 $0x16000, s2;
	s18 =	sor.u32 $0x10010, s2;
	s19 =	sor.u32 $0x12010, s2;
	v2 =	vld [tilespmem:s2+$0x18000]  }
0x127: {  	s25 =	sor.u32 $0x14010, s2;
	s26 =	sor.u32 $0x16010, s2;
	s15 =	sor.u32 $0x10020, s2;
	v3 =	vld [tilespmem:s2+$0x18010]  }
0x128: {  	s14 =	sor.u32 $0x12020, s2;
	s13 =	sor.u32 $0x14020, s2;
	s28 =	sor.u32 $0x16020, s2;
	v4 =	vld [tilespmem:s2+$0x18020]  }
0x129: {  	p0 =	slt.u32 s21, $0x1FC0;
	s29 =	sor.u32 $0x10030, s2;
	[tilespmem:s22+$0x0] =	vst.add.f32.msk $0xffff, v0;
	s22 =	smov.u32 s28  }
0x12a: {  	s28 =	sor.u32 $0x12030, s2;
	[tilespmem:s29+$0x0] =	vst.add.f32.msk $0xffff, v1  }
0x12b: {  	[tilespmem:s28+$0x0] =	vst.add.f32.msk $0xffff, v1;
	s28 =	sor.u32 $0x14030, s2  }
0x12c: {  	s2 =	sor.u32 $0x16030, s2;
	[tilespmem:s28+$0x0] =	vst.add.f32.msk $0xffff, v1  }
0x12d: {  	[tilespmem:s2+$0x0] =	vst.add.f32.msk $0xffff, v1;
	v0 =	vmov v4  }
0x12e: {  	[tilespmem:s4+$0x0] =	vst.add.f32.msk $0xffff, v2  }
0x12f: {  	[tilespmem:s5+$0x0] =	vst.add.f32.msk $0xffff, v2  }
0x130: {  	[tilespmem:s6+$0x0] =	vst.add.f32.msk $0xffff, v2  }
.Ltmp2:
0x131: {  	[tilespmem:s17+$0x0] =	vst.add.f32.msk $0xffff, v2;
	(pc) =	sbr.rel @p0 .LBB2_6-.Ltmp2, $4  }
0x132: {  	[tilespmem:s18+$0x0] =	vst.add.f32.msk $0xffff, v3  }
0x133: {  	[tilespmem:s19+$0x0] =	vst.add.f32.msk $0xffff, v3  }
0x134: {  	[tilespmem:s25+$0x0] =	vst.add.f32.msk $0xffff, v3  }
0x135: {  	s23 =	sadd.s32 $0x8, s23;
	s12 =	sadd.s32 $0x200, s12;
	[tilespmem:s26+$0x0] =	vst.add.f32.msk $0xffff, v3  }
0x136: {  	[tilespmem:s15+$0x0] =	vst.add.f32.msk $0xffff, v0  }
0x137: {  	[tilespmem:s14+$0x0] =	vst.add.f32.msk $0xffff, v0  }
0x138: {  	[tilespmem:s13+$0x0] =	vst.add.f32.msk $0xffff, v0  }
0x139: {  	[tilespmem:s22+$0x0] =	vst.add.f32.msk $0xffff, v0  }
0x13a: {  	s2 =	simm.s32 $0x0;
	s5 =	simm.s32 $0x10000;
	s4 =	rddreg [dreg:$0x15]  }
0x13b: {  	[hbm4b:s4+s2] =	stream.linear.scatter [tilespmem:s5], [sflag:$0x15], $0x2000, $0x38;
	[tilespmem:$0x1C000] =	vst v63  }
0x13c: {  	s6 =	simm.s32 $0x12000;
	s5 =	rddreg [dreg:$0x17]  }
0x13d: {  	[hbm4b:s5+s2] =	stream.linear.scatter [tilespmem:s6], [sflag:$0x16], $0x2000, $0x38;
	[tilespmem:$0x1C000] =	vst v63  }
0x13e: {  	s13 =	simm.s32 $0x14000;
	s12 =	rddreg [dreg:$0x19]  }
0x13f: {  	[hbm4b:s12+s2] =	stream.linear.scatter [tilespmem:s13], [sflag:$0x17], $0x2000, $0x38;
	[tilespmem:$0x1C000] =	vst v63  }
0x140: {  	s15 =	simm.s32 $0x16000;
	s14 =	rddreg [dreg:$0x1b]  }
0x141: {  	[hbm4b:s14+s2] =	stream.linear.scatter [tilespmem:s15], [sflag:$0x18], $0x2000, $0x38;
	[tilespmem:$0x1C000] =	vst v63  }
0x142: {  	_ =	swait.ge [sflag:s16], $0x2000  }
0x143: {  	[sflag:s16] =	ssyncset.done $0x0  }
0x144: {  	[sflag:s16] =	ssyncadd.s32 $0xFFFFE000  }
0x145: {  	_ =	swait.ge [sflag:s30], $0x2000  }
0x146: {  	[sflag:s30] =	ssyncset.done $0x0  }
0x147: {  	[sflag:s30] =	ssyncadd.s32 $0xFFFFE000  }
0x148: {  	_ =	swait.ge [sflag:s31], $0x2000  }
0x149: {  	[sflag:s31] =	ssyncset.done $0x0  }
0x14a: {  	[sflag:s31] =	ssyncadd.s32 $0xFFFFE000  }
0x14b: {  	_ =	swait.ge [sflag:s0], $0x2000  }
0x14c: {  	s17 =	sld [smem:$0x7D6]  }
0x14d: {  	[sflag:s0] =	ssyncset.done $0x0  }
0x14e: {  	s18 =	simm.s32 $0x8000;
	s19 =	sld [smem:$0x7D9];
	[sflag:s0] =	ssyncadd.s32 $0xFFFFE000  }
0x14f: {  	[tilespmem:s18], [sflag:$0x5] =	stream.linear.gather [hbm4b:s17+s2], $0x2000, $0x38;
	[tilespmem:$0x1C000] =	vst v63  }
0x150: {  	s21 =	simm.s32 $0xA000;
	s22 =	sld [smem:$0x7DB]  }
0x151: {  	[tilespmem:s21], [sflag:$0x6] =	stream.linear.gather [hbm4b:s19+s2], $0x2000, $0x38;
	[tilespmem:$0x1C000] =	vst v63  }
0x152: {  	s23 =	simm.s32 $0xC000;
	s25 =	sld [smem:$0x7DD]  }
0x153: {  	[tilespmem:s23], [sflag:$0x7] =	stream.linear.gather [hbm4b:s22+s2], $0x2000, $0x38;
	[tilespmem:$0x1C000] =	vst v63  }
0x154: {  	s26 =	simm.s32 $0xE000;
	s28 =	sld [smem:$0x7D7]  }
0x155: {  	[tilespmem:s26], [sflag:$0x8] =	stream.linear.gather [hbm4b:s25+s2], $0x2000, $0x38;
	[tilespmem:$0x1C000] =	vst v63  }
0x156: {  	s29 =	simm.s32 $0x18000  }
0x157: {  	[tilespmem:s29], [sflag:$0x19] =	stream.linear.gather [hbm4b:s28+s2], $0x2000, $0x38;
	[tilespmem:$0x1C000] =	vst v63  }
0x158: {  	_ =	swait.ge [sflag:s3], $0x2000  }
0x159: {  	[sflag:s3] =	ssyncset.done $0x0  }
0x15a: {  	s5 =	simm.s32 $0x1;
	[sflag:s3] =	ssyncadd.s32 $0xFFFFE000  }
0x15b: {  	_ =	swait.ge [sflag:s5], $0x2000  }
0x15c: {  	[sflag:s5] =	ssyncset.done $0x0  }
0x15d: {  	s6 =	simm.s32 $0x2;
	[sflag:s5] =	ssyncadd.s32 $0xFFFFE000  }
0x15e: {  	_ =	swait.ge [sflag:s6], $0x2000  }
0x15f: {  	[sflag:s6] =	ssyncset.done $0x0  }
0x160: {  	s12 =	simm.s32 $0x3;
	[sflag:s6] =	ssyncadd.s32 $0xFFFFE000  }
0x161: {  	_ =	swait.ge [sflag:s12], $0x2000  }
0x162: {  	[sflag:s12] =	ssyncset.done $0x0  }
0x163: {  	s13 =	sand.u32 $0x1C00, s2;
	s6 =	simm.s32 $0x4;
	[sflag:s12] =	ssyncadd.s32 $0xFFFFE000  }
0x164: {  	s21 =	simm.s32 $0x0;
	s2 =	sand.u32 $0x380, s2;
	_ =	swait.ge [sflag:s6], $0x2000  }
0x165: {  	s14 =	sand.u32 $0x40, s21;
	s2 =	sor.u32 s2, s13;
	[sflag:s6] =	ssyncset.done $0x0  }
0x166: {  	s2 =	sor.u32 s14, s2;
	[sflag:s6] =	ssyncadd.s32 $0xFFFFE000  }
0x167: {  	v1 =	vld [tilespmem:s2+$0x1A030]  }
0x168: {  	v2 =	vld [tilespmem:s2+$0x1A000]  }
0x169: {  	v3 =	vld [tilespmem:s2+$0x1A010];
	_ =	sdelay $0x1  }
0x16a: {  	s15 =	sor.u32 $0x30, s2;
	v0 =	vld [tilespmem:s2+$0x1A020]  }
0x16b: {  	[tilespmem:s15+$0x0] =	vst.add.f32.msk $0xffff, v1  }
0x16c: {  	s25 =	sor.u32 $0x10, s2;
	[tilespmem:s2+$0x0] =	vst.add.f32.msk $0xffff, v2  }
0x16d: {  	s17 =	sor.u32 $0x2030, s2;
	[tilespmem:s25+$0x0] =	vst.add.f32.msk $0xffff, v3  }
0x16e: {  	s22 =	sor.u32 $0x2000, s2;
	[tilespmem:s17+$0x0] =	vst.add.f32.msk $0xffff, v1  }
0x16f: {  	s26 =	sor.u32 $0x2010, s2;
	[tilespmem:s22+$0x0] =	vst.add.f32.msk $0xffff, v2  }
0x170: {  	s18 =	sor.u32 $0x4030, s2;
	[tilespmem:s26+$0x0] =	vst.add.f32.msk $0xffff, v3  }
0x171: {  	s5 =	sor.u32 $0x4000, s2;
	[tilespmem:s18+$0x0] =	vst.add.f32.msk $0xffff, v1  }
0x172: {  	s28 =	sor.u32 $0x4010, s2;
	[tilespmem:s5+$0x0] =	vst.add.f32.msk $0xffff, v2  }
0x173: {  	s19 =	sor.u32 $0x6030, s2;
	[tilespmem:s28+$0x0] =	vst.add.f32.msk $0xffff, v3  }
0x174: {  	s23 =	sor.u32 $0x6000, s2;
	s29 =	sor.u32 $0x6010, s2;
	[tilespmem:s19+$0x0] =	vst.add.f32.msk $0xffff, v1  }
0x175: {  	s13 =	sor.u32 $0x2020, s2;
	s14 =	sor.u32 $0x4020, s2;
	s12 =	simm.s32 $0x8;
	[tilespmem:s23+$0x0] =	vst.add.f32.msk $0xffff, v2  }
0x176: {  	s15 =	sor.u32 $0x20, s2;
	s22 =	sor.u32 $0x6020, s2;
	[tilespmem:s29+$0x0] =	vst.add.f32.msk $0xffff, v3;
	s23 =	simm.s32 $0x200  }
.LBB2_8:
0x177: {  	s21 =	sadd.s32 $0x40, s21;
	s2 =	sand.u32 $0x1C00, s23;
	s4 =	sand.u32 $0x380, s12;
	[tilespmem:s15+$0x0] =	vst.add.f32.msk $0xffff, v0  }
0x178: {  	s5 =	sand.u32 $0x40, s21;
	s2 =	sor.u32 s4, s2;
	[tilespmem:s13+$0x0] =	vst.add.f32.msk $0xffff, v0  }
0x179: {  	s2 =	sor.u32 s5, s2;
	[tilespmem:s14+$0x0] =	vst.add.f32.msk $0xffff, v0  }
0x17a: {  	s4 =	sor.u32 $0x2000, s2;
	s5 =	sor.u32 $0x4000, s2;
	s6 =	sor.u32 $0x6000, s2;
	v1 =	vld [tilespmem:s2+$0x1A030]  }
0x17b: {  	s17 =	sor.u32 $0x10, s2;
	s18 =	sor.u32 $0x2010, s2;
	s19 =	sor.u32 $0x4010, s2;
	v2 =	vld [tilespmem:s2+$0x1A000]  }
0x17c: {  	s25 =	sor.u32 $0x6010, s2;
	s15 =	sor.u32 $0x20, s2;
	s13 =	sor.u32 $0x2020, s2;
	v3 =	vld [tilespmem:s2+$0x1A010]  }
0x17d: {  	p0 =	slt.u32 s21, $0x1FC0;
	s14 =	sor.u32 $0x4020, s2;
	s26 =	sor.u32 $0x6020, s2;
	v4 =	vld [tilespmem:s2+$0x1A020]  }
0x17e: {  	s28 =	sor.u32 $0x30, s2;
	[tilespmem:s22+$0x0] =	vst.add.f32.msk $0xffff, v0;
	s22 =	smov.u32 s26  }
0x17f: {  	s26 =	sor.u32 $0x2030, s2;
	[tilespmem:s28+$0x0] =	vst.add.f32.msk $0xffff, v1  }
0x180: {  	[tilespmem:s26+$0x0] =	vst.add.f32.msk $0xffff, v1;
	s26 =	sor.u32 $0x4030, s2  }
0x181: {  	[tilespmem:s26+$0x0] =	vst.add.f32.msk $0xffff, v1;
	s26 =	sor.u32 $0x6030, s2  }
0x182: {  	[tilespmem:s26+$0x0] =	vst.add.f32.msk $0xffff, v1;
	v0 =	vmov v4  }
0x183: {  	[tilespmem:s2+$0x0] =	vst.add.f32.msk $0xffff, v2  }
0x184: {  	[tilespmem:s4+$0x0] =	vst.add.f32.msk $0xffff, v2  }
0x185: {  	[tilespmem:s5+$0x0] =	vst.add.f32.msk $0xffff, v2  }
.Ltmp3:
0x186: {  	[tilespmem:s6+$0x0] =	vst.add.f32.msk $0xffff, v2;
	(pc) =	sbr.rel @p0 .LBB2_8-.Ltmp3, $4  }
0x187: {  	[tilespmem:s17+$0x0] =	vst.add.f32.msk $0xffff, v3  }
0x188: {  	[tilespmem:s18+$0x0] =	vst.add.f32.msk $0xffff, v3  }
0x189: {  	[tilespmem:s19+$0x0] =	vst.add.f32.msk $0xffff, v3  }
0x18a: {  	s12 =	sadd.s32 $0x8, s12;
	s23 =	sadd.s32 $0x200, s23;
	[tilespmem:s25+$0x0] =	vst.add.f32.msk $0xffff, v3  }
0x18b: {  	[tilespmem:s15+$0x0] =	vst.add.f32.msk $0xffff, v0  }
0x18c: {  	[tilespmem:s13+$0x0] =	vst.add.f32.msk $0xffff, v0  }
0x18d: {  	[tilespmem:s14+$0x0] =	vst.add.f32.msk $0xffff, v0  }
0x18e: {  	[tilespmem:s22+$0x0] =	vst.add.f32.msk $0xffff, v0  }
0x18f: {  	s4 =	rddreg [dreg:$0x1e]  }
0x190: {  	s2 =	simm.s32 $0x0;
	s26 =	sld [smem:$0x7D1]  }
0x191: {  	[hbm4b:s4+s2] =	stream.linear.scatter [tilespmem:s2], [sflag:$0xD], $0x2000, $0x38;
	[tilespmem:$0x1C000] =	vst v63  }
0x192: {  	s5 =	simm.s32 $0x2000;
	s28 =	sld [smem:$0x7D3]  }
0x193: {  	[hbm4b:s26+s2] =	stream.linear.scatter [tilespmem:s5], [sflag:$0xE], $0x2000, $0x38;
	[tilespmem:$0x1C000] =	vst v63  }
0x194: {  	s29 =	simm.s32 $0x4000;
	s5 =	sld [smem:$0x7D5]  }
0x195: {  	[hbm4b:s28+s2] =	stream.linear.scatter [tilespmem:s29], [sflag:$0xF], $0x2000, $0x38;
	[tilespmem:$0x1C000] =	vst v63  }
0x196: {  	s6 =	simm.s32 $0x6000;
	s12 =	simm.s32 $0x15  }
0x197: {  	[hbm4b:s5+s2] =	stream.linear.scatter [tilespmem:s6], [sflag:$0x10], $0x2000, $0x38;
	[tilespmem:$0x1C000] =	vst v63  }
0x198: {  	_ =	swait.ge [sflag:s12], $0x2000  }
0x199: {  	[sflag:s12] =	ssyncset.done $0x0  }
0x19a: {  	s13 =	simm.s32 $0x16;
	[sflag:s12] =	ssyncadd.s32 $0xFFFFE000  }
0x19b: {  	_ =	swait.ge [sflag:s13], $0x2000  }
0x19c: {  	[sflag:s13] =	ssyncset.done $0x0  }
0x19d: {  	s14 =	simm.s32 $0x17;
	[sflag:s13] =	ssyncadd.s32 $0xFFFFE000  }
0x19e: {  	_ =	swait.ge [sflag:s14], $0x2000  }
0x19f: {  	[sflag:s14] =	ssyncset.done $0x0  }
0x1a0: {  	s15 =	simm.s32 $0x18;
	[sflag:s14] =	ssyncadd.s32 $0xFFFFE000  }
0x1a1: {  	_ =	swait.ge [sflag:s15], $0x2000  }
0x1a2: {  	s17 =	sld [smem:$0x7DF]  }
0x1a3: {  	[sflag:s15] =	ssyncset.done $0x0  }
0x1a4: {  	s18 =	simm.s32 $0x10000;
	s19 =	sld [smem:$0x7E2];
	[sflag:s15] =	ssyncadd.s32 $0xFFFFE000  }
0x1a5: {  	[tilespmem:s18], [sflag:$0x9] =	stream.linear.gather [hbm4b:s17+s2], $0x2000, $0x38;
	[tilespmem:$0x1C000] =	vst v63  }
0x1a6: {  	s21 =	simm.s32 $0x12000;
	s22 =	sld [smem:$0x7E4]  }
0x1a7: {  	[tilespmem:s21], [sflag:$0xA] =	stream.linear.gather [hbm4b:s19+s2], $0x2000, $0x38;
	[tilespmem:$0x1C000] =	vst v63  }
0x1a8: {  	s23 =	simm.s32 $0x14000;
	s25 =	sld [smem:$0x7E6]  }
0x1a9: {  	[tilespmem:s23], [sflag:$0xB] =	stream.linear.gather [hbm4b:s22+s2], $0x2000, $0x38;
	[tilespmem:$0x1C000] =	vst v63  }
0x1aa: {  	s26 =	simm.s32 $0x16000;
	s28 =	sld [smem:$0x7E0]  }
0x1ab: {  	[tilespmem:s26], [sflag:$0xC] =	stream.linear.gather [hbm4b:s25+s2], $0x2000, $0x38;
	[tilespmem:$0x1C000] =	vst v63  }
0x1ac: {  	s29 =	simm.s32 $0x1A000  }
0x1ad: {  	[tilespmem:s29], [sflag:$0x1A] =	stream.linear.gather [hbm4b:s28+s2], $0x2000, $0x38;
	[tilespmem:$0x1C000] =	vst v63  }
0x1ae: {  	_ =	swait.ge [sflag:s24], $0x2000  }
0x1af: {  	[sflag:s24] =	ssyncset.done $0x0  }
0x1b0: {  	s5 =	simm.s32 $0x5;
	[sflag:s24] =	ssyncadd.s32 $0xFFFFE000  }
0x1b1: {  	_ =	swait.ge [sflag:s5], $0x2000  }
0x1b2: {  	[sflag:s5] =	ssyncset.done $0x0  }
0x1b3: {  	s6 =	simm.s32 $0x6;
	[sflag:s5] =	ssyncadd.s32 $0xFFFFE000  }
0x1b4: {  	_ =	swait.ge [sflag:s6], $0x2000  }
0x1b5: {  	[sflag:s6] =	ssyncset.done $0x0  }
0x1b6: {  	s12 =	simm.s32 $0x7;
	[sflag:s6] =	ssyncadd.s32 $0xFFFFE000  }
0x1b7: {  	_ =	swait.ge [sflag:s12], $0x2000  }
0x1b8: {  	[sflag:s12] =	ssyncset.done $0x0  }
0x1b9: {  	s13 =	sand.u32 $0x1C00, s2;
	[sflag:s12] =	ssyncadd.s32 $0xFFFFE000  }
0x1ba: {  	s21 =	simm.s32 $0x0;
	s2 =	sand.u32 $0x380, s2;
	_ =	swait.ge [sflag:s7], $0x2000  }
0x1bb: {  	s14 =	sand.u32 $0x40, s21;
	s2 =	sor.u32 s2, s13;
	[sflag:s7] =	ssyncset.done $0x0  }
0x1bc: {  	s2 =	sor.u32 s14, s2;
	[sflag:s7] =	ssyncadd.s32 $0xFFFFE000  }
0x1bd: {  	v1 =	vld [tilespmem:s2+$0x18030]  }
0x1be: {  	v2 =	vld [tilespmem:s2+$0x18000]  }
0x1bf: {  	v3 =	vld [tilespmem:s2+$0x18010];
	_ =	sdelay $0x1  }
0x1c0: {  	s15 =	sor.u32 $0x8030, s2;
	v0 =	vld [tilespmem:s2+$0x18020]  }
0x1c1: {  	s5 =	sor.u32 $0x8000, s2;
	[tilespmem:s15+$0x0] =	vst.add.f32.msk $0xffff, v1  }
0x1c2: {  	s26 =	sor.u32 $0x8010, s2;
	[tilespmem:s5+$0x0] =	vst.add.f32.msk $0xffff, v2  }
0x1c3: {  	s17 =	sor.u32 $0xA030, s2;
	[tilespmem:s26+$0x0] =	vst.add.f32.msk $0xffff, v3  }
0x1c4: {  	s22 =	sor.u32 $0xA000, s2;
	[tilespmem:s17+$0x0] =	vst.add.f32.msk $0xffff, v1  }
0x1c5: {  	s28 =	sor.u32 $0xA010, s2;
	[tilespmem:s22+$0x0] =	vst.add.f32.msk $0xffff, v2  }
0x1c6: {  	s18 =	sor.u32 $0xC030, s2;
	[tilespmem:s28+$0x0] =	vst.add.f32.msk $0xffff, v3  }
0x1c7: {  	s23 =	sor.u32 $0xC000, s2;
	[tilespmem:s18+$0x0] =	vst.add.f32.msk $0xffff, v1  }
0x1c8: {  	s29 =	sor.u32 $0xC010, s2;
	[tilespmem:s23+$0x0] =	vst.add.f32.msk $0xffff, v2  }
0x1c9: {  	s19 =	sor.u32 $0xE030, s2;
	[tilespmem:s29+$0x0] =	vst.add.f32.msk $0xffff, v3  }
0x1ca: {  	s25 =	sor.u32 $0xE000, s2;
	s14 =	sor.u32 $0xA020, s2;
	[tilespmem:s19+$0x0] =	vst.add.f32.msk $0xffff, v1  }
0x1cb: {  	s13 =	sor.u32 $0xC020, s2;
	s6 =	sor.u32 $0xE010, s2;
	s12 =	simm.s32 $0x200;
	[tilespmem:s25+$0x0] =	vst.add.f32.msk $0xffff, v2  }
0x1cc: {  	s15 =	sor.u32 $0x8020, s2;
	s22 =	sor.u32 $0xE020, s2;
	s23 =	simm.s32 $0x8;
	[tilespmem:s6+$0x0] =	vst.add.f32.msk $0xffff, v3  }
.LBB2_10:
0x1cd: {  	s21 =	sadd.s32 $0x40, s21;
	s2 =	sand.u32 $0x1C00, s12;
	s4 =	sand.u32 $0x380, s23;
	[tilespmem:s15+$0x0] =	vst.add.f32.msk $0xffff, v0  }
0x1ce: {  	s5 =	sand.u32 $0x40, s21;
	s2 =	sor.u32 s4, s2;
	[tilespmem:s14+$0x0] =	vst.add.f32.msk $0xffff, v0  }
0x1cf: {  	s2 =	sor.u32 s5, s2;
	[tilespmem:s13+$0x0] =	vst.add.f32.msk $0xffff, v0  }
0x1d0: {  	s4 =	sor.u32 $0x8000, s2;
	s5 =	sor.u32 $0xA000, s2;
	s6 =	sor.u32 $0xC000, s2;
	v1 =	vld [tilespmem:s2+$0x18030]  }
0x1d1: {  	s17 =	sor.u32 $0xE000, s2;
	s18 =	sor.u32 $0x8010, s2;
	s19 =	sor.u32 $0xA010, s2;
	v2 =	vld [tilespmem:s2+$0x18000]  }
0x1d2: {  	s25 =	sor.u32 $0xC010, s2;
	s26 =	sor.u32 $0xE010, s2;
	s15 =	sor.u32 $0x8020, s2;
	v3 =	vld [tilespmem:s2+$0x18010]  }
0x1d3: {  	s14 =	sor.u32 $0xA020, s2;
	s13 =	sor.u32 $0xC020, s2;
	s28 =	sor.u32 $0xE020, s2;
	v4 =	vld [tilespmem:s2+$0x18020]  }
0x1d4: {  	p0 =	slt.u32 s21, $0x1FC0;
	s29 =	sor.u32 $0x8030, s2;
	[tilespmem:s22+$0x0] =	vst.add.f32.msk $0xffff, v0;
	s22 =	smov.u32 s28  }
0x1d5: {  	s28 =	sor.u32 $0xA030, s2;
	[tilespmem:s29+$0x0] =	vst.add.f32.msk $0xffff, v1  }
0x1d6: {  	[tilespmem:s28+$0x0] =	vst.add.f32.msk $0xffff, v1;
	s28 =	sor.u32 $0xC030, s2  }
0x1d7: {  	s2 =	sor.u32 $0xE030, s2;
	[tilespmem:s28+$0x0] =	vst.add.f32.msk $0xffff, v1  }
0x1d8: {  	[tilespmem:s2+$0x0] =	vst.add.f32.msk $0xffff, v1;
	v0 =	vmov v4  }
0x1d9: {  	[tilespmem:s4+$0x0] =	vst.add.f32.msk $0xffff, v2  }
0x1da: {  	[tilespmem:s5+$0x0] =	vst.add.f32.msk $0xffff, v2  }
0x1db: {  	[tilespmem:s6+$0x0] =	vst.add.f32.msk $0xffff, v2  }
.Ltmp4:
0x1dc: {  	[tilespmem:s17+$0x0] =	vst.add.f32.msk $0xffff, v2;
	(pc) =	sbr.rel @p0 .LBB2_10-.Ltmp4, $4  }
0x1dd: {  	[tilespmem:s18+$0x0] =	vst.add.f32.msk $0xffff, v3  }
0x1de: {  	[tilespmem:s19+$0x0] =	vst.add.f32.msk $0xffff, v3  }
0x1df: {  	[tilespmem:s25+$0x0] =	vst.add.f32.msk $0xffff, v3  }
0x1e0: {  	s23 =	sadd.s32 $0x8, s23;
	s12 =	sadd.s32 $0x200, s12;
	[tilespmem:s26+$0x0] =	vst.add.f32.msk $0xffff, v3  }
0x1e1: {  	[tilespmem:s15+$0x0] =	vst.add.f32.msk $0xffff, v0  }
0x1e2: {  	[tilespmem:s14+$0x0] =	vst.add.f32.msk $0xffff, v0  }
0x1e3: {  	[tilespmem:s13+$0x0] =	vst.add.f32.msk $0xffff, v0  }
0x1e4: {  	[tilespmem:s22+$0x0] =	vst.add.f32.msk $0xffff, v0  }
0x1e5: {  	s4 =	sld [smem:$0x7D8];
	_ =	sdelay $0x1  }
0x1e6: {  	s2 =	simm.s32 $0x0;
	s5 =	simm.s32 $0x8000  }
0x1e7: {  	[hbm4b:s4+s2] =	stream.linear.scatter [tilespmem:s5], [sflag:$0x11], $0x2000, $0x38;
	[tilespmem:$0x1C000] =	vst v63  }
0x1e8: {  	s5 =	sld [smem:$0x7DA];
	_ =	sdelay $0x1  }
0x1e9: {  	s6 =	simm.s32 $0xA000;
	s12 =	sld [smem:$0x7DC]  }
0x1ea: {  	[hbm4b:s5+s2] =	stream.linear.scatter [tilespmem:s6], [sflag:$0x12], $0x2000, $0x38;
	[tilespmem:$0x1C000] =	vst v63  }
0x1eb: {  	s13 =	simm.s32 $0xC000;
	s14 =	sld [smem:$0x7DE]  }
0x1ec: {  	[hbm4b:s12+s2] =	stream.linear.scatter [tilespmem:s13], [sflag:$0x13], $0x2000, $0x38;
	[tilespmem:$0x1C000] =	vst v63  }
0x1ed: {  	s15 =	simm.s32 $0xE000  }
0x1ee: {  	[hbm4b:s14+s2] =	stream.linear.scatter [tilespmem:s15], [sflag:$0x14], $0x2000, $0x38;
	[tilespmem:$0x1C000] =	vst v63  }
0x1ef: {  	_ =	swait.ge [sflag:s8], $0x2000  }
0x1f0: {  	[sflag:s8] =	ssyncset.done $0x0  }
0x1f1: {  	[sflag:s8] =	ssyncadd.s32 $0xFFFFE000  }
0x1f2: {  	_ =	swait.ge [sflag:s9], $0x2000  }
0x1f3: {  	[sflag:s9] =	ssyncset.done $0x0  }
0x1f4: {  	[sflag:s9] =	ssyncadd.s32 $0xFFFFE000  }
0x1f5: {  	_ =	swait.ge [sflag:s10], $0x2000  }
0x1f6: {  	[sflag:s10] =	ssyncset.done $0x0  }
0x1f7: {  	[sflag:s10] =	ssyncadd.s32 $0xFFFFE000  }
0x1f8: {  	_ =	swait.ge [sflag:s11], $0x2000  }
0x1f9: {  	s17 =	sld [smem:$0x7EB]  }
0x1fa: {  	[sflag:s11] =	ssyncset.done $0x0  }
0x1fb: {  	s18 =	sld [smem:$0x7EC];
	[sflag:s11] =	ssyncadd.s32 $0xFFFFE000  }
0x1fc: {  	[tilespmem:s2], [sflag:$0x1] =	stream.linear.gather [hbm4b:s17+s2], $0x2000, $0x38;
	[tilespmem:$0x1C000] =	vst v63  }
0x1fd: {  	s19 =	simm.s32 $0x2000;
	s21 =	sld [smem:$0x7ED]  }
0x1fe: {  	[tilespmem:s19], [sflag:$0x2] =	stream.linear.gather [hbm4b:s18+s2], $0x2000, $0x38;
	[tilespmem:$0x1C000] =	vst v63  }
0x1ff: {  	s22 =	simm.s32 $0x4000;
	s23 =	sld [smem:$0x7EE]  }
0x200: {  	[tilespmem:s22], [sflag:$0x3] =	stream.linear.gather [hbm4b:s21+s2], $0x2000, $0x38;
	[tilespmem:$0x1C000] =	vst v63  }
0x201: {  	s25 =	simm.s32 $0x6000;
	s26 =	sld [smem:$0x7F3]  }
0x202: {  	[tilespmem:s25], [sflag:$0x4] =	stream.linear.gather [hbm4b:s23+s2], $0x2000, $0x38;
	[tilespmem:$0x1C000] =	vst v63  }
0x203: {  	s28 =	simm.s32 $0x18000  }
0x204: {  	[tilespmem:s28], [sflag:$0x19] =	stream.linear.gather [hbm4b:s26+s2], $0x2000, $0x38;
	[tilespmem:$0x1C000] =	vst v63  }
0x205: {  	_ =	swait.ge [sflag:s3], $0x2000  }
0x206: {  	[sflag:s3] =	ssyncset.done $0x0  }
0x207: {  	s29 =	simm.s32 $0x9;
	[sflag:s3] =	ssyncadd.s32 $0xFFFFE000  }
0x208: {  	_ =	swait.ge [sflag:s29], $0x2000  }
0x209: {  	[sflag:s29] =	ssyncset.done $0x0  }
0x20a: {  	s5 =	simm.s32 $0xA;
	[sflag:s29] =	ssyncadd.s32 $0xFFFFE000  }
0x20b: {  	_ =	swait.ge [sflag:s5], $0x2000  }
0x20c: {  	[sflag:s5] =	ssyncset.done $0x0  }
0x20d: {  	s6 =	simm.s32 $0xB;
	[sflag:s5] =	ssyncadd.s32 $0xFFFFE000  }
0x20e: {  	_ =	swait.ge [sflag:s6], $0x2000  }
0x20f: {  	[sflag:s6] =	ssyncset.done $0x0  }
0x210: {  	s12 =	sand.u32 $0x1C00, s2;
	[sflag:s6] =	ssyncadd.s32 $0xFFFFE000;
	s6 =	simm.s32 $0xC  }
0x211: {  	s21 =	simm.s32 $0x0;
	s2 =	sand.u32 $0x380, s2;
	_ =	swait.ge [sflag:s6], $0x2000  }
0x212: {  	s13 =	sand.u32 $0x40, s21;
	s2 =	sor.u32 s2, s12;
	[sflag:s6] =	ssyncset.done $0x0  }
0x213: {  	s2 =	sor.u32 s13, s2;
	[sflag:s6] =	ssyncadd.s32 $0xFFFFE000  }
0x214: {  	v1 =	vld [tilespmem:s2+$0x1A030]  }
0x215: {  	v2 =	vld [tilespmem:s2+$0x1A000]  }
0x216: {  	v3 =	vld [tilespmem:s2+$0x1A010];
	_ =	sdelay $0x1  }
0x217: {  	s14 =	sor.u32 $0x10030, s2;
	v0 =	vld [tilespmem:s2+$0x1A020]  }
0x218: {  	s5 =	sor.u32 $0x10000, s2;
	[tilespmem:s14+$0x0] =	vst.add.f32.msk $0xffff, v1  }
0x219: {  	s25 =	sor.u32 $0x10010, s2;
	[tilespmem:s5+$0x0] =	vst.add.f32.msk $0xffff, v2  }
0x21a: {  	s15 =	sor.u32 $0x12030, s2;
	[tilespmem:s25+$0x0] =	vst.add.f32.msk $0xffff, v3  }
0x21b: {  	s19 =	sor.u32 $0x12000, s2;
	[tilespmem:s15+$0x0] =	vst.add.f32.msk $0xffff, v1  }
0x21c: {  	s26 =	sor.u32 $0x12010, s2;
	[tilespmem:s19+$0x0] =	vst.add.f32.msk $0xffff, v2  }
0x21d: {  	s17 =	sor.u32 $0x14030, s2;
	[tilespmem:s26+$0x0] =	vst.add.f32.msk $0xffff, v3  }
0x21e: {  	s22 =	sor.u32 $0x14000, s2;
	[tilespmem:s17+$0x0] =	vst.add.f32.msk $0xffff, v1  }
0x21f: {  	s28 =	sor.u32 $0x14010, s2;
	[tilespmem:s22+$0x0] =	vst.add.f32.msk $0xffff, v2  }
0x220: {  	s18 =	sor.u32 $0x16030, s2;
	[tilespmem:s28+$0x0] =	vst.add.f32.msk $0xffff, v3  }
0x221: {  	s12 =	simm.s32 $0x200;
	s23 =	sor.u32 $0x16000, s2;
	[tilespmem:s18+$0x0] =	vst.add.f32.msk $0xffff, v1  }
0x222: {  	s13 =	sor.u32 $0x14020, s2;
	s29 =	sor.u32 $0x16010, s2;
	s14 =	sor.u32 $0x12020, s2;
	[tilespmem:s23+$0x0] =	vst.add.f32.msk $0xffff, v2  }
0x223: {  	s15 =	sor.u32 $0x10020, s2;
	s22 =	sor.u32 $0x16020, s2;
	[tilespmem:s29+$0x0] =	vst.add.f32.msk $0xffff, v3;
	s23 =	simm.s32 $0x8  }
.LBB2_12:
0x224: {  	s21 =	sadd.s32 $0x40, s21;
	s2 =	sand.u32 $0x1C00, s12;
	s4 =	sand.u32 $0x380, s23;
	[tilespmem:s15+$0x0] =	vst.add.f32.msk $0xffff, v0  }
0x225: {  	s5 =	sand.u32 $0x40, s21;
	s2 =	sor.u32 s4, s2;
	[tilespmem:s14+$0x0] =	vst.add.f32.msk $0xffff, v0  }
0x226: {  	s2 =	sor.u32 s5, s2;
	[tilespmem:s13+$0x0] =	vst.add.f32.msk $0xffff, v0  }
0x227: {  	s4 =	sor.u32 $0x10000, s2;
	s5 =	sor.u32 $0x12000, s2;
	s6 =	sor.u32 $0x14000, s2;
	v1 =	vld [tilespmem:s2+$0x1A030]  }
0x228: {  	s17 =	sor.u32 $0x16000, s2;
	s18 =	sor.u32 $0x10010, s2;
	s19 =	sor.u32 $0x12010, s2;
	v2 =	vld [tilespmem:s2+$0x1A000]  }
0x229: {  	s25 =	sor.u32 $0x14010, s2;
	s26 =	sor.u32 $0x16010, s2;
	s15 =	sor.u32 $0x10020, s2;
	v3 =	vld [tilespmem:s2+$0x1A010]  }
0x22a: {  	s14 =	sor.u32 $0x12020, s2;
	s13 =	sor.u32 $0x14020, s2;
	s28 =	sor.u32 $0x16020, s2;
	v4 =	vld [tilespmem:s2+$0x1A020]  }
0x22b: {  	p0 =	slt.u32 s21, $0x1FC0;
	s29 =	sor.u32 $0x10030, s2;
	[tilespmem:s22+$0x0] =	vst.add.f32.msk $0xffff, v0;
	s22 =	smov.u32 s28  }
0x22c: {  	s28 =	sor.u32 $0x12030, s2;
	[tilespmem:s29+$0x0] =	vst.add.f32.msk $0xffff, v1  }
0x22d: {  	[tilespmem:s28+$0x0] =	vst.add.f32.msk $0xffff, v1;
	s28 =	sor.u32 $0x14030, s2  }
0x22e: {  	s2 =	sor.u32 $0x16030, s2;
	[tilespmem:s28+$0x0] =	vst.add.f32.msk $0xffff, v1  }
0x22f: {  	[tilespmem:s2+$0x0] =	vst.add.f32.msk $0xffff, v1;
	v0 =	vmov v4  }
0x230: {  	[tilespmem:s4+$0x0] =	vst.add.f32.msk $0xffff, v2  }
0x231: {  	[tilespmem:s5+$0x0] =	vst.add.f32.msk $0xffff, v2  }
0x232: {  	[tilespmem:s6+$0x0] =	vst.add.f32.msk $0xffff, v2  }
.Ltmp5:
0x233: {  	[tilespmem:s17+$0x0] =	vst.add.f32.msk $0xffff, v2;
	(pc) =	sbr.rel @p0 .LBB2_12-.Ltmp5, $4  }
0x234: {  	[tilespmem:s18+$0x0] =	vst.add.f32.msk $0xffff, v3  }
0x235: {  	[tilespmem:s19+$0x0] =	vst.add.f32.msk $0xffff, v3  }
0x236: {  	[tilespmem:s25+$0x0] =	vst.add.f32.msk $0xffff, v3  }
0x237: {  	s23 =	sadd.s32 $0x8, s23;
	s12 =	sadd.s32 $0x200, s12;
	[tilespmem:s26+$0x0] =	vst.add.f32.msk $0xffff, v3  }
0x238: {  	[tilespmem:s15+$0x0] =	vst.add.f32.msk $0xffff, v0  }
0x239: {  	[tilespmem:s14+$0x0] =	vst.add.f32.msk $0xffff, v0  }
0x23a: {  	[tilespmem:s13+$0x0] =	vst.add.f32.msk $0xffff, v0  }
0x23b: {  	[tilespmem:s22+$0x0] =	vst.add.f32.msk $0xffff, v0  }
0x23c: {  	s4 =	sld [smem:$0x7E1];
	_ =	sdelay $0x1  }
0x23d: {  	s2 =	simm.s32 $0x0;
	s5 =	simm.s32 $0x10000  }
0x23e: {  	[hbm4b:s4+s2] =	stream.linear.scatter [tilespmem:s5], [sflag:$0x15], $0x2000, $0x38;
	[tilespmem:$0x1C000] =	vst v63  }
0x23f: {  	s5 =	sld [smem:$0x7E3];
	_ =	sdelay $0x1  }
0x240: {  	s6 =	simm.s32 $0x12000;
	s12 =	sld [smem:$0x7E5]  }
0x241: {  	[hbm4b:s5+s2] =	stream.linear.scatter [tilespmem:s6], [sflag:$0x16], $0x2000, $0x38;
	[tilespmem:$0x1C000] =	vst v63  }
0x242: {  	s13 =	simm.s32 $0x14000;
	s14 =	sld [smem:$0x7E7]  }
0x243: {  	[hbm4b:s12+s2] =	stream.linear.scatter [tilespmem:s13], [sflag:$0x17], $0x2000, $0x38;
	[tilespmem:$0x1C000] =	vst v63  }
0x244: {  	s15 =	simm.s32 $0x16000  }
0x245: {  	[hbm4b:s14+s2] =	stream.linear.scatter [tilespmem:s15], [sflag:$0x18], $0x2000, $0x38;
	[tilespmem:$0x1C000] =	vst v63  }
0x246: {  	_ =	swait.ge [sflag:s16], $0x2000  }
0x247: {  	[sflag:s16] =	ssyncset.done $0x0  }
0x248: {  	[sflag:s16] =	ssyncadd.s32 $0xFFFFE000  }
0x249: {  	_ =	swait.ge [sflag:s30], $0x2000  }
0x24a: {  	[sflag:s30] =	ssyncset.done $0x0  }
0x24b: {  	[sflag:s30] =	ssyncadd.s32 $0xFFFFE000  }
0x24c: {  	_ =	swait.ge [sflag:s31], $0x2000  }
0x24d: {  	[sflag:s31] =	ssyncset.done $0x0  }
0x24e: {  	[sflag:s31] =	ssyncadd.s32 $0xFFFFE000  }
0x24f: {  	_ =	swait.ge [sflag:s0], $0x2000  }
0x250: {  	s17 =	sld [smem:$0x7EF]  }
0x251: {  	[sflag:s0] =	ssyncset.done $0x0  }
0x252: {  	s18 =	simm.s32 $0x8000;
	s19 =	sld [smem:$0x7F0];
	[sflag:s0] =	ssyncadd.s32 $0xFFFFE000  }
0x253: {  	[tilespmem:s18], [sflag:$0x5] =	stream.linear.gather [hbm4b:s17+s2], $0x2000, $0x38;
	[tilespmem:$0x1C000] =	vst v63  }
0x254: {  	s21 =	simm.s32 $0xA000;
	s22 =	sld [smem:$0x7F1]  }
0x255: {  	[tilespmem:s21], [sflag:$0x6] =	stream.linear.gather [hbm4b:s19+s2], $0x2000, $0x38;
	[tilespmem:$0x1C000] =	vst v63  }
0x256: {  	s23 =	simm.s32 $0xC000;
	s25 =	sld [smem:$0x7F2]  }
0x257: {  	[tilespmem:s23], [sflag:$0x7] =	stream.linear.gather [hbm4b:s22+s2], $0x2000, $0x38;
	[tilespmem:$0x1C000] =	vst v63  }
0x258: {  	s26 =	simm.s32 $0xE000;
	s28 =	sld [smem:$0x7F4]  }
0x259: {  	[tilespmem:s26], [sflag:$0x8] =	stream.linear.gather [hbm4b:s25+s2], $0x2000, $0x38;
	[tilespmem:$0x1C000] =	vst v63  }
0x25a: {  	s29 =	simm.s32 $0x1A000  }
0x25b: {  	[tilespmem:s29], [sflag:$0x1A] =	stream.linear.gather [hbm4b:s28+s2], $0x2000, $0x38;
	[tilespmem:$0x1C000] =	vst v63  }
0x25c: {  	_ =	swait.ge [sflag:s24], $0x2000  }
0x25d: {  	[sflag:s24] =	ssyncset.done $0x0  }
0x25e: {  	s5 =	simm.s32 $0x1;
	[sflag:s24] =	ssyncadd.s32 $0xFFFFE000  }
0x25f: {  	_ =	swait.ge [sflag:s5], $0x2000  }
0x260: {  	[sflag:s5] =	ssyncset.done $0x0  }
0x261: {  	s6 =	simm.s32 $0x2;
	[sflag:s5] =	ssyncadd.s32 $0xFFFFE000  }
0x262: {  	_ =	swait.ge [sflag:s6], $0x2000  }
0x263: {  	[sflag:s6] =	ssyncset.done $0x0  }
0x264: {  	s12 =	simm.s32 $0x3;
	[sflag:s6] =	ssyncadd.s32 $0xFFFFE000  }
0x265: {  	_ =	swait.ge [sflag:s12], $0x2000  }
0x266: {  	[sflag:s12] =	ssyncset.done $0x0  }
0x267: {  	s13 =	sand.u32 $0x1C00, s2;
	s6 =	simm.s32 $0x4;
	[sflag:s12] =	ssyncadd.s32 $0xFFFFE000  }
0x268: {  	s21 =	simm.s32 $0x0;
	s2 =	sand.u32 $0x380, s2;
	_ =	swait.ge [sflag:s6], $0x2000  }
0x269: {  	s14 =	sand.u32 $0x40, s21;
	s2 =	sor.u32 s2, s13;
	[sflag:s6] =	ssyncset.done $0x0  }
0x26a: {  	s2 =	sor.u32 s14, s2;
	[sflag:s6] =	ssyncadd.s32 $0xFFFFE000  }
0x26b: {  	v1 =	vld [tilespmem:s2+$0x18030]  }
0x26c: {  	v2 =	vld [tilespmem:s2+$0x18000]  }
0x26d: {  	v3 =	vld [tilespmem:s2+$0x18010];
	_ =	sdelay $0x1  }
0x26e: {  	s15 =	sor.u32 $0x30, s2;
	v0 =	vld [tilespmem:s2+$0x18020]  }
0x26f: {  	[tilespmem:s15+$0x0] =	vst.add.f32.msk $0xffff, v1  }
0x270: {  	s25 =	sor.u32 $0x10, s2;
	[tilespmem:s2+$0x0] =	vst.add.f32.msk $0xffff, v2  }
0x271: {  	s17 =	sor.u32 $0x2030, s2;
	[tilespmem:s25+$0x0] =	vst.add.f32.msk $0xffff, v3  }
0x272: {  	s22 =	sor.u32 $0x2000, s2;
	[tilespmem:s17+$0x0] =	vst.add.f32.msk $0xffff, v1  }
0x273: {  	s26 =	sor.u32 $0x2010, s2;
	[tilespmem:s22+$0x0] =	vst.add.f32.msk $0xffff, v2  }
0x274: {  	s18 =	sor.u32 $0x4030, s2;
	[tilespmem:s26+$0x0] =	vst.add.f32.msk $0xffff, v3  }
0x275: {  	s5 =	sor.u32 $0x4000, s2;
	[tilespmem:s18+$0x0] =	vst.add.f32.msk $0xffff, v1  }
0x276: {  	s28 =	sor.u32 $0x4010, s2;
	[tilespmem:s5+$0x0] =	vst.add.f32.msk $0xffff, v2  }
0x277: {  	s19 =	sor.u32 $0x6030, s2;
	[tilespmem:s28+$0x0] =	vst.add.f32.msk $0xffff, v3  }
0x278: {  	s23 =	sor.u32 $0x6000, s2;
	s29 =	sor.u32 $0x6010, s2;
	[tilespmem:s19+$0x0] =	vst.add.f32.msk $0xffff, v1  }
0x279: {  	s13 =	sor.u32 $0x2020, s2;
	s14 =	sor.u32 $0x4020, s2;
	s12 =	simm.s32 $0x8;
	[tilespmem:s23+$0x0] =	vst.add.f32.msk $0xffff, v2  }
0x27a: {  	s15 =	sor.u32 $0x20, s2;
	s22 =	sor.u32 $0x6020, s2;
	[tilespmem:s29+$0x0] =	vst.add.f32.msk $0xffff, v3;
	s23 =	simm.s32 $0x200  }
.LBB2_14:
0x27b: {  	s21 =	sadd.s32 $0x40, s21;
	s2 =	sand.u32 $0x1C00, s23;
	s4 =	sand.u32 $0x380, s12;
	[tilespmem:s15+$0x0] =	vst.add.f32.msk $0xffff, v0  }
0x27c: {  	s5 =	sand.u32 $0x40, s21;
	s2 =	sor.u32 s4, s2;
	[tilespmem:s13+$0x0] =	vst.add.f32.msk $0xffff, v0  }
0x27d: {  	s2 =	sor.u32 s5, s2;
	[tilespmem:s14+$0x0] =	vst.add.f32.msk $0xffff, v0  }
0x27e: {  	s4 =	sor.u32 $0x2000, s2;
	s5 =	sor.u32 $0x4000, s2;
	s6 =	sor.u32 $0x6000, s2;
	v1 =	vld [tilespmem:s2+$0x18030]  }
0x27f: {  	s17 =	sor.u32 $0x10, s2;
	s18 =	sor.u32 $0x2010, s2;
	s19 =	sor.u32 $0x4010, s2;
	v2 =	vld [tilespmem:s2+$0x18000]  }
0x280: {  	s25 =	sor.u32 $0x6010, s2;
	s15 =	sor.u32 $0x20, s2;
	s13 =	sor.u32 $0x2020, s2;
	v3 =	vld [tilespmem:s2+$0x18010]  }
0x281: {  	p0 =	slt.u32 s21, $0x1FC0;
	s14 =	sor.u32 $0x4020, s2;
	s26 =	sor.u32 $0x6020, s2;
	v4 =	vld [tilespmem:s2+$0x18020]  }
0x282: {  	s28 =	sor.u32 $0x30, s2;
	[tilespmem:s22+$0x0] =	vst.add.f32.msk $0xffff, v0;
	s22 =	smov.u32 s26  }
0x283: {  	s26 =	sor.u32 $0x2030, s2;
	[tilespmem:s28+$0x0] =	vst.add.f32.msk $0xffff, v1  }
0x284: {  	[tilespmem:s26+$0x0] =	vst.add.f32.msk $0xffff, v1;
	s26 =	sor.u32 $0x4030, s2  }
0x285: {  	[tilespmem:s26+$0x0] =	vst.add.f32.msk $0xffff, v1;
	s26 =	sor.u32 $0x6030, s2  }
0x286: {  	[tilespmem:s26+$0x0] =	vst.add.f32.msk $0xffff, v1;
	v0 =	vmov v4  }
0x287: {  	[tilespmem:s2+$0x0] =	vst.add.f32.msk $0xffff, v2  }
0x288: {  	[tilespmem:s4+$0x0] =	vst.add.f32.msk $0xffff, v2  }
0x289: {  	[tilespmem:s5+$0x0] =	vst.add.f32.msk $0xffff, v2  }
.Ltmp6:
0x28a: {  	[tilespmem:s6+$0x0] =	vst.add.f32.msk $0xffff, v2;
	(pc) =	sbr.rel @p0 .LBB2_14-.Ltmp6, $4  }
0x28b: {  	[tilespmem:s17+$0x0] =	vst.add.f32.msk $0xffff, v3  }
0x28c: {  	[tilespmem:s18+$0x0] =	vst.add.f32.msk $0xffff, v3  }
0x28d: {  	[tilespmem:s19+$0x0] =	vst.add.f32.msk $0xffff, v3  }
0x28e: {  	s12 =	sadd.s32 $0x8, s12;
	s23 =	sadd.s32 $0x200, s23;
	[tilespmem:s25+$0x0] =	vst.add.f32.msk $0xffff, v3  }
0x28f: {  	[tilespmem:s15+$0x0] =	vst.add.f32.msk $0xffff, v0  }
0x290: {  	[tilespmem:s13+$0x0] =	vst.add.f32.msk $0xffff, v0  }
0x291: {  	[tilespmem:s14+$0x0] =	vst.add.f32.msk $0xffff, v0  }
0x292: {  	[tilespmem:s22+$0x0] =	vst.add.f32.msk $0xffff, v0  }
0x293: {  	s4 =	sld [smem:$0x7F5];
	_ =	sdelay $0x1  }
0x294: {  	s2 =	simm.s32 $0x0;
	s23 =	sld [smem:$0x7F6]  }
0x295: {  	[hbm4b:s4+s2] =	stream.linear.scatter [tilespmem:s2], [sflag:$0xD], $0x2000, $0x38;
	[tilespmem:$0x1C000] =	vst v63  }
0x296: {  	s5 =	simm.s32 $0x2000;
	s25 =	sld [smem:$0x7F7]  }
0x297: {  	[hbm4b:s23+s2] =	stream.linear.scatter [tilespmem:s5], [sflag:$0xE], $0x2000, $0x38;
	[tilespmem:$0x1C000] =	vst v63  }
0x298: {  	s26 =	simm.s32 $0x4000;
	s28 =	sld [smem:$0x7F8]  }
0x299: {  	[hbm4b:s25+s2] =	stream.linear.scatter [tilespmem:s26], [sflag:$0xF], $0x2000, $0x38;
	[tilespmem:$0x1C000] =	vst v63  }
0x29a: {  	s29 =	simm.s32 $0x6000  }
0x29b: {  	[hbm4b:s28+s2] =	stream.linear.scatter [tilespmem:s29], [sflag:$0x10], $0x2000, $0x38;
	[tilespmem:$0x1C000] =	vst v63  }
0x29c: {  	_ =	swait.ge [sflag:s3], $0x2000  }
0x29d: {  	[sflag:s3] =	ssyncset.done $0x0  }
0x29e: {  	s5 =	simm.s32 $0x5;
	[sflag:s3] =	ssyncadd.s32 $0xFFFFE000  }
0x29f: {  	_ =	swait.ge [sflag:s5], $0x2000  }
0x2a0: {  	[sflag:s5] =	ssyncset.done $0x0  }
0x2a1: {  	s6 =	simm.s32 $0x6;
	[sflag:s5] =	ssyncadd.s32 $0xFFFFE000  }
0x2a2: {  	_ =	swait.ge [sflag:s6], $0x2000  }
0x2a3: {  	[sflag:s6] =	ssyncset.done $0x0  }
0x2a4: {  	s12 =	simm.s32 $0x7;
	[sflag:s6] =	ssyncadd.s32 $0xFFFFE000  }
0x2a5: {  	_ =	swait.ge [sflag:s12], $0x2000  }
0x2a6: {  	[sflag:s12] =	ssyncset.done $0x0  }
0x2a7: {  	s21 =	simm.s32 $0x0;
	[sflag:s12] =	ssyncadd.s32 $0xFFFFE000  }
0x2a8: {  	s13 =	sand.u32 $0x1C00, s2;
	s2 =	sand.u32 $0x380, s2;
	_ =	swait.ge [sflag:s7], $0x2000  }
0x2a9: {  	s14 =	sand.u32 $0x40, s21;
	s2 =	sor.u32 s2, s13;
	[sflag:s7] =	ssyncset.done $0x0  }
0x2aa: {  	s2 =	sor.u32 s14, s2;
	[sflag:s7] =	ssyncadd.s32 $0xFFFFE000  }
0x2ab: {  	v1 =	vld [tilespmem:s2+$0x1A030]  }
0x2ac: {  	v2 =	vld [tilespmem:s2+$0x1A000]  }
0x2ad: {  	v3 =	vld [tilespmem:s2+$0x1A010];
	_ =	sdelay $0x1  }
0x2ae: {  	s15 =	sor.u32 $0x8030, s2;
	v0 =	vld [tilespmem:s2+$0x1A020]  }
0x2af: {  	s5 =	sor.u32 $0x8000, s2;
	[tilespmem:s15+$0x0] =	vst.add.f32.msk $0xffff, v1  }
0x2b0: {  	s26 =	sor.u32 $0x8010, s2;
	[tilespmem:s5+$0x0] =	vst.add.f32.msk $0xffff, v2  }
0x2b1: {  	s17 =	sor.u32 $0xA030, s2;
	[tilespmem:s26+$0x0] =	vst.add.f32.msk $0xffff, v3  }
0x2b2: {  	s22 =	sor.u32 $0xA000, s2;
	[tilespmem:s17+$0x0] =	vst.add.f32.msk $0xffff, v1  }
0x2b3: {  	s28 =	sor.u32 $0xA010, s2;
	[tilespmem:s22+$0x0] =	vst.add.f32.msk $0xffff, v2  }
0x2b4: {  	s18 =	sor.u32 $0xC030, s2;
	[tilespmem:s28+$0x0] =	vst.add.f32.msk $0xffff, v3  }
0x2b5: {  	s23 =	sor.u32 $0xC000, s2;
	[tilespmem:s18+$0x0] =	vst.add.f32.msk $0xffff, v1  }
0x2b6: {  	s29 =	sor.u32 $0xC010, s2;
	[tilespmem:s23+$0x0] =	vst.add.f32.msk $0xffff, v2  }
0x2b7: {  	s19 =	sor.u32 $0xE030, s2;
	[tilespmem:s29+$0x0] =	vst.add.f32.msk $0xffff, v3  }
0x2b8: {  	s25 =	sor.u32 $0xE000, s2;
	s14 =	sor.u32 $0xA020, s2;
	[tilespmem:s19+$0x0] =	vst.add.f32.msk $0xffff, v1  }
0x2b9: {  	s13 =	sor.u32 $0xC020, s2;
	s6 =	sor.u32 $0xE010, s2;
	s12 =	simm.s32 $0x200;
	[tilespmem:s25+$0x0] =	vst.add.f32.msk $0xffff, v2  }
0x2ba: {  	s15 =	sor.u32 $0x8020, s2;
	s22 =	sor.u32 $0xE020, s2;
	s23 =	simm.s32 $0x8;
	[tilespmem:s6+$0x0] =	vst.add.f32.msk $0xffff, v3  }
.LBB2_16:
0x2bb: {  	s21 =	sadd.s32 $0x40, s21;
	s2 =	sand.u32 $0x1C00, s12;
	s4 =	sand.u32 $0x380, s23;
	[tilespmem:s15+$0x0] =	vst.add.f32.msk $0xffff, v0  }
0x2bc: {  	s5 =	sand.u32 $0x40, s21;
	s2 =	sor.u32 s4, s2;
	[tilespmem:s14+$0x0] =	vst.add.f32.msk $0xffff, v0  }
0x2bd: {  	s2 =	sor.u32 s5, s2;
	[tilespmem:s13+$0x0] =	vst.add.f32.msk $0xffff, v0  }
0x2be: {  	s4 =	sor.u32 $0x8000, s2;
	s5 =	sor.u32 $0xA000, s2;
	s6 =	sor.u32 $0xC000, s2;
	v1 =	vld [tilespmem:s2+$0x1A030]  }
0x2bf: {  	s17 =	sor.u32 $0xE000, s2;
	s18 =	sor.u32 $0x8010, s2;
	s19 =	sor.u32 $0xA010, s2;
	v2 =	vld [tilespmem:s2+$0x1A000]  }
0x2c0: {  	s25 =	sor.u32 $0xC010, s2;
	s26 =	sor.u32 $0xE010, s2;
	s15 =	sor.u32 $0x8020, s2;
	v3 =	vld [tilespmem:s2+$0x1A010]  }
0x2c1: {  	s14 =	sor.u32 $0xA020, s2;
	s13 =	sor.u32 $0xC020, s2;
	s28 =	sor.u32 $0xE020, s2;
	v4 =	vld [tilespmem:s2+$0x1A020]  }
0x2c2: {  	p0 =	slt.u32 s21, $0x1FC0;
	s29 =	sor.u32 $0x8030, s2;
	[tilespmem:s22+$0x0] =	vst.add.f32.msk $0xffff, v0;
	s22 =	smov.u32 s28  }
0x2c3: {  	s28 =	sor.u32 $0xA030, s2;
	[tilespmem:s29+$0x0] =	vst.add.f32.msk $0xffff, v1  }
0x2c4: {  	[tilespmem:s28+$0x0] =	vst.add.f32.msk $0xffff, v1;
	s28 =	sor.u32 $0xC030, s2  }
0x2c5: {  	s2 =	sor.u32 $0xE030, s2;
	[tilespmem:s28+$0x0] =	vst.add.f32.msk $0xffff, v1  }
0x2c6: {  	[tilespmem:s2+$0x0] =	vst.add.f32.msk $0xffff, v1;
	v0 =	vmov v4  }
0x2c7: {  	[tilespmem:s4+$0x0] =	vst.add.f32.msk $0xffff, v2  }
0x2c8: {  	[tilespmem:s5+$0x0] =	vst.add.f32.msk $0xffff, v2  }
0x2c9: {  	[tilespmem:s6+$0x0] =	vst.add.f32.msk $0xffff, v2  }
.Ltmp7:
0x2ca: {  	[tilespmem:s17+$0x0] =	vst.add.f32.msk $0xffff, v2;
	(pc) =	sbr.rel @p0 .LBB2_16-.Ltmp7, $4  }
0x2cb: {  	[tilespmem:s18+$0x0] =	vst.add.f32.msk $0xffff, v3  }
0x2cc: {  	[tilespmem:s19+$0x0] =	vst.add.f32.msk $0xffff, v3  }
0x2cd: {  	[tilespmem:s25+$0x0] =	vst.add.f32.msk $0xffff, v3  }
0x2ce: {  	s23 =	sadd.s32 $0x8, s23;
	s12 =	sadd.s32 $0x200, s12;
	[tilespmem:s26+$0x0] =	vst.add.f32.msk $0xffff, v3  }
0x2cf: {  	[tilespmem:s15+$0x0] =	vst.add.f32.msk $0xffff, v0  }
0x2d0: {  	[tilespmem:s14+$0x0] =	vst.add.f32.msk $0xffff, v0  }
0x2d1: {  	[tilespmem:s13+$0x0] =	vst.add.f32.msk $0xffff, v0  }
0x2d2: {  	[tilespmem:s22+$0x0] =	vst.add.f32.msk $0xffff, v0  }
0x2d3: {  	s2 =	sld [smem:$0x7F9];
	_ =	sdelay $0x1  }
0x2d4: {  	s5 =	simm.s32 $0x8000;
	s19 =	sld [smem:$0x7FA]  }
0x2d5: {  	[hbm4b:s2+s1] =	stream.linear.scatter [tilespmem:s5], [sflag:$0x11], $0x2000, $0x38;
	[tilespmem:$0x1C000] =	vst v63  }
0x2d6: {  	s6 =	simm.s32 $0xA000;
	s21 =	sld [smem:$0x7FB]  }
0x2d7: {  	[hbm4b:s19+s1] =	stream.linear.scatter [tilespmem:s6], [sflag:$0x12], $0x2000, $0x38;
	[tilespmem:$0x1C000] =	vst v63  }
0x2d8: {  	s12 =	simm.s32 $0xC000;
	s22 =	sld [smem:$0x7FC]  }
0x2d9: {  	[hbm4b:s21+s1] =	stream.linear.scatter [tilespmem:s12], [sflag:$0x13], $0x2000, $0x38;
	[tilespmem:$0x1C000] =	vst v63  }
0x2da: {  	s23 =	simm.s32 $0x15;
	s13 =	simm.s32 $0xE000  }
0x2db: {  	[hbm4b:s22+s1] =	stream.linear.scatter [tilespmem:s13], [sflag:$0x14], $0x2000, $0x38;
	[tilespmem:$0x1C000] =	vst v63  }
0x2dc: {  	_ =	swait.ge [sflag:s23], $0x2000  }
0x2dd: {  	[sflag:s23] =	ssyncset.done $0x0  }
0x2de: {  	s25 =	simm.s32 $0x16;
	[sflag:s23] =	ssyncadd.s32 $0xFFFFE000  }
0x2df: {  	_ =	swait.ge [sflag:s25], $0x2000  }
0x2e0: {  	[sflag:s25] =	ssyncset.done $0x0  }
0x2e1: {  	s26 =	simm.s32 $0x17;
	[sflag:s25] =	ssyncadd.s32 $0xFFFFE000  }
0x2e2: {  	_ =	swait.ge [sflag:s26], $0x2000  }
0x2e3: {  	[sflag:s26] =	ssyncset.done $0x0  }
0x2e4: {  	s28 =	simm.s32 $0x18;
	[sflag:s26] =	ssyncadd.s32 $0xFFFFE000  }
0x2e5: {  	_ =	swait.ge [sflag:s28], $0x2000  }
0x2e6: {  	[sflag:s28] =	ssyncset.done $0x0  }
0x2e7: {  	[sflag:s28] =	ssyncadd.s32 $0xFFFFE000  }
0x2e8: {  	_ =	swait.ge [sflag:s8], $0x2000  }
0x2e9: {  	[sflag:s8] =	ssyncset.done $0x0  }
0x2ea: {  	[sflag:s8] =	ssyncadd.s32 $0xFFFFE000  }
0x2eb: {  	_ =	swait.ge [sflag:s9], $0x2000  }
0x2ec: {  	[sflag:s9] =	ssyncset.done $0x0  }
0x2ed: {  	[sflag:s9] =	ssyncadd.s32 $0xFFFFE000  }
0x2ee: {  	_ =	swait.ge [sflag:s10], $0x2000  }
0x2ef: {  	[sflag:s10] =	ssyncset.done $0x0  }
0x2f0: {  	[sflag:s10] =	ssyncadd.s32 $0xFFFFE000  }
0x2f1: {  	_ =	swait.ge [sflag:s11], $0x2000  }
0x2f2: {  	[sflag:s11] =	ssyncset.done $0x0  }
0x2f3: {  	[sflag:s11] =	ssyncadd.s32 $0xFFFFE000  }
0x2f4: {  	_ =	swait.ge [sflag:s16], $0x2000  }
0x2f5: {  	[sflag:s16] =	ssyncset.done $0x0  }
0x2f6: {  	[sflag:s16] =	ssyncadd.s32 $0xFFFFE000  }
0x2f7: {  	_ =	swait.ge [sflag:s30], $0x2000  }
0x2f8: {  	[sflag:s30] =	ssyncset.done $0x0  }
0x2f9: {  	[sflag:s30] =	ssyncadd.s32 $0xFFFFE000  }
0x2fa: {  	_ =	swait.ge [sflag:s31], $0x2000  }
0x2fb: {  	[sflag:s31] =	ssyncset.done $0x0  }
0x2fc: {  	[sflag:s31] =	ssyncadd.s32 $0xFFFFE000  }
0x2fd: {  	_ =	swait.ge [sflag:s0], $0x2000  }
0x2fe: {  	s29 =	sld [smem:$0x7FD];
	_ =	sdelay $0x1  }
0x2ff: {  	s20 =	sadd.s32 $0x1, s20  }
0x300: {  	p0 =	sne.s32 s20, s29  }
.Ltmp8:
0x301: {  	_ = 	snop;
	(pc) =	sbr.rel @p0 .LBB2_1-.Ltmp8, $3  }
0x302: {  	_ =	sdelay $0x1  }
0x303: {  	[sflag:s0] =	ssyncset.done $0x0  }
0x304: {  	[sflag:s0] =	ssyncadd.s32 $0xFFFFE000  }
0x305: {  	_ =	sfence.sel $0x180000  }
0x306: {  	[bflag:$0x0] =	sbarrier.arrive $0xFFFF  }
0x307: {  	_ =	strace $0x90000047  }
0x308: {  	s0 =	stileid.u32;
	[bflag:$0x2] =	sbarrier.arrive $0xFFFF  }
0x309: {  	p0 =	sne.s32 s0, $0x0;
	s0 =	rddreg [dreg:$0x3]  }
0x30a: {  	s0 =	sadd.s32 @!p0 $0x100000, s0  }
0x30b: {  	[sflag:s0] =	ssyncadd.tile.s32 @!p0 $0x1;
	_ =	shalt  }
.Lfunc_end2:
_tile_overlayer_lowered:
.L_overlay_start_2:
0x30c: {  	(tag) =	ssettag $0x2  }
0x30d: {  	s0 =	rddreg [dreg:$0x0];
	s2 =	stileid.u32  }
0x30e: {  	s1 =	rddreg [dreg:$0x1];
	p0 =	sne.s32 s2, $0x0  }
0x30f: {  	s3 =	rddreg [dreg:$0x2];
	[bflag:$0x3] =	sbarrier.arrive $0xFFFF;
	s2 =	simm.s32 @!p0 $0x1C1B  }
0x310: {  	[timem:s3], [sflag:s2] =	dma.local @!p0 [hbm:s0], s1  }
0x311: {  	s0 =	simm.s32 @!p0 $0x1B  }
0x312: {  	_ =	swait.ge @!p0 [sflag:s0], s1  }
0x313: {  	s1 =	ssub.s32 @!p0 $0x0, s1;
	[sflag:s0] =	ssyncset.done @!p0 $0x0  }
0x314: {  	[sflag:s0] =	ssyncadd.s32 @!p0 s1  }
0x315: {  	[bflag:$0x3] =	sbarrier.arrive $0xFFFF  }
0x316: {  	_ =	shalt  }

</sc_bundles>
